<compile_context>
chip_gen: v7x
topology: tpu7x:2x2x1
jax: 0.10.2.dev20260603
libtpu: 0.0.44.dev20260713+nightly
codegen_flags: <defaults>
</compile_context>

<pallas_src>
import functools
import jax
import jax.numpy as jnp
from jax import lax
from jax.experimental import pallas as pl
from jax.experimental.pallas import tpu as pltpu, tpu_sc as plsc

N = 10000
E = 20000
DIM = 128
NP = 10240
EC = 64
NCHUNK = 20
EP = 16 * NCHUNK * EC
NEG = -1.0e30


def _sc_body(pr, srcp, dstp, eap, wab, maskf, xc_out,
             acc, src_v, dst_v, ea_v, prow, msg, mb_s, mb_d,
             wab_v, accv, prv, outv, sem):
    core = lax.axis_index("c")
    wid = lax.axis_index("s")
    def splat(ref, i):
        return jnp.full((16,), ref[pl.ds(i, 16)][0])

    def splat2(ref, r, c):
        return jnp.full((16,), ref[r, pl.ds(c, 16)][0])

    def vload(ref, r, c0):
        return ref[r, pl.ds(c0, 16)]

    def vstore(ref, r, c0, val):
        ref[r, pl.ds(c0, 16)] = val

    @pl.when(core == 0)
    def _():
        def zrow(i, _):
            for g in range(5):
                vstore(accv, i, g * 16, jnp.zeros((16,), jnp.float32))
            return 0
        lax.fori_loop(0, 32, zrow, 0)

        def zcp(cc, _):
            pltpu.sync_copy(accv, acc.at[pl.ds(wid * 640 + cc * 32, 32)])
            return 0
        lax.fori_loop(0, 20, zcp, 0)

    plsc.subcore_barrier()

    @pl.when(core == 0)
    def _():
        pltpu.sync_copy(wab, wab_v)

        def chunk(ci, _):
            off = (wid * NCHUNK + ci) * EC
            pltpu.sync_copy(srcp.at[pl.ds(off, EC)], src_v)
            pltpu.sync_copy(dstp.at[pl.ds(off, EC)], dst_v)
            pltpu.sync_copy(eap.at[pl.ds(off, EC)], ea_v.at[pl.ds(0, EC)])
            c1 = pltpu.async_copy(pr.at[src_v], prow, sem)
            c2 = pltpu.async_copy(maskf.at[src_v], mb_s, sem)
            c3 = pltpu.async_copy(maskf.at[dst_v], mb_d, sem)
            c1.wait()
            c2.wait()
            c3.wait()

            def edge(j, _):
                a = splat(ea_v, j)
                vf = splat2(mb_s, j, 0) * splat2(mb_d, j, 0)
                gc = [jnp.maximum(a * splat(wab_v, c) + splat(wab_v, 4 + c),
                                  0.0) * vf
                      for c in range(4)]
                for g in range(4):
                    accg = vf * vload(prow, j, 4 * 64 + g * 16)
                    for c in range(4):
                        accg = accg + gc[c] * vload(prow, j, c * 64 + g * 16)
                    vstore(msg, j, g * 16, accg)
                onehot0 = wab_v[pl.ds(16, 16)]
                vstore(msg, j, 64, vf * onehot0)
                return 0
            lax.fori_loop(0, EC, edge, 0)
            pltpu.sync_copy(msg, acc.at[dst_v], add=True)
            return 0
        lax.fori_loop(0, NCHUNK, chunk, 0)

    plsc.subcore_barrier()

    @pl.when(core == 0)
    def _():
        def rchunk(cc, _):
            r0 = wid * 640 + cc * 32
            pltpu.sync_copy(acc.at[pl.ds(r0, 32)], accv)
            pltpu.sync_copy(pr.at[pl.ds(r0, 32)], prv)

            def row(i, _):
                cnt = splat2(accv, i, 64)
                denom = jnp.maximum(cnt, 1.0)
                for g in range(4):
                    sg = vload(accv, i, g * 16)
                    rg = vload(prv, i, 320 + g * 16)
                    xcg = jnp.maximum(sg / denom + rg, 0.0)
                    vstore(outv, i, g * 16, xcg)
                return 0
            lax.fori_loop(0, 32, row, 0)
            pltpu.sync_copy(outv, xc_out.at[pl.ds(r0, 32)])
            return 0
        lax.fori_loop(0, 20, rchunk, 0)


def _sc_call(pr, srcp, dstp, eap, wab, maskf):
    f32 = jnp.float32
    mesh = plsc.VectorSubcoreMesh(core_axis_name="c", subcore_axis_name="s")
    k = pl.kernel(
        _sc_body,
        out_type=jax.ShapeDtypeStruct((NP, 64), f32),
        mesh=mesh,
        scratch_types=[
            pltpu.VMEM_SHARED((NP, 80), f32),
            pltpu.VMEM((EC,), jnp.int32),
            pltpu.VMEM((EC,), jnp.int32),
            pltpu.VMEM((EC + 16,), f32),
            pltpu.VMEM((EC, 384), f32),
            pltpu.VMEM((EC, 80), f32),
            pltpu.VMEM((EC, 128), f32),
            pltpu.VMEM((EC, 128), f32),
            pltpu.VMEM((32,), f32),
            pltpu.VMEM((32, 80), f32),
            pltpu.VMEM((32, 384), f32),
            pltpu.VMEM((32, 64), f32),
            pltpu.SemaphoreType.DMA,
        ],
    )
    return k(pr, srcp, dstp, eap, wab, maskf)


def _mm_body(xb, wb, ob):
    ob[...] = jnp.dot(xb[...], wb[...], preferred_element_type=jnp.float32)


def _mm_call(xaug, waug):
    K = xaug.shape[1]
    return pl.pallas_call(
        _mm_body,
        grid=(16,),
        in_specs=[pl.BlockSpec((640, K), lambda i: (i, 0)),
                  pl.BlockSpec((K, 384), lambda i: (0, 0))],
        out_specs=pl.BlockSpec((640, 384), lambda i: (i, 0)),
        out_shape=jax.ShapeDtypeStruct((NP, 384), jnp.float32),
    )(xaug, waug)


def _key(score):
    b = lax.bitcast_convert_type(score, jnp.int32)
    return b ^ (lax.shift_right_arithmetic(b, 31) & jnp.int32(0x7FFFFFFF))


def _bisect_body(k64, xcref, mfref, pwref, oref):
    s = jnp.dot(xcref[...], pwref[...], preferred_element_type=jnp.float32)
    m = mfref[...][:, 0:1]
    key = _key(s * m - (1.0 - m) * 1.0e30)

    def it(_, carry):
        lo, hi = carry
        mid = (lo >> 1) + (hi >> 1) + (lo & hi & 1)
        cnt = jnp.sum((key > mid).astype(jnp.int32))
        big = cnt >= k64
        return (jnp.where(big, mid, lo), jnp.where(big, hi, mid))

    lo0 = jnp.int32(-2147483647 - 1)
    hi0 = jnp.int32(2147483647)
    _, hi = lax.fori_loop(0, 32, it, (lo0, hi0))
    oref[...] = jnp.full((8, 128), hi, jnp.int32)


def _bisect_call(xc, mf, pwp, k):
    return pl.pallas_call(
        functools.partial(_bisect_body, int(k) * 128),
        out_shape=jax.ShapeDtypeStruct((8, 128), jnp.int32),
    )(xc, mf, pwp)


def _mask_body(xcb, mpb, pwb, vkb, xpb, mfb, mxb, smb):
    vk = vkb[0, 0]
    s = jnp.dot(xcb[...], pwb[...], preferred_element_type=jnp.float32)
    mprev = mpb[...][:, 0:1]
    sm = s * mprev - (1.0 - mprev) * 1.0e30
    maskfull = _key(sm) >= vk
    maskb = maskfull[:, 0:64]
    mf = maskb.astype(jnp.float32)
    xp = xcb[...] * jnp.tanh(sm[:, 0:64])
    xpm = xp * mf
    xpb[...] = xpm
    mfb[...] = maskfull.astype(jnp.float32)
    mxb[0, 0, :] = jnp.max(jnp.where(maskb, xp, NEG), axis=0)
    smb[0, 0, :] = jnp.sum(xpm, axis=0)


def _mask_call(xc, mfprev, pwp, vk):
    f32 = jnp.float32
    return pl.pallas_call(
        _mask_body,
        grid=(16,),
        in_specs=[pl.BlockSpec((640, 64), lambda i: (i, 0)),
                  pl.BlockSpec((640, 128), lambda i: (i, 0)),
                  pl.BlockSpec((64, 128), lambda i: (0, 0)),
                  pl.BlockSpec((8, 128), lambda i: (0, 0))],
        out_specs=[pl.BlockSpec((640, 64), lambda i: (i, 0)),
                   pl.BlockSpec((640, 128), lambda i: (i, 0)),
                   pl.BlockSpec((1, 1, 64), lambda i: (i, 0, 0)),
                   pl.BlockSpec((1, 1, 64), lambda i: (i, 0, 0))],
        out_shape=[jax.ShapeDtypeStruct((NP, 64), f32),
                   jax.ShapeDtypeStruct((NP, 128), f32),
                   jax.ShapeDtypeStruct((16, 1, 64), f32),
                   jax.ShapeDtypeStruct((16, 1, 64), f32)],
    )(xc, mfprev, pwp, vk)


def _head_body(k1, k2, mp1, sp1, mp2, sp2, w1, b1, w2, b2, w3, b3, oref):
    m1 = jnp.max(mp1[...], axis=(0, 1))[None, :]
    s1 = (jnp.sum(sp1[...], axis=(0, 1)) / k1)[None, :]
    m2 = jnp.max(mp2[...], axis=(0, 1))[None, :]
    s2 = (jnp.sum(sp2[...], axis=(0, 1)) / k2)[None, :]
    w = w1[...]
    h = m1 @ w[0:64] + s1 @ w[64:128] + m2 @ w[128:192] + s2 @ w[192:256]
    h = jnp.maximum(h + b1[0:1, :], 0.0)
    h2 = jnp.maximum(h @ w2[...] + b2[0:1, :], 0.0)
    lg = h2 @ w3[...] + b3[0:1, :]
    col = lax.broadcasted_iota(jnp.int32, (1, 128), 1)
    lgm = jnp.where(col < 2, lg, NEG)
    mx = jnp.max(lgm, axis=-1, keepdims=True)
    lse = mx + jnp.log(jnp.sum(jnp.exp(lgm - mx), axis=-1, keepdims=True))
    oref[...] = jnp.zeros((8, 128), jnp.float32)
    oref[0:1, :] = lgm - lse


def _head_call(k1, k2, mp1, sp1, mp2, sp2, w1, b1, w2, b2, w3, b3):
    return pl.pallas_call(
        functools.partial(_head_body, float(k1), float(k2)),
        out_shape=jax.ShapeDtypeStruct((8, 128), jnp.float32),
    )(mp1, sp1, mp2, sp2, w1, b1, w2, b2, w3, b3)


def kernel(x, edge_index, edge_attr, batch, W1a, b1a, W1b, b1b, root1, bias1,
           pw1, W2a, b2a, W2b, b2b, root2, bias2, pw2,
           fc1W, fc1b, fc2W, fc2b, fc3W, fc3b):
    f32 = jnp.float32
    k1 = (N + 1) // 2
    k2 = (k1 + 1) // 2
    src = edge_index[0]
    dst = edge_index[1]

    pad_e = EP - E
    srcp = jnp.concatenate([src, jnp.zeros((pad_e,), jnp.int32)])
    dstp = jnp.concatenate([dst, jnp.full((pad_e,), NP - 1, jnp.int32)])
    eap = jnp.concatenate([edge_attr[:, 0], jnp.zeros((pad_e,), f32)])

    xpad = jnp.concatenate([x, jnp.zeros((NP - N, DIM), f32)], axis=0)
    ones_col = jnp.ones((NP, 1), f32)

    def build_w(Wb, bb, root, bias, din):
        mats = [Wb[c].reshape(din, 64) for c in range(4)] + \
               [bb.reshape(din, 64), root]
        wfull = jnp.concatenate(mats, axis=1)
        brow = jnp.concatenate([jnp.zeros((1, 320), f32), bias[None, :]],
                               axis=1)
        return jnp.concatenate([wfull, brow], axis=0)

    waug1 = build_w(W1b, b1b, root1, bias1, DIM)
    waug2 = build_w(W2b, b2b, root2, bias2, 64)
    onehot = (jnp.arange(16) == 0).astype(f32)
    wab1 = jnp.concatenate([W1a[0], b1a, jnp.zeros((8,), f32), onehot])
    wab2 = jnp.concatenate([W2a[0], b2a, jnp.zeros((8,), f32), onehot])
    pw1p = jnp.tile((pw1 / jnp.linalg.norm(pw1))[:, None], (1, 128))
    pw2p = jnp.tile((pw2 / jnp.linalg.norm(pw2))[:, None], (1, 128))

    mask0 = (jnp.arange(NP) < N).astype(f32)[:, None] * jnp.ones((1, 128),
                                                                  f32)

    pr1 = _mm_call(jnp.concatenate([xpad, ones_col], axis=1), waug1)
    xc1 = _sc_call(pr1, srcp, dstp, eap, wab1, mask0)
    vk1 = _bisect_call(xc1, mask0, pw1p, k1)
    xp1m, mask1, mp1, sp1 = _mask_call(xc1, mask0, pw1p, vk1)

    pr2 = _mm_call(jnp.concatenate([xp1m, ones_col], axis=1), waug2)
    xc2 = _sc_call(pr2, srcp, dstp, eap, wab2, mask1)
    vk2 = _bisect_call(xc2, mask1, pw2p, k2)
    _, _, mp2, sp2 = _mask_call(xc2, mask1, pw2p, vk2)

    fc2Wp = jnp.concatenate([fc2W, jnp.zeros((64, 120), f32)], axis=1)
    fc3Wp = jnp.concatenate(
        [jnp.concatenate([fc3W, jnp.zeros((8, 126), f32)], axis=1),
         jnp.zeros((120, 128), f32)], axis=0)
    b1t = jnp.tile(fc1b[None, :], (8, 1))
    b2t = jnp.tile(jnp.concatenate([fc2b, jnp.zeros((120,), f32)])[None, :],
                   (8, 1))
    b3t = jnp.tile(jnp.concatenate([fc3b, jnp.zeros((126,), f32)])[None, :],
                   (8, 1))
    out = _head_call(k1, k2, mp1, sp1, mp2, sp2,
                     fc1W, b1t, fc2Wp, b2t, fc3Wp, b3t)
    return out[0:1, 0:2]

# --- scband reference (transcript-rebuilt; emitter-appended) ---
"""Pipeline reference for scband-net-10393820857080 (READ-ONLY COPY).

The authoritative reference and input builder live on the scoring server;
editing this copy changes nothing except your own understanding.
"""

import jax, jax.numpy as jnp
import numpy as np

N_NODES = 10000
N_EDGES = 20000
DIM = 128


def _lin(key, fan_in, fan_out, scale=None):
    kw, kb = jax.random.split(key)
    s = (1.0 / np.sqrt(fan_in)) if scale is None else scale
    W = jax.random.normal(kw, (fan_in, fan_out), jnp.float32) * s
    b = jax.random.normal(kb, (fan_out,), jnp.float32) * 0.01
    return W, b


def setup_inputs(seed: int = 0):
    key = jax.random.key(seed)
    ks = jax.random.split(key, 16)
    x = jax.random.normal(ks[0], (N_NODES, DIM), jnp.float32)
    edge_index = jax.random.randint(ks[1], (2, N_EDGES), 0, N_NODES, dtype=jnp.int32)
    edge_attr = jax.random.uniform(ks[2], (N_EDGES, 1), dtype=jnp.float32)
    batch = jnp.zeros((N_NODES,), jnp.int32)
    W1a, b1a = _lin(ks[3], 1, 4)
    W1b, b1b = _lin(ks[4], 4, 64 * DIM, scale=0.05)
    root1, bias1 = _lin(ks[5], DIM, 64)
    pw1 = jax.random.normal(ks[6], (64,), jnp.float32)
    W2a, b2a = _lin(ks[7], 1, 4)
    W2b, b2b = _lin(ks[8], 4, 64 * 64, scale=0.05)
    root2, bias2 = _lin(ks[9], 64, 64)
    pw2 = jax.random.normal(ks[10], (64,), jnp.float32)
    fc1W, fc1b = _lin(ks[11], 256, 64)
    fc2W, fc2b = _lin(ks[12], 64, 8)
    fc3W, fc3b = _lin(ks[13], 8, 2)
    return {"x": x, "edge_index": edge_index, "edge_attr": edge_attr, "batch": batch,
            "W1a": W1a, "b1a": b1a, "W1b": W1b, "b1b": b1b, "root1": root1, "bias1": bias1, "pw1": pw1,
            "W2a": W2a, "b2a": b2a, "W2b": W2b, "b2b": b2b, "root2": root2, "bias2": bias2, "pw2": pw2,
            "fc1W": fc1W, "fc1b": fc1b, "fc2W": fc2W, "fc2b": fc2b, "fc3W": fc3W, "fc3b": fc3b}


def _forward(x, edge_attr, src, dst, W1a, b1a, W1b, b1b, root1, bias1, pw1,
             W2a, b2a, W2b, b2b, root2, bias2, pw2,
             fc1W, fc1b, fc2W, fc2b, fc3W, fc3b):
    N = x.shape[0]
    E = src.shape[0]
    # --- NNConv1: edge MLP n1 produces per-edge [128,64] weight, aggr='mean' ---
    h1 = jax.nn.relu(edge_attr @ W1a + b1a) @ W1b + b1b
    We1 = h1.reshape(E, DIM, 64)
    msg1 = jnp.einsum('ei,eio->eo', x[src], We1)
    sum1 = jax.ops.segment_sum(msg1, dst, num_segments=N)
    cnt1 = jax.ops.segment_sum(jnp.ones((E,), jnp.float32), dst, num_segments=N)
    xc1 = jax.nn.relu(sum1 / jnp.maximum(cnt1, 1.0)[:, None] + x @ root1 + bias1)
    # --- TopKPooling 1 (ratio=0.5, single graph since batch is all zeros) ---
    score1 = (xc1 @ pw1) / jnp.linalg.norm(pw1)
    k1 = int(np.ceil(0.5 * N))
    _, perm1 = jax.lax.top_k(score1, k1)
    xp1 = xc1[perm1] * jnp.tanh(score1[perm1])[:, None]
    x1_read = jnp.concatenate([jnp.max(xp1, axis=0), jnp.mean(xp1, axis=0)])[None, :]
    # --- edge filtering via static-shape masking (equivalent to PyG filter_adj) ---
    new_id = jnp.full((N,), -1, jnp.int32).at[perm1].set(jnp.arange(k1, dtype=jnp.int32))
    s2i = new_id[src]
    d2i = new_id[dst]
    valid = jnp.logical_and(s2i >= 0, d2i >= 0)
    vf = valid.astype(jnp.float32)
    s2c = jnp.where(valid, s2i, 0)
    d2c = jnp.where(valid, d2i, 0)
    # --- NNConv2 on pooled graph, aggr='mean' ---
    h2 = jax.nn.relu(edge_attr @ W2a + b2a) @ W2b + b2b
    We2 = h2.reshape(E, 64, 64)
    msg2 = jnp.einsum('ei,eio->eo', xp1[s2c], We2) * vf[:, None]
    sum2 = jax.ops.segment_sum(msg2, d2c, num_segments=k1)
    cnt2 = jax.ops.segment_sum(vf, d2c, num_segments=k1)
    xc2 = jax.nn.relu(sum2 / jnp.maximum(cnt2, 1.0)[:, None] + xp1 @ root2 + bias2)
    # --- TopKPooling 2 ---
    score2 = (xc2 @ pw2) / jnp.linalg.norm(pw2)
    k2 = int(np.ceil(0.5 * k1))
    _, perm2 = jax.lax.top_k(score2, k2)
    xp2 = xc2[perm2] * jnp.tanh(score2[perm2])[:, None]
    x2_read = jnp.concatenate([jnp.max(xp2, axis=0), jnp.mean(xp2, axis=0)])[None, :]
    # --- MLP head (dropout is identity in eval mode) ---
    feat = jnp.concatenate([x1_read, x2_read], axis=1)
    h = jax.nn.relu(feat @ fc1W + fc1b)
    h = jax.nn.relu(h @ fc2W + fc2b)
    return jax.nn.log_softmax(h @ fc3W + fc3b, axis=-1)


def reference(x, edge_index, edge_attr, batch,
              W1a, b1a, W1b, b1b, root1, bias1, pw1,
              W2a, b2a, W2b, b2b, root2, bias2, pw2,
              fc1W, fc1b, fc2W, fc2b, fc3W, fc3b):
    src = edge_index[0]
    dst = edge_index[1]
    return _forward(x, edge_attr, src, dst, W1a, b1a, W1b, b1b, root1, bias1, pw1,
                    W2a, b2a, W2b, b2b, root2, bias2, pw2,
                    fc1W, fc1b, fc2W, fc2b, fc3W, fc3b)


if False:  # reference __main__ guard neutralized (emitter)
    out = reference(**setup_inputs())
    print(out.shape, out)

if __name__ == "__main__":
    import jax
    _d = setup_inputs()
    print(jax.jit(kernel)(*tuple(_d.values())))

</pallas_src>

<mosaic_0001>
#map = affine_map<(d0, d1) -> (0, 0)>
#map1 = affine_map<(d0, d1) -> (0)>
module attributes {stable_mosaic.version = 14 : i64} {
  func.func @_sc_body(%arg0: i32, %arg1: i32, %arg2: memref<10240x384xf32, #tpu.memory_space<hbm>>, %arg3: memref<20480xi32, #tpu.memory_space<hbm>>, %arg4: memref<20480xi32, #tpu.memory_space<hbm>>, %arg5: memref<20480xf32, #tpu.memory_space<hbm>>, %arg6: memref<32xf32, #tpu.memory_space<hbm>>, %arg7: memref<10240x128xf32, #tpu.memory_space<hbm>>, %arg8: memref<10240x64xf32, #tpu.memory_space<hbm>>, %arg9: memref<10240x80xf32, #tpu.memory_space<vmem_shared>>, %arg10: memref<64xi32, #tpu.memory_space<vmem>>, %arg11: memref<64xi32, #tpu.memory_space<vmem>>, %arg12: memref<80xf32, #tpu.memory_space<vmem>>, %arg13: memref<64x384xf32, #tpu.memory_space<vmem>>, %arg14: memref<64x80xf32, #tpu.memory_space<vmem>>, %arg15: memref<64x128xf32, #tpu.memory_space<vmem>>, %arg16: memref<64x128xf32, #tpu.memory_space<vmem>>, %arg17: memref<32xf32, #tpu.memory_space<vmem>>, %arg18: memref<32x80xf32, #tpu.memory_space<vmem>>, %arg19: memref<32x384xf32, #tpu.memory_space<vmem>>, %arg20: memref<32x64xf32, #tpu.memory_space<vmem>>, %arg21: memref<!tpu.dma_semaphore, #tpu.memory_space<semaphore_mem>>) attributes {dimension_semantics = [#tpu.dimension_semantics<core_parallel>, #tpu.dimension_semantics<subcore_parallel>], iteration_bounds = array<i64: 2, 16>, scalar_prefetch = 0 : i64, scratch_operands = 13 : i64, tpu.core_type = #tpu.core_type<sc_vector_subcore>, window_params = [{transform_indices = #map}, {transform_indices = #map1}, {transform_indices = #map1}, {transform_indices = #map1}, {transform_indices = #map1}, {transform_indices = #map}, {transform_indices = #map}]} {
    %eq3A = arith.constant 0 : i32
    %eq3A_0 = arith.cmpi eq, %arg0, %eq3A : i32
    %convert_element_type3A = arith.extui %eq3A_0 : i1 to i32
    %cond3A = arith.constant 0 : i32
    %cond3A_1 = arith.cmpi ne, %convert_element_type3A, %cond3A : i32
    scf.if %cond3A_1 {
      %scan3A = arith.constant 0 : i32
      %scan3A_13 = arith.constant 0 : i32
      %scan3A_14 = arith.constant 32 : i32
      %scan3A_15 = arith.addi %scan3A_13, %scan3A_14 : i32
      %scan3A_16 = arith.constant 1 : i32
      %scan3A_17 = scf.for %scan3A_26 = %scan3A_13 to %scan3A_15 step %scan3A_16 iter_args(%scan3A_27 = %scan3A) -> (i32)  : i32 {
        %broadcast_in_dim3A = arith.constant 0.000000e+00 : f32
        %broadcast_in_dim3A_28 = vector.broadcast %broadcast_in_dim3A : f32 to vector<16xf32>
        %swap3A = arith.index_cast %scan3A_26 : i32 to index
        %swap3A_29 = arith.constant 0 : index
        %swap3A_30 = tpu.vector_load %arg18[%swap3A, %swap3A_29] {strides = array<i32>} : memref<32x80xf32, #tpu.memory_space<vmem>>, vector<1x16xf32>,
        %swap3A_31 = vector.shape_cast %swap3A_30 : vector<1x16xf32> to vector<16xf32>
        %swap3A_32 = vector.shape_cast %broadcast_in_dim3A_28 : vector<16xf32> to vector<1x16xf32>
        tpu.vector_store %arg18[%swap3A, %swap3A_29], %swap3A_32 {strides = array<i32>} : memref<32x80xf32, #tpu.memory_space<vmem>>, vector<1x16xf32>,
        %broadcast_in_dim3A_33 = arith.constant 0.000000e+00 : f32
        %broadcast_in_dim3A_34 = vector.broadcast %broadcast_in_dim3A_33 : f32 to vector<16xf32>
        %swap3A_35 = arith.index_cast %scan3A_26 : i32 to index
        %swap3A_36 = arith.constant 16 : index
        %swap3A_37 = tpu.vector_load %arg18[%swap3A_35, %swap3A_36] {strides = array<i32>} : memref<32x80xf32, #tpu.memory_space<vmem>>, vector<1x16xf32>,
        %swap3A_38 = vector.shape_cast %swap3A_37 : vector<1x16xf32> to vector<16xf32>
        %swap3A_39 = vector.shape_cast %broadcast_in_dim3A_34 : vector<16xf32> to vector<1x16xf32>
        tpu.vector_store %arg18[%swap3A_35, %swap3A_36], %swap3A_39 {strides = array<i32>} : memref<32x80xf32, #tpu.memory_space<vmem>>, vector<1x16xf32>,
        %broadcast_in_dim3A_40 = arith.constant 0.000000e+00 : f32
        %broadcast_in_dim3A_41 = vector.broadcast %broadcast_in_dim3A_40 : f32 to vector<16xf32>
        %swap3A_42 = arith.index_cast %scan3A_26 : i32 to index
        %swap3A_43 = arith.constant 32 : index
        %swap3A_44 = tpu.vector_load %arg18[%swap3A_42, %swap3A_43] {strides = array<i32>} : memref<32x80xf32, #tpu.memory_space<vmem>>, vector<1x16xf32>,
        %swap3A_45 = vector.shape_cast %swap3A_44 : vector<1x16xf32> to vector<16xf32>
        %swap3A_46 = vector.shape_cast %broadcast_in_dim3A_41 : vector<16xf32> to vector<1x16xf32>
        tpu.vector_store %arg18[%swap3A_42, %swap3A_43], %swap3A_46 {strides = array<i32>} : memref<32x80xf32, #tpu.memory_space<vmem>>, vector<1x16xf32>,
        %broadcast_in_dim3A_47 = arith.constant 0.000000e+00 : f32
        %broadcast_in_dim3A_48 = vector.broadcast %broadcast_in_dim3A_47 : f32 to vector<16xf32>
        %swap3A_49 = arith.index_cast %scan3A_26 : i32 to index
        %swap3A_50 = arith.constant 48 : index
        %swap3A_51 = tpu.vector_load %arg18[%swap3A_49, %swap3A_50] {strides = array<i32>} : memref<32x80xf32, #tpu.memory_space<vmem>>, vector<1x16xf32>,
        %swap3A_52 = vector.shape_cast %swap3A_51 : vector<1x16xf32> to vector<16xf32>
        %swap3A_53 = vector.shape_cast %broadcast_in_dim3A_48 : vector<16xf32> to vector<1x16xf32>
        tpu.vector_store %arg18[%swap3A_49, %swap3A_50], %swap3A_53 {strides = array<i32>} : memref<32x80xf32, #tpu.memory_space<vmem>>, vector<1x16xf32>,
        %broadcast_in_dim3A_54 = arith.constant 0.000000e+00 : f32
        %broadcast_in_dim3A_55 = vector.broadcast %broadcast_in_dim3A_54 : f32 to vector<16xf32>
        %swap3A_56 = arith.index_cast %scan3A_26 : i32 to index
        %swap3A_57 = arith.constant 64 : index
        %swap3A_58 = tpu.vector_load %arg18[%swap3A_56, %swap3A_57] {strides = array<i32>} : memref<32x80xf32, #tpu.memory_space<vmem>>, vector<1x16xf32>,
        %swap3A_59 = vector.shape_cast %swap3A_58 : vector<1x16xf32> to vector<16xf32>
        %swap3A_60 = vector.shape_cast %broadcast_in_dim3A_55 : vector<16xf32> to vector<1x16xf32>
        tpu.vector_store %arg18[%swap3A_56, %swap3A_57], %swap3A_60 {strides = array<i32>} : memref<32x80xf32, #tpu.memory_space<vmem>>, vector<1x16xf32>,
        %scan3A_61 = arith.constant 0 : i32
        scf.yield %scan3A_61 : i32
      }
      %scan3A_18 = arith.constant 32 : i32
      %scan3A_19 = arith.constant 0 : i32
      %scan3A_20 = arith.constant 0 : i32
      %scan3A_21 = arith.constant 20 : i32
      %scan3A_22 = arith.addi %scan3A_20, %scan3A_21 : i32
      %scan3A_23 = arith.constant 1 : i32
      %scan3A_24 = scf.for %scan3A_26 = %scan3A_20 to %scan3A_22 step %scan3A_23 iter_args(%scan3A_27 = %scan3A_19) -> (i32)  : i32 {
        %mul3A = arith.constant 640 : i32
        %mul3A_28 = arith.muli %arg1, %mul3A : i32
        %mul3A_29 = arith.constant 32 : i32
        %mul3A_30 = arith.muli %scan3A_26, %mul3A_29 : i32
        %add3A = arith.addi %mul3A_28, %mul3A_30 : i32
        "tpu.region"() ({
          %run_scoped3A = tpu.sem_alloc : memref<!tpu.dma_semaphore, #tpu.memory_space<semaphore_mem>>
          %dma_start3A = arith.constant 0 : i32
          %dma_start3A_32 = tpu.memref_slice %arg9[%add3A, %dma_start3A] : memref<10240x80xf32, #tpu.memory_space<vmem_shared>> -> memref<32x80xf32, #tpu.memory_space<vmem_shared>>
          %dma_start3A_33 = arith.constant 0 : i32
          %dma_start3A_34 = tpu.memref_slice %arg9[%add3A, %dma_start3A_33] : memref<10240x80xf32, #tpu.memory_space<vmem_shared>> -> memref<32x80xf32, #tpu.memory_space<vmem_shared>>
          tpu.enqueue_dma source(%arg18 : memref<32x80xf32, #tpu.memory_space<vmem>>) target(%dma_start3A_34 : memref<32x80xf32, #tpu.memory_space<vmem_shared>>) target_semaphore(%run_scoped3A : memref<!tpu.dma_semaphore, #tpu.memory_space<semaphore_mem>>)
          %dma_wait3A = arith.constant 0 : i32
          %dma_wait3A_35 = tpu.memref_slice %arg9[%add3A, %dma_wait3A] : memref<10240x80xf32, #tpu.memory_space<vmem_shared>> -> memref<32x80xf32, #tpu.memory_space<vmem_shared>>
          %dma_wait3A_36 = arith.constant 0 : i32
          %dma_wait3A_37 = tpu.memref_slice %arg9[%add3A, %dma_wait3A_36] : memref<10240x80xf32, #tpu.memory_space<vmem_shared>> -> memref<32x80xf32, #tpu.memory_space<vmem_shared>>
          tpu.wait_dma2 semaphore(%run_scoped3A : memref<!tpu.dma_semaphore, #tpu.memory_space<semaphore_mem>>) src(%arg18 : memref<32x80xf32, #tpu.memory_space<vmem>>) dst(%dma_wait3A_37 : memref<32x80xf32, #tpu.memory_space<vmem_shared>>)
          tpu.yield
        }) : () -> ()
        %scan3A_31 = arith.constant 0 : i32
        scf.yield %scan3A_31 : i32
      }
      %scan3A_25 = arith.constant 20 : i32
    } else {
    }
    %barrier3A = arith.constant 0 : index
    tpu.barrier barrier_id(%barrier3A)
    %eq3A_2 = arith.constant 0 : i32
    %eq3A_3 = arith.cmpi eq, %arg0, %eq3A_2 : i32
    %convert_element_type3A_4 = arith.extui %eq3A_3 : i1 to i32
    %cond3A_5 = arith.constant 0 : i32
    %cond3A_6 = arith.cmpi ne, %convert_element_type3A_4, %cond3A_5 : i32
    scf.if %cond3A_6 {
      "tpu.region"() ({
        %run_scoped3A = tpu.sem_alloc : memref<!tpu.dma_semaphore, #tpu.memory_space<semaphore_mem>>
        tpu.enqueue_dma source(%arg6 : memref<32xf32, #tpu.memory_space<hbm>>) target(%arg17 : memref<32xf32, #tpu.memory_space<vmem>>) target_semaphore(%run_scoped3A : memref<!tpu.dma_semaphore, #tpu.memory_space<semaphore_mem>>)
        tpu.wait_dma2 semaphore(%run_scoped3A : memref<!tpu.dma_semaphore, #tpu.memory_space<semaphore_mem>>) src(%arg6 : memref<32xf32, #tpu.memory_space<hbm>>) dst(%arg17 : memref<32xf32, #tpu.memory_space<vmem>>)
        tpu.yield
      }) : () -> ()
      %scan3A = arith.constant 0 : i32
      %scan3A_13 = arith.constant 0 : i32
      %scan3A_14 = arith.constant 20 : i32
      %scan3A_15 = arith.addi %scan3A_13, %scan3A_14 : i32
      %scan3A_16 = arith.constant 1 : i32
      %scan3A_17 = scf.for %scan3A_19 = %scan3A_13 to %scan3A_15 step %scan3A_16 iter_args(%scan3A_20 = %scan3A) -> (i32)  : i32 {
        %mul3A = arith.constant 20 : i32
        %mul3A_21 = arith.muli %arg1, %mul3A : i32
        %add3A = arith.addi %mul3A_21, %scan3A_19 : i32
        %mul3A_22 = arith.constant 64 : i32
        %mul3A_23 = arith.muli %add3A, %mul3A_22 : i32
        "tpu.region"() ({
          %run_scoped3A = tpu.sem_alloc : memref<!tpu.dma_semaphore, #tpu.memory_space<semaphore_mem>>
          %dma_start3A_48 = tpu.memref_slice %arg3[%mul3A_23] : memref<20480xi32, #tpu.memory_space<hbm>> -> memref<64xi32, #tpu.memory_space<hbm>>
          %dma_start3A_49 = tpu.memref_slice %arg3[%mul3A_23] : memref<20480xi32, #tpu.memory_space<hbm>> -> memref<64xi32, #tpu.memory_space<hbm>>
          tpu.enqueue_dma source(%dma_start3A_49 : memref<64xi32, #tpu.memory_space<hbm>>) target(%arg10 : memref<64xi32, #tpu.memory_space<vmem>>) target_semaphore(%run_scoped3A : memref<!tpu.dma_semaphore, #tpu.memory_space<semaphore_mem>>)
          %dma_wait3A_50 = tpu.memref_slice %arg3[%mul3A_23] : memref<20480xi32, #tpu.memory_space<hbm>> -> memref<64xi32, #tpu.memory_space<hbm>>
          %dma_wait3A_51 = tpu.memref_slice %arg3[%mul3A_23] : memref<20480xi32, #tpu.memory_space<hbm>> -> memref<64xi32, #tpu.memory_space<hbm>>
          tpu.wait_dma2 semaphore(%run_scoped3A : memref<!tpu.dma_semaphore, #tpu.memory_space<semaphore_mem>>) src(%dma_wait3A_51 : memref<64xi32, #tpu.memory_space<hbm>>) dst(%arg10 : memref<64xi32, #tpu.memory_space<vmem>>)
          tpu.yield
        }) : () -> ()
        "tpu.region"() ({
          %run_scoped3A = tpu.sem_alloc : memref<!tpu.dma_semaphore, #tpu.memory_space<semaphore_mem>>
          %dma_start3A_48 = tpu.memref_slice %arg4[%mul3A_23] : memref<20480xi32, #tpu.memory_space<hbm>> -> memref<64xi32, #tpu.memory_space<hbm>>
          %dma_start3A_49 = tpu.memref_slice %arg4[%mul3A_23] : memref<20480xi32, #tpu.memory_space<hbm>> -> memref<64xi32, #tpu.memory_space<hbm>>
          tpu.enqueue_dma source(%dma_start3A_49 : memref<64xi32, #tpu.memory_space<hbm>>) target(%arg11 : memref<64xi32, #tpu.memory_space<vmem>>) target_semaphore(%run_scoped3A : memref<!tpu.dma_semaphore, #tpu.memory_space<semaphore_mem>>)
          %dma_wait3A_50 = tpu.memref_slice %arg4[%mul3A_23] : memref<20480xi32, #tpu.memory_space<hbm>> -> memref<64xi32, #tpu.memory_space<hbm>>
          %dma_wait3A_51 = tpu.memref_slice %arg4[%mul3A_23] : memref<20480xi32, #tpu.memory_space<hbm>> -> memref<64xi32, #tpu.memory_space<hbm>>
          tpu.wait_dma2 semaphore(%run_scoped3A : memref<!tpu.dma_semaphore, #tpu.memory_space<semaphore_mem>>) src(%dma_wait3A_51 : memref<64xi32, #tpu.memory_space<hbm>>) dst(%arg11 : memref<64xi32, #tpu.memory_space<vmem>>)
          tpu.yield
        }) : () -> ()
        "tpu.region"() ({
          %run_scoped3A = tpu.sem_alloc : memref<!tpu.dma_semaphore, #tpu.memory_space<semaphore_mem>>
          %dma_start3A_48 = arith.constant 0 : i32
          %dma_start3A_49 = tpu.memref_slice %arg12[%dma_start3A_48] : memref<80xf32, #tpu.memory_space<vmem>> -> memref<64xf32, #tpu.memory_space<vmem>>
          %dma_start3A_50 = tpu.memref_slice %arg5[%mul3A_23] : memref<20480xf32, #tpu.memory_space<hbm>> -> memref<64xf32, #tpu.memory_space<hbm>>
          %dma_start3A_51 = arith.constant 0 : i32
          %dma_start3A_52 = tpu.memref_slice %arg12[%dma_start3A_51] : memref<80xf32, #tpu.memory_space<vmem>> -> memref<64xf32, #tpu.memory_space<vmem>>
          %dma_start3A_53 = tpu.memref_slice %arg5[%mul3A_23] : memref<20480xf32, #tpu.memory_space<hbm>> -> memref<64xf32, #tpu.memory_space<hbm>>
          tpu.enqueue_dma source(%dma_start3A_53 : memref<64xf32, #tpu.memory_space<hbm>>) target(%dma_start3A_52 : memref<64xf32, #tpu.memory_space<vmem>>) target_semaphore(%run_scoped3A : memref<!tpu.dma_semaphore, #tpu.memory_space<semaphore_mem>>)
          %dma_wait3A_54 = arith.constant 0 : i32
          %dma_wait3A_55 = tpu.memref_slice %arg12[%dma_wait3A_54] : memref<80xf32, #tpu.memory_space<vmem>> -> memref<64xf32, #tpu.memory_space<vmem>>
          %dma_wait3A_56 = tpu.memref_slice %arg5[%mul3A_23] : memref<20480xf32, #tpu.memory_space<hbm>> -> memref<64xf32, #tpu.memory_space<hbm>>
          %dma_wait3A_57 = arith.constant 0 : i32
          %dma_wait3A_58 = tpu.memref_slice %arg12[%dma_wait3A_57] : memref<80xf32, #tpu.memory_space<vmem>> -> memref<64xf32, #tpu.memory_space<vmem>>
          %dma_wait3A_59 = tpu.memref_slice %arg5[%mul3A_23] : memref<20480xf32, #tpu.memory_space<hbm>> -> memref<64xf32, #tpu.memory_space<hbm>>
          tpu.wait_dma2 semaphore(%run_scoped3A : memref<!tpu.dma_semaphore, #tpu.memory_space<semaphore_mem>>) src(%dma_wait3A_59 : memref<64xf32, #tpu.memory_space<hbm>>) dst(%dma_wait3A_58 : memref<64xf32, #tpu.memory_space<vmem>>)
          tpu.yield
        }) : () -> ()
        %dma_start3A = arith.constant 0 : i32
        %dma_start3A_24 = arith.constant 0 : i32
        %dma_start3A_25 = tpu.memref_slice %arg2[%dma_start3A, %dma_start3A_24] : memref<10240x384xf32, #tpu.memory_space<hbm>> -> memref<10240x384xf32, #tpu.memory_space<hbm>>
        tpu.enqueue_indirect_dma source(%dma_start3A_25 : memref<10240x384xf32, #tpu.memory_space<hbm>>) target(%arg13 : memref<64x384xf32, #tpu.memory_space<vmem>>) offsets(%arg10 : memref<64xi32, #tpu.memory_space<vmem>>) semaphore(%arg21 : memref<!tpu.dma_semaphore, #tpu.memory_space<semaphore_mem>>)
        %dma_start3A_26 = arith.constant 0 : i32
        %dma_start3A_27 = arith.constant 0 : i32
        %dma_start3A_28 = tpu.memref_slice %arg7[%dma_start3A_26, %dma_start3A_27] : memref<10240x128xf32, #tpu.memory_space<hbm>> -> memref<10240x128xf32, #tpu.memory_space<hbm>>
        tpu.enqueue_indirect_dma source(%dma_start3A_28 : memref<10240x128xf32, #tpu.memory_space<hbm>>) target(%arg15 : memref<64x128xf32, #tpu.memory_space<vmem>>) offsets(%arg10 : memref<64xi32, #tpu.memory_space<vmem>>) semaphore(%arg21 : memref<!tpu.dma_semaphore, #tpu.memory_space<semaphore_mem>>)
        %dma_start3A_29 = arith.constant 0 : i32
        %dma_start3A_30 = arith.constant 0 : i32
        %dma_start3A_31 = tpu.memref_slice %arg7[%dma_start3A_29, %dma_start3A_30] : memref<10240x128xf32, #tpu.memory_space<hbm>> -> memref<10240x128xf32, #tpu.memory_space<hbm>>
        tpu.enqueue_indirect_dma source(%dma_start3A_31 : memref<10240x128xf32, #tpu.memory_space<hbm>>) target(%arg16 : memref<64x128xf32, #tpu.memory_space<vmem>>) offsets(%arg11 : memref<64xi32, #tpu.memory_space<vmem>>) semaphore(%arg21 : memref<!tpu.dma_semaphore, #tpu.memory_space<semaphore_mem>>)
        %dma_wait3A = arith.constant 0 : i32
        %dma_wait3A_32 = arith.constant 0 : i32
        %dma_wait3A_33 = tpu.memref_slice %arg2[%dma_wait3A, %dma_wait3A_32] : memref<10240x384xf32, #tpu.memory_space<hbm>> -> memref<10240x384xf32, #tpu.memory_space<hbm>>
        tpu.wait_indirect_dma semaphore(%arg21 : memref<!tpu.dma_semaphore, #tpu.memory_space<semaphore_mem>>) src(%dma_wait3A_33 : memref<10240x384xf32, #tpu.memory_space<hbm>>) dst(%arg13 : memref<64x384xf32, #tpu.memory_space<vmem>>)
        %dma_wait3A_34 = arith.constant 0 : i32
        %dma_wait3A_35 = arith.constant 0 : i32
        %dma_wait3A_36 = tpu.memref_slice %arg7[%dma_wait3A_34, %dma_wait3A_35] : memref<10240x128xf32, #tpu.memory_space<hbm>> -> memref<10240x128xf32, #tpu.memory_space<hbm>>
        tpu.wait_indirect_dma semaphore(%arg21 : memref<!tpu.dma_semaphore, #tpu.memory_space<semaphore_mem>>) src(%dma_wait3A_36 : memref<10240x128xf32, #tpu.memory_space<hbm>>) dst(%arg15 : memref<64x128xf32, #tpu.memory_space<vmem>>)
        %dma_wait3A_37 = arith.constant 0 : i32
        %dma_wait3A_38 = arith.constant 0 : i32
        %dma_wait3A_39 = tpu.memref_slice %arg7[%dma_wait3A_37, %dma_wait3A_38] : memref<10240x128xf32, #tpu.memory_space<hbm>> -> memref<10240x128xf32, #tpu.memory_space<hbm>>
        tpu.wait_indirect_dma semaphore(%arg21 : memref<!tpu.dma_semaphore, #tpu.memory_space<semaphore_mem>>) src(%dma_wait3A_39 : memref<10240x128xf32, #tpu.memory_space<hbm>>) dst(%arg16 : memref<64x128xf32, #tpu.memory_space<vmem>>)
        %scan3A_40 = arith.constant 0 : i32
        %scan3A_41 = arith.constant 0 : i32
        %scan3A_42 = arith.constant 64 : i32
        %scan3A_43 = arith.addi %scan3A_41, %scan3A_42 : i32
        %scan3A_44 = arith.constant 1 : i32
        %scan3A_45 = scf.for %scan3A_48 = %scan3A_41 to %scan3A_43 step %scan3A_44 iter_args(%scan3A_49 = %scan3A_40) -> (i32)  : i32 {
          %get3A = arith.index_cast %scan3A_48 : i32 to index
          %get3A_50 = tpu.vector_load %arg12[%get3A] {strides = array<i32>} : memref<80xf32, #tpu.memory_space<vmem>>, vector<16xf32>,
          %get3A_51 = vector.shape_cast %get3A_50 : vector<16xf32> to vector<16xf32>
          %slice3A = vector.extract_strided_slice %get3A_51 {offsets = [0], sizes = [1], strides = [1]} : vector<16xf32> to vector<1xf32>
          %squeeze3A = vector.extract %slice3A[0] : f32 from vector<1xf32>
          %broadcast_in_dim3A = vector.broadcast %squeeze3A : f32 to vector<16xf32>
          %get3A_52 = arith.index_cast %scan3A_48 : i32 to index
          %get3A_53 = arith.constant 0 : index
          %get3A_54 = tpu.vector_load %arg15[%get3A_52, %get3A_53] {strides = array<i32>} : memref<64x128xf32, #tpu.memory_space<vmem>>, vector<1x16xf32>,
          %get3A_55 = vector.shape_cast %get3A_54 : vector<1x16xf32> to vector<16xf32>
          %slice3A_56 = vector.extract_strided_slice %get3A_55 {offsets = [0], sizes = [1], strides = [1]} : vector<16xf32> to vector<1xf32>
          %squeeze3A_57 = vector.extract %slice3A_56[0] : f32 from vector<1xf32>
          %broadcast_in_dim3A_58 = vector.broadcast %squeeze3A_57 : f32 to vector<16xf32>
          %get3A_59 = arith.index_cast %scan3A_48 : i32 to index
          %get3A_60 = arith.constant 0 : index
          %get3A_61 = tpu.vector_load %arg16[%get3A_59, %get3A_60] {strides = array<i32>} : memref<64x128xf32, #tpu.memory_space<vmem>>, vector<1x16xf32>,
          %get3A_62 = vector.shape_cast %get3A_61 : vector<1x16xf32> to vector<16xf32>
          %slice3A_63 = vector.extract_strided_slice %get3A_62 {offsets = [0], sizes = [1], strides = [1]} : vector<16xf32> to vector<1xf32>
          %squeeze3A_64 = vector.extract %slice3A_63[0] : f32 from vector<1xf32>
          %broadcast_in_dim3A_65 = vector.broadcast %squeeze3A_64 : f32 to vector<16xf32>
          %mul3A_66 = arith.mulf %broadcast_in_dim3A_58, %broadcast_in_dim3A_65 : vector<16xf32>
          %get3A_67 = arith.constant 0 : index
          %get3A_68 = tpu.vector_load %arg17[%get3A_67] {strides = array<i32>} : memref<32xf32, #tpu.memory_space<vmem>>, vector<16xf32>,
          %get3A_69 = vector.shape_cast %get3A_68 : vector<16xf32> to vector<16xf32>
          %slice3A_70 = vector.extract_strided_slice %get3A_69 {offsets = [0], sizes = [1], strides = [1]} : vector<16xf32> to vector<1xf32>
          %squeeze3A_71 = vector.extract %slice3A_70[0] : f32 from vector<1xf32>
          %broadcast_in_dim3A_72 = vector.broadcast %squeeze3A_71 : f32 to vector<16xf32>
          %mul3A_73 = arith.mulf %broadcast_in_dim3A, %broadcast_in_dim3A_72 : vector<16xf32>
          %get3A_74 = arith.constant 4 : index
          %get3A_75 = tpu.vector_load %arg17[%get3A_74] {strides = array<i32>} : memref<32xf32, #tpu.memory_space<vmem>>, vector<16xf32>,
          %get3A_76 = vector.shape_cast %get3A_75 : vector<16xf32> to vector<16xf32>
          %slice3A_77 = vector.extract_strided_slice %get3A_76 {offsets = [0], sizes = [1], strides = [1]} : vector<16xf32> to vector<1xf32>
          %squeeze3A_78 = vector.extract %slice3A_77[0] : f32 from vector<1xf32>
          %broadcast_in_dim3A_79 = vector.broadcast %squeeze3A_78 : f32 to vector<16xf32>
          %add3A_80 = arith.addf %mul3A_73, %broadcast_in_dim3A_79 : vector<16xf32>
          %max3A = arith.constant 0.000000e+00 : f32
          %max3A_81 = vector.broadcast %max3A : f32 to vector<16xf32>
          %max3A_82 = arith.maximumf %add3A_80, %max3A_81 : vector<16xf32>
          %mul3A_83 = arith.mulf %max3A_82, %mul3A_66 : vector<16xf32>
          %get3A_84 = arith.constant 1 : index
          %get3A_85 = tpu.vector_load %arg17[%get3A_84] {strides = array<i32>} : memref<32xf32, #tpu.memory_space<vmem>>, vector<16xf32>,
          %get3A_86 = vector.shape_cast %get3A_85 : vector<16xf32> to vector<16xf32>
          %slice3A_87 = vector.extract_strided_slice %get3A_86 {offsets = [0], sizes = [1], strides = [1]} : vector<16xf32> to vector<1xf32>
          %squeeze3A_88 = vector.extract %slice3A_87[0] : f32 from vector<1xf32>
          %broadcast_in_dim3A_89 = vector.broadcast %squeeze3A_88 : f32 to vector<16xf32>
          %mul3A_90 = arith.mulf %broadcast_in_dim3A, %broadcast_in_dim3A_89 : vector<16xf32>
          %get3A_91 = arith.constant 5 : index
          %get3A_92 = tpu.vector_load %arg17[%get3A_91] {strides = array<i32>} : memref<32xf32, #tpu.memory_space<vmem>>, vector<16xf32>,
          %get3A_93 = vector.shape_cast %get3A_92 : vector<16xf32> to vector<16xf32>
          %slice3A_94 = vector.extract_strided_slice %get3A_93 {offsets = [0], sizes = [1], strides = [1]} : vector<16xf32> to vector<1xf32>
          %squeeze3A_95 = vector.extract %slice3A_94[0] : f32 from vector<1xf32>
          %broadcast_in_dim3A_96 = vector.broadcast %squeeze3A_95 : f32 to vector<16xf32>
          %add3A_97 = arith.addf %mul3A_90, %broadcast_in_dim3A_96 : vector<16xf32>
          %max3A_98 = arith.constant 0.000000e+00 : f32
          %max3A_99 = vector.broadcast %max3A_98 : f32 to vector<16xf32>
          %max3A_100 = arith.maximumf %add3A_97, %max3A_99 : vector<16xf32>
          %mul3A_101 = arith.mulf %max3A_100, %mul3A_66 : vector<16xf32>
          %get3A_102 = arith.constant 2 : index
          %get3A_103 = tpu.vector_load %arg17[%get3A_102] {strides = array<i32>} : memref<32xf32, #tpu.memory_space<vmem>>, vector<16xf32>,
          %get3A_104 = vector.shape_cast %get3A_103 : vector<16xf32> to vector<16xf32>
          %slice3A_105 = vector.extract_strided_slice %get3A_104 {offsets = [0], sizes = [1], strides = [1]} : vector<16xf32> to vector<1xf32>
          %squeeze3A_106 = vector.extract %slice3A_105[0] : f32 from vector<1xf32>
          %broadcast_in_dim3A_107 = vector.broadcast %squeeze3A_106 : f32 to vector<16xf32>
          %mul3A_108 = arith.mulf %broadcast_in_dim3A, %broadcast_in_dim3A_107 : vector<16xf32>
          %get3A_109 = arith.constant 6 : index
          %get3A_110 = tpu.vector_load %arg17[%get3A_109] {strides = array<i32>} : memref<32xf32, #tpu.memory_space<vmem>>, vector<16xf32>,
          %get3A_111 = vector.shape_cast %get3A_110 : vector<16xf32> to vector<16xf32>
          %slice3A_112 = vector.extract_strided_slice %get3A_111 {offsets = [0], sizes = [1], strides = [1]} : vector<16xf32> to vector<1xf32>
          %squeeze3A_113 = vector.extract %slice3A_112[0] : f32 from vector<1xf32>
          %broadcast_in_dim3A_114 = vector.broadcast %squeeze3A_113 : f32 to vector<16xf32>
          %add3A_115 = arith.addf %mul3A_108, %broadcast_in_dim3A_114 : vector<16xf32>
          %max3A_116 = arith.constant 0.000000e+00 : f32
          %max3A_117 = vector.broadcast %max3A_116 : f32 to vector<16xf32>
          %max3A_118 = arith.maximumf %add3A_115, %max3A_117 : vector<16xf32>
          %mul3A_119 = arith.mulf %max3A_118, %mul3A_66 : vector<16xf32>
          %get3A_120 = arith.constant 3 : index
          %get3A_121 = tpu.vector_load %arg17[%get3A_120] {strides = array<i32>} : memref<32xf32, #tpu.memory_space<vmem>>, vector<16xf32>,
          %get3A_122 = vector.shape_cast %get3A_121 : vector<16xf32> to vector<16xf32>
          %slice3A_123 = vector.extract_strided_slice %get3A_122 {offsets = [0], sizes = [1], strides = [1]} : vector<16xf32> to vector<1xf32>
          %squeeze3A_124 = vector.extract %slice3A_123[0] : f32 from vector<1xf32>
          %broadcast_in_dim3A_125 = vector.broadcast %squeeze3A_124 : f32 to vector<16xf32>
          %mul3A_126 = arith.mulf %broadcast_in_dim3A, %broadcast_in_dim3A_125 : vector<16xf32>
          %get3A_127 = arith.constant 7 : index
          %get3A_128 = tpu.vector_load %arg17[%get3A_127] {strides = array<i32>} : memref<32xf32, #tpu.memory_space<vmem>>, vector<16xf32>,
          %get3A_129 = vector.shape_cast %get3A_128 : vector<16xf32> to vector<16xf32>
          %slice3A_130 = vector.extract_strided_slice %get3A_129 {offsets = [0], sizes = [1], strides = [1]} : vector<16xf32> to vector<1xf32>
          %squeeze3A_131 = vector.extract %slice3A_130[0] : f32 from vector<1xf32>
          %broadcast_in_dim3A_132 = vector.broadcast %squeeze3A_131 : f32 to vector<16xf32>
          %add3A_133 = arith.addf %mul3A_126, %broadcast_in_dim3A_132 : vector<16xf32>
          %max3A_134 = arith.constant 0.000000e+00 : f32
          %max3A_135 = vector.broadcast %max3A_134 : f32 to vector<16xf32>
          %max3A_136 = arith.maximumf %add3A_133, %max3A_135 : vector<16xf32>
          %mul3A_137 = arith.mulf %max3A_136, %mul3A_66 : vector<16xf32>
          %get3A_138 = arith.index_cast %scan3A_48 : i32 to index
          %get3A_139 = arith.constant 256 : index
          %get3A_140 = tpu.vector_load %arg13[%get3A_138, %get3A_139] {strides = array<i32>} : memref<64x384xf32, #tpu.memory_space<vmem>>, vector<1x16xf32>,
          %get3A_141 = vector.shape_cast %get3A_140 : vector<1x16xf32> to vector<16xf32>
          %mul3A_142 = arith.mulf %mul3A_66, %get3A_141 : vector<16xf32>
          %get3A_143 = arith.index_cast %scan3A_48 : i32 to index
          %get3A_144 = arith.constant 0 : index
          %get3A_145 = tpu.vector_load %arg13[%get3A_143, %get3A_144] {strides = array<i32>} : memref<64x384xf32, #tpu.memory_space<vmem>>, vector<1x16xf32>,
          %get3A_146 = vector.shape_cast %get3A_145 : vector<1x16xf32> to vector<16xf32>
          %mul3A_147 = arith.mulf %mul3A_83, %get3A_146 : vector<16xf32>
          %add3A_148 = arith.addf %mul3A_142, %mul3A_147 : vector<16xf32>
          %get3A_149 = arith.index_cast %scan3A_48 : i32 to index
          %get3A_150 = arith.constant 64 : index
          %get3A_151 = tpu.vector_load %arg13[%get3A_149, %get3A_150] {strides = array<i32>} : memref<64x384xf32, #tpu.memory_space<vmem>>, vector<1x16xf32>,
          %get3A_152 = vector.shape_cast %get3A_151 : vector<1x16xf32> to vector<16xf32>
          %mul3A_153 = arith.mulf %mul3A_101, %get3A_152 : vector<16xf32>
          %add3A_154 = arith.addf %add3A_148, %mul3A_153 : vector<16xf32>
          %get3A_155 = arith.index_cast %scan3A_48 : i32 to index
          %get3A_156 = arith.constant 128 : index
          %get3A_157 = tpu.vector_load %arg13[%get3A_155, %get3A_156] {strides = array<i32>} : memref<64x384xf32, #tpu.memory_space<vmem>>, vector<1x16xf32>,
          %get3A_158 = vector.shape_cast %get3A_157 : vector<1x16xf32> to vector<16xf32>
          %mul3A_159 = arith.mulf %mul3A_119, %get3A_158 : vector<16xf32>
          %add3A_160 = arith.addf %add3A_154, %mul3A_159 : vector<16xf32>
          %get3A_161 = arith.index_cast %scan3A_48 : i32 to index
          %get3A_162 = arith.constant 192 : index
          %get3A_163 = tpu.vector_load %arg13[%get3A_161, %get3A_162] {strides = array<i32>} : memref<64x384xf32, #tpu.memory_space<vmem>>, vector<1x16xf32>,
          %get3A_164 = vector.shape_cast %get3A_163 : vector<1x16xf32> to vector<16xf32>
          %mul3A_165 = arith.mulf %mul3A_137, %get3A_164 : vector<16xf32>
          %add3A_166 = arith.addf %add3A_160, %mul3A_165 : vector<16xf32>
          %swap3A = arith.index_cast %scan3A_48 : i32 to index
          %swap3A_167 = arith.constant 0 : index
          %swap3A_168 = tpu.vector_load %arg14[%swap3A, %swap3A_167] {strides = array<i32>} : memref<64x80xf32, #tpu.memory_space<vmem>>, vector<1x16xf32>,
          %swap3A_169 = vector.shape_cast %swap3A_168 : vector<1x16xf32> to vector<16xf32>
          %swap3A_170 = vector.shape_cast %add3A_166 : vector<16xf32> to vector<1x16xf32>
          tpu.vector_store %arg14[%swap3A, %swap3A_167], %swap3A_170 {strides = array<i32>} : memref<64x80xf32, #tpu.memory_space<vmem>>, vector<1x16xf32>,
          %get3A_171 = arith.index_cast %scan3A_48 : i32 to index
          %get3A_172 = arith.constant 272 : index
          %get3A_173 = tpu.vector_load %arg13[%get3A_171, %get3A_172] {strides = array<i32>} : memref<64x384xf32, #tpu.memory_space<vmem>>, vector<1x16xf32>,
          %get3A_174 = vector.shape_cast %get3A_173 : vector<1x16xf32> to vector<16xf32>
          %mul3A_175 = arith.mulf %mul3A_66, %get3A_174 : vector<16xf32>
          %get3A_176 = arith.index_cast %scan3A_48 : i32 to index
          %get3A_177 = arith.constant 16 : index
          %get3A_178 = tpu.vector_load %arg13[%get3A_176, %get3A_177] {strides = array<i32>} : memref<64x384xf32, #tpu.memory_space<vmem>>, vector<1x16xf32>,
          %get3A_179 = vector.shape_cast %get3A_178 : vector<1x16xf32> to vector<16xf32>
          %mul3A_180 = arith.mulf %mul3A_83, %get3A_179 : vector<16xf32>
          %add3A_181 = arith.addf %mul3A_175, %mul3A_180 : vector<16xf32>
          %get3A_182 = arith.index_cast %scan3A_48 : i32 to index
          %get3A_183 = arith.constant 80 : index
          %get3A_184 = tpu.vector_load %arg13[%get3A_182, %get3A_183] {strides = array<i32>} : memref<64x384xf32, #tpu.memory_space<vmem>>, vector<1x16xf32>,
          %get3A_185 = vector.shape_cast %get3A_184 : vector<1x16xf32> to vector<16xf32>
          %mul3A_186 = arith.mulf %mul3A_101, %get3A_185 : vector<16xf32>
          %add3A_187 = arith.addf %add3A_181, %mul3A_186 : vector<16xf32>
          %get3A_188 = arith.index_cast %scan3A_48 : i32 to index
          %get3A_189 = arith.constant 144 : index
          %get3A_190 = tpu.vector_load %arg13[%get3A_188, %get3A_189] {strides = array<i32>} : memref<64x384xf32, #tpu.memory_space<vmem>>, vector<1x16xf32>,
          %get3A_191 = vector.shape_cast %get3A_190 : vector<1x16xf32> to vector<16xf32>
          %mul3A_192 = arith.mulf %mul3A_119, %get3A_191 : vector<16xf32>
          %add3A_193 = arith.addf %add3A_187, %mul3A_192 : vector<16xf32>
          %get3A_194 = arith.index_cast %scan3A_48 : i32 to index
          %get3A_195 = arith.constant 208 : index
          %get3A_196 = tpu.vector_load %arg13[%get3A_194, %get3A_195] {strides = array<i32>} : memref<64x384xf32, #tpu.memory_space<vmem>>, vector<1x16xf32>,
          %get3A_197 = vector.shape_cast %get3A_196 : vector<1x16xf32> to vector<16xf32>
          %mul3A_198 = arith.mulf %mul3A_137, %get3A_197 : vector<16xf32>
          %add3A_199 = arith.addf %add3A_193, %mul3A_198 : vector<16xf32>
          %swap3A_200 = arith.index_cast %scan3A_48 : i32 to index
          %swap3A_201 = arith.constant 16 : index
          %swap3A_202 = tpu.vector_load %arg14[%swap3A_200, %swap3A_201] {strides = array<i32>} : memref<64x80xf32, #tpu.memory_space<vmem>>, vector<1x16xf32>,
          %swap3A_203 = vector.shape_cast %swap3A_202 : vector<1x16xf32> to vector<16xf32>
          %swap3A_204 = vector.shape_cast %add3A_199 : vector<16xf32> to vector<1x16xf32>
          tpu.vector_store %arg14[%swap3A_200, %swap3A_201], %swap3A_204 {strides = array<i32>} : memref<64x80xf32, #tpu.memory_space<vmem>>, vector<1x16xf32>,
          %get3A_205 = arith.index_cast %scan3A_48 : i32 to index
          %get3A_206 = arith.constant 288 : index
          %get3A_207 = tpu.vector_load %arg13[%get3A_205, %get3A_206] {strides = array<i32>} : memref<64x384xf32, #tpu.memory_space<vmem>>, vector<1x16xf32>,
          %get3A_208 = vector.shape_cast %get3A_207 : vector<1x16xf32> to vector<16xf32>
          %mul3A_209 = arith.mulf %mul3A_66, %get3A_208 : vector<16xf32>
          %get3A_210 = arith.index_cast %scan3A_48 : i32 to index
          %get3A_211 = arith.constant 32 : index
          %get3A_212 = tpu.vector_load %arg13[%get3A_210, %get3A_211] {strides = array<i32>} : memref<64x384xf32, #tpu.memory_space<vmem>>, vector<1x16xf32>,
          %get3A_213 = vector.shape_cast %get3A_212 : vector<1x16xf32> to vector<16xf32>
          %mul3A_214 = arith.mulf %mul3A_83, %get3A_213 : vector<16xf32>
          %add3A_215 = arith.addf %mul3A_209, %mul3A_214 : vector<16xf32>
          %get3A_216 = arith.index_cast %scan3A_48 : i32 to index
          %get3A_217 = arith.constant 96 : index
          %get3A_218 = tpu.vector_load %arg13[%get3A_216, %get3A_217] {strides = array<i32>} : memref<64x384xf32, #tpu.memory_space<vmem>>, vector<1x16xf32>,
          %get3A_219 = vector.shape_cast %get3A_218 : vector<1x16xf32> to vector<16xf32>
          %mul3A_220 = arith.mulf %mul3A_101, %get3A_219 : vector<16xf32>
          %add3A_221 = arith.addf %add3A_215, %mul3A_220 : vector<16xf32>
          %get3A_222 = arith.index_cast %scan3A_48 : i32 to index
          %get3A_223 = arith.constant 160 : index
          %get3A_224 = tpu.vector_load %arg13[%get3A_222, %get3A_223] {strides = array<i32>} : memref<64x384xf32, #tpu.memory_space<vmem>>, vector<1x16xf32>,
          %get3A_225 = vector.shape_cast %get3A_224 : vector<1x16xf32> to vector<16xf32>
          %mul3A_226 = arith.mulf %mul3A_119, %get3A_225 : vector<16xf32>
          %add3A_227 = arith.addf %add3A_221, %mul3A_226 : vector<16xf32>
          %get3A_228 = arith.index_cast %scan3A_48 : i32 to index
          %get3A_229 = arith.constant 224 : index
          %get3A_230 = tpu.vector_load %arg13[%get3A_228, %get3A_229] {strides = array<i32>} : memref<64x384xf32, #tpu.memory_space<vmem>>, vector<1x16xf32>,
          %get3A_231 = vector.shape_cast %get3A_230 : vector<1x16xf32> to vector<16xf32>
          %mul3A_232 = arith.mulf %mul3A_137, %get3A_231 : vector<16xf32>
          %add3A_233 = arith.addf %add3A_227, %mul3A_232 : vector<16xf32>
          %swap3A_234 = arith.index_cast %scan3A_48 : i32 to index
          %swap3A_235 = arith.constant 32 : index
          %swap3A_236 = tpu.vector_load %arg14[%swap3A_234, %swap3A_235] {strides = array<i32>} : memref<64x80xf32, #tpu.memory_space<vmem>>, vector<1x16xf32>,
          %swap3A_237 = vector.shape_cast %swap3A_236 : vector<1x16xf32> to vector<16xf32>
          %swap3A_238 = vector.shape_cast %add3A_233 : vector<16xf32> to vector<1x16xf32>
          tpu.vector_store %arg14[%swap3A_234, %swap3A_235], %swap3A_238 {strides = array<i32>} : memref<64x80xf32, #tpu.memory_space<vmem>>, vector<1x16xf32>,
          %get3A_239 = arith.index_cast %scan3A_48 : i32 to index
          %get3A_240 = arith.constant 304 : index
          %get3A_241 = tpu.vector_load %arg13[%get3A_239, %get3A_240] {strides = array<i32>} : memref<64x384xf32, #tpu.memory_space<vmem>>, vector<1x16xf32>,
          %get3A_242 = vector.shape_cast %get3A_241 : vector<1x16xf32> to vector<16xf32>
          %mul3A_243 = arith.mulf %mul3A_66, %get3A_242 : vector<16xf32>
          %get3A_244 = arith.index_cast %scan3A_48 : i32 to index
          %get3A_245 = arith.constant 48 : index
          %get3A_246 = tpu.vector_load %arg13[%get3A_244, %get3A_245] {strides = array<i32>} : memref<64x384xf32, #tpu.memory_space<vmem>>, vector<1x16xf32>,
          %get3A_247 = vector.shape_cast %get3A_246 : vector<1x16xf32> to vector<16xf32>
          %mul3A_248 = arith.mulf %mul3A_83, %get3A_247 : vector<16xf32>
          %add3A_249 = arith.addf %mul3A_243, %mul3A_248 : vector<16xf32>
          %get3A_250 = arith.index_cast %scan3A_48 : i32 to index
          %get3A_251 = arith.constant 112 : index
          %get3A_252 = tpu.vector_load %arg13[%get3A_250, %get3A_251] {strides = array<i32>} : memref<64x384xf32, #tpu.memory_space<vmem>>, vector<1x16xf32>,
          %get3A_253 = vector.shape_cast %get3A_252 : vector<1x16xf32> to vector<16xf32>
          %mul3A_254 = arith.mulf %mul3A_101, %get3A_253 : vector<16xf32>
          %add3A_255 = arith.addf %add3A_249, %mul3A_254 : vector<16xf32>
          %get3A_256 = arith.index_cast %scan3A_48 : i32 to index
          %get3A_257 = arith.constant 176 : index
          %get3A_258 = tpu.vector_load %arg13[%get3A_256, %get3A_257] {strides = array<i32>} : memref<64x384xf32, #tpu.memory_space<vmem>>, vector<1x16xf32>,
          %get3A_259 = vector.shape_cast %get3A_258 : vector<1x16xf32> to vector<16xf32>
          %mul3A_260 = arith.mulf %mul3A_119, %get3A_259 : vector<16xf32>
          %add3A_261 = arith.addf %add3A_255, %mul3A_260 : vector<16xf32>
          %get3A_262 = arith.index_cast %scan3A_48 : i32 to index
          %get3A_263 = arith.constant 240 : index
          %get3A_264 = tpu.vector_load %arg13[%get3A_262, %get3A_263] {strides = array<i32>} : memref<64x384xf32, #tpu.memory_space<vmem>>, vector<1x16xf32>,
          %get3A_265 = vector.shape_cast %get3A_264 : vector<1x16xf32> to vector<16xf32>
          %mul3A_266 = arith.mulf %mul3A_137, %get3A_265 : vector<16xf32>
          %add3A_267 = arith.addf %add3A_261, %mul3A_266 : vector<16xf32>
          %swap3A_268 = arith.index_cast %scan3A_48 : i32 to index
          %swap3A_269 = arith.constant 48 : index
          %swap3A_270 = tpu.vector_load %arg14[%swap3A_268, %swap3A_269] {strides = array<i32>} : memref<64x80xf32, #tpu.memory_space<vmem>>, vector<1x16xf32>,
          %swap3A_271 = vector.shape_cast %swap3A_270 : vector<1x16xf32> to vector<16xf32>
          %swap3A_272 = vector.shape_cast %add3A_267 : vector<16xf32> to vector<1x16xf32>
          tpu.vector_store %arg14[%swap3A_268, %swap3A_269], %swap3A_272 {strides = array<i32>} : memref<64x80xf32, #tpu.memory_space<vmem>>, vector<1x16xf32>,
          %get3A_273 = arith.constant 16 : index
          %get3A_274 = tpu.vector_load %arg17[%get3A_273] {strides = array<i32>} : memref<32xf32, #tpu.memory_space<vmem>>, vector<16xf32>,
          %get3A_275 = vector.shape_cast %get3A_274 : vector<16xf32> to vector<16xf32>
          %mul3A_276 = arith.mulf %mul3A_66, %get3A_275 : vector<16xf32>
          %swap3A_277 = arith.index_cast %scan3A_48 : i32 to index
          %swap3A_278 = arith.constant 64 : index
          %swap3A_279 = tpu.vector_load %arg14[%swap3A_277, %swap3A_278] {strides = array<i32>} : memref<64x80xf32, #tpu.memory_space<vmem>>, vector<1x16xf32>,
          %swap3A_280 = vector.shape_cast %swap3A_279 : vector<1x16xf32> to vector<16xf32>
          %swap3A_281 = vector.shape_cast %mul3A_276 : vector<16xf32> to vector<1x16xf32>
          tpu.vector_store %arg14[%swap3A_277, %swap3A_278], %swap3A_281 {strides = array<i32>} : memref<64x80xf32, #tpu.memory_space<vmem>>, vector<1x16xf32>,
          %scan3A_282 = arith.constant 0 : i32
          scf.yield %scan3A_282 : i32
        }
        %scan3A_46 = arith.constant 64 : i32
        "tpu.region"() ({
          %run_scoped3A = tpu.sem_alloc : memref<!tpu.dma_semaphore, #tpu.memory_space<semaphore_mem>>
          %dma_start3A_48 = arith.constant 0 : i32
          %dma_start3A_49 = arith.constant 0 : i32
          %dma_start3A_50 = tpu.memref_slice %arg9[%dma_start3A_48, %dma_start3A_49] : memref<10240x80xf32, #tpu.memory_space<vmem_shared>> -> memref<10240x80xf32, #tpu.memory_space<vmem_shared>>
          tpu.enqueue_indirect_dma source(%arg14 : memref<64x80xf32, #tpu.memory_space<vmem>>) target(%dma_start3A_50 : memref<10240x80xf32, #tpu.memory_space<vmem_shared>>) offsets(%arg11 : memref<64xi32, #tpu.memory_space<vmem>>) semaphore(%run_scoped3A : memref<!tpu.dma_semaphore, #tpu.memory_space<semaphore_mem>>) {add = true}
          %dma_wait3A_51 = arith.constant 0 : i32
          %dma_wait3A_52 = arith.constant 0 : i32
          %dma_wait3A_53 = tpu.memref_slice %arg9[%dma_wait3A_51, %dma_wait3A_52] : memref<10240x80xf32, #tpu.memory_space<vmem_shared>> -> memref<10240x80xf32, #tpu.memory_space<vmem_shared>>
          tpu.wait_indirect_dma semaphore(%run_scoped3A : memref<!tpu.dma_semaphore, #tpu.memory_space<semaphore_mem>>) src(%arg14 : memref<64x80xf32, #tpu.memory_space<vmem>>) dst(%dma_wait3A_53 : memref<10240x80xf32, #tpu.memory_space<vmem_shared>>)
          tpu.yield
        }) : () -> ()
        %scan3A_47 = arith.constant 0 : i32
        scf.yield %scan3A_47 : i32
      }
      %scan3A_18 = arith.constant 20 : i32
    } else {
    }
    %barrier3A_7 = arith.constant 0 : index
    tpu.barrier barrier_id(%barrier3A_7)
    %eq3A_8 = arith.constant 0 : i32
    %eq3A_9 = arith.cmpi eq, %arg0, %eq3A_8 : i32
    %convert_element_type3A_10 = arith.extui %eq3A_9 : i1 to i32
    %cond3A_11 = arith.constant 0 : i32
    %cond3A_12 = arith.cmpi ne, %convert_element_type3A_10, %cond3A_11 : i32
    scf.if %cond3A_12 {
      %scan3A = arith.constant 0 : i32
      %scan3A_13 = arith.constant 0 : i32
      %scan3A_14 = arith.constant 20 : i32
      %scan3A_15 = arith.addi %scan3A_13, %scan3A_14 : i32
      %scan3A_16 = arith.constant 1 : i32
      %scan3A_17 = scf.for %scan3A_19 = %scan3A_13 to %scan3A_15 step %scan3A_16 iter_args(%scan3A_20 = %scan3A) -> (i32)  : i32 {
        %mul3A = arith.constant 640 : i32
        %mul3A_21 = arith.muli %arg1, %mul3A : i32
        %mul3A_22 = arith.constant 32 : i32
        %mul3A_23 = arith.muli %scan3A_19, %mul3A_22 : i32
        %add3A = arith.addi %mul3A_21, %mul3A_23 : i32
        "tpu.region"() ({
          %run_scoped3A = tpu.sem_alloc : memref<!tpu.dma_semaphore, #tpu.memory_space<semaphore_mem>>
          %dma_start3A = arith.constant 0 : i32
          %dma_start3A_32 = tpu.memref_slice %arg9[%add3A, %dma_start3A] : memref<10240x80xf32, #tpu.memory_space<vmem_shared>> -> memref<32x80xf32, #tpu.memory_space<vmem_shared>>
          %dma_start3A_33 = arith.constant 0 : i32
          %dma_start3A_34 = tpu.memref_slice %arg9[%add3A, %dma_start3A_33] : memref<10240x80xf32, #tpu.memory_space<vmem_shared>> -> memref<32x80xf32, #tpu.memory_space<vmem_shared>>
          tpu.enqueue_dma source(%dma_start3A_34 : memref<32x80xf32, #tpu.memory_space<vmem_shared>>) target(%arg18 : memref<32x80xf32, #tpu.memory_space<vmem>>) target_semaphore(%run_scoped3A : memref<!tpu.dma_semaphore, #tpu.memory_space<semaphore_mem>>)
          %dma_wait3A = arith.constant 0 : i32
          %dma_wait3A_35 = tpu.memref_slice %arg9[%add3A, %dma_wait3A] : memref<10240x80xf32, #tpu.memory_space<vmem_shared>> -> memref<32x80xf32, #tpu.memory_space<vmem_shared>>
          %dma_wait3A_36 = arith.constant 0 : i32
          %dma_wait3A_37 = tpu.memref_slice %arg9[%add3A, %dma_wait3A_36] : memref<10240x80xf32, #tpu.memory_space<vmem_shared>> -> memref<32x80xf32, #tpu.memory_space<vmem_shared>>
          tpu.wait_dma2 semaphore(%run_scoped3A : memref<!tpu.dma_semaphore, #tpu.memory_space<semaphore_mem>>) src(%dma_wait3A_37 : memref<32x80xf32, #tpu.memory_space<vmem_shared>>) dst(%arg18 : memref<32x80xf32, #tpu.memory_space<vmem>>)
          tpu.yield
        }) : () -> ()
        "tpu.region"() ({
          %run_scoped3A = tpu.sem_alloc : memref<!tpu.dma_semaphore, #tpu.memory_space<semaphore_mem>>
          %dma_start3A = arith.constant 0 : i32
          %dma_start3A_32 = tpu.memref_slice %arg2[%add3A, %dma_start3A] : memref<10240x384xf32, #tpu.memory_space<hbm>> -> memref<32x384xf32, #tpu.memory_space<hbm>>
          %dma_start3A_33 = arith.constant 0 : i32
          %dma_start3A_34 = tpu.memref_slice %arg2[%add3A, %dma_start3A_33] : memref<10240x384xf32, #tpu.memory_space<hbm>> -> memref<32x384xf32, #tpu.memory_space<hbm>>
          tpu.enqueue_dma source(%dma_start3A_34 : memref<32x384xf32, #tpu.memory_space<hbm>>) target(%arg19 : memref<32x384xf32, #tpu.memory_space<vmem>>) target_semaphore(%run_scoped3A : memref<!tpu.dma_semaphore, #tpu.memory_space<semaphore_mem>>)
          %dma_wait3A = arith.constant 0 : i32
          %dma_wait3A_35 = tpu.memref_slice %arg2[%add3A, %dma_wait3A] : memref<10240x384xf32, #tpu.memory_space<hbm>> -> memref<32x384xf32, #tpu.memory_space<hbm>>
          %dma_wait3A_36 = arith.constant 0 : i32
          %dma_wait3A_37 = tpu.memref_slice %arg2[%add3A, %dma_wait3A_36] : memref<10240x384xf32, #tpu.memory_space<hbm>> -> memref<32x384xf32, #tpu.memory_space<hbm>>
          tpu.wait_dma2 semaphore(%run_scoped3A : memref<!tpu.dma_semaphore, #tpu.memory_space<semaphore_mem>>) src(%dma_wait3A_37 : memref<32x384xf32, #tpu.memory_space<hbm>>) dst(%arg19 : memref<32x384xf32, #tpu.memory_space<vmem>>)
          tpu.yield
        }) : () -> ()
        %scan3A_24 = arith.constant 0 : i32
        %scan3A_25 = arith.constant 0 : i32
        %scan3A_26 = arith.constant 32 : i32
        %scan3A_27 = arith.addi %scan3A_25, %scan3A_26 : i32
        %scan3A_28 = arith.constant 1 : i32
        %scan3A_29 = scf.for %scan3A_32 = %scan3A_25 to %scan3A_27 step %scan3A_28 iter_args(%scan3A_33 = %scan3A_24) -> (i32)  : i32 {
          %get3A = arith.index_cast %scan3A_32 : i32 to index
          %get3A_34 = arith.constant 64 : index
          %get3A_35 = tpu.vector_load %arg18[%get3A, %get3A_34] {strides = array<i32>} : memref<32x80xf32, #tpu.memory_space<vmem>>, vector<1x16xf32>,
          %get3A_36 = vector.shape_cast %get3A_35 : vector<1x16xf32> to vector<16xf32>
          %slice3A = vector.extract_strided_slice %get3A_36 {offsets = [0], sizes = [1], strides = [1]} : vector<16xf32> to vector<1xf32>
          %squeeze3A = vector.extract %slice3A[0] : f32 from vector<1xf32>
          %broadcast_in_dim3A = vector.broadcast %squeeze3A : f32 to vector<16xf32>
          %max3A = arith.constant 1.000000e+00 : f32
          %max3A_37 = vector.broadcast %max3A : f32 to vector<16xf32>
          %max3A_38 = arith.maximumf %broadcast_in_dim3A, %max3A_37 : vector<16xf32>
          %get3A_39 = arith.index_cast %scan3A_32 : i32 to index
          %get3A_40 = arith.constant 0 : index
          %get3A_41 = tpu.vector_load %arg18[%get3A_39, %get3A_40] {strides = array<i32>} : memref<32x80xf32, #tpu.memory_space<vmem>>, vector<1x16xf32>,
          %get3A_42 = vector.shape_cast %get3A_41 : vector<1x16xf32> to vector<16xf32>
          %get3A_43 = arith.index_cast %scan3A_32 : i32 to index
          %get3A_44 = arith.constant 320 : index
          %get3A_45 = tpu.vector_load %arg19[%get3A_43, %get3A_44] {strides = array<i32>} : memref<32x384xf32, #tpu.memory_space<vmem>>, vector<1x16xf32>,
          %get3A_46 = vector.shape_cast %get3A_45 : vector<1x16xf32> to vector<16xf32>
          %div3A = arith.divf %get3A_42, %max3A_38 : vector<16xf32>
          %add3A_47 = arith.addf %div3A, %get3A_46 : vector<16xf32>
          %max3A_48 = arith.constant 0.000000e+00 : f32
          %max3A_49 = vector.broadcast %max3A_48 : f32 to vector<16xf32>
          %max3A_50 = arith.maximumf %add3A_47, %max3A_49 : vector<16xf32>
          %swap3A = arith.index_cast %scan3A_32 : i32 to index
          %swap3A_51 = arith.constant 0 : index
          %swap3A_52 = tpu.vector_load %arg20[%swap3A, %swap3A_51] {strides = array<i32>} : memref<32x64xf32, #tpu.memory_space<vmem>>, vector<1x16xf32>,
          %swap3A_53 = vector.shape_cast %swap3A_52 : vector<1x16xf32> to vector<16xf32>
          %swap3A_54 = vector.shape_cast %max3A_50 : vector<16xf32> to vector<1x16xf32>
          tpu.vector_store %arg20[%swap3A, %swap3A_51], %swap3A_54 {strides = array<i32>} : memref<32x64xf32, #tpu.memory_space<vmem>>, vector<1x16xf32>,
          %get3A_55 = arith.index_cast %scan3A_32 : i32 to index
          %get3A_56 = arith.constant 16 : index
          %get3A_57 = tpu.vector_load %arg18[%get3A_55, %get3A_56] {strides = array<i32>} : memref<32x80xf32, #tpu.memory_space<vmem>>, vector<1x16xf32>,
          %get3A_58 = vector.shape_cast %get3A_57 : vector<1x16xf32> to vector<16xf32>
          %get3A_59 = arith.index_cast %scan3A_32 : i32 to index
          %get3A_60 = arith.constant 336 : index
          %get3A_61 = tpu.vector_load %arg19[%get3A_59, %get3A_60] {strides = array<i32>} : memref<32x384xf32, #tpu.memory_space<vmem>>, vector<1x16xf32>,
          %get3A_62 = vector.shape_cast %get3A_61 : vector<1x16xf32> to vector<16xf32>
          %div3A_63 = arith.divf %get3A_58, %max3A_38 : vector<16xf32>
          %add3A_64 = arith.addf %div3A_63, %get3A_62 : vector<16xf32>
          %max3A_65 = arith.constant 0.000000e+00 : f32
          %max3A_66 = vector.broadcast %max3A_65 : f32 to vector<16xf32>
          %max3A_67 = arith.maximumf %add3A_64, %max3A_66 : vector<16xf32>
          %swap3A_68 = arith.index_cast %scan3A_32 : i32 to index
          %swap3A_69 = arith.constant 16 : index
          %swap3A_70 = tpu.vector_load %arg20[%swap3A_68, %swap3A_69] {strides = array<i32>} : memref<32x64xf32, #tpu.memory_space<vmem>>, vector<1x16xf32>,
          %swap3A_71 = vector.shape_cast %swap3A_70 : vector<1x16xf32> to vector<16xf32>
          %swap3A_72 = vector.shape_cast %max3A_67 : vector<16xf32> to vector<1x16xf32>
          tpu.vector_store %arg20[%swap3A_68, %swap3A_69], %swap3A_72 {strides = array<i32>} : memref<32x64xf32, #tpu.memory_space<vmem>>, vector<1x16xf32>,
          %get3A_73 = arith.index_cast %scan3A_32 : i32 to index
          %get3A_74 = arith.constant 32 : index
          %get3A_75 = tpu.vector_load %arg18[%get3A_73, %get3A_74] {strides = array<i32>} : memref<32x80xf32, #tpu.memory_space<vmem>>, vector<1x16xf32>,
          %get3A_76 = vector.shape_cast %get3A_75 : vector<1x16xf32> to vector<16xf32>
          %get3A_77 = arith.index_cast %scan3A_32 : i32 to index
          %get3A_78 = arith.constant 352 : index
          %get3A_79 = tpu.vector_load %arg19[%get3A_77, %get3A_78] {strides = array<i32>} : memref<32x384xf32, #tpu.memory_space<vmem>>, vector<1x16xf32>,
          %get3A_80 = vector.shape_cast %get3A_79 : vector<1x16xf32> to vector<16xf32>
          %div3A_81 = arith.divf %get3A_76, %max3A_38 : vector<16xf32>
          %add3A_82 = arith.addf %div3A_81, %get3A_80 : vector<16xf32>
          %max3A_83 = arith.constant 0.000000e+00 : f32
          %max3A_84 = vector.broadcast %max3A_83 : f32 to vector<16xf32>
          %max3A_85 = arith.maximumf %add3A_82, %max3A_84 : vector<16xf32>
          %swap3A_86 = arith.index_cast %scan3A_32 : i32 to index
          %swap3A_87 = arith.constant 32 : index
          %swap3A_88 = tpu.vector_load %arg20[%swap3A_86, %swap3A_87] {strides = array<i32>} : memref<32x64xf32, #tpu.memory_space<vmem>>, vector<1x16xf32>,
          %swap3A_89 = vector.shape_cast %swap3A_88 : vector<1x16xf32> to vector<16xf32>
          %swap3A_90 = vector.shape_cast %max3A_85 : vector<16xf32> to vector<1x16xf32>
          tpu.vector_store %arg20[%swap3A_86, %swap3A_87], %swap3A_90 {strides = array<i32>} : memref<32x64xf32, #tpu.memory_space<vmem>>, vector<1x16xf32>,
          %get3A_91 = arith.index_cast %scan3A_32 : i32 to index
          %get3A_92 = arith.constant 48 : index
          %get3A_93 = tpu.vector_load %arg18[%get3A_91, %get3A_92] {strides = array<i32>} : memref<32x80xf32, #tpu.memory_space<vmem>>, vector<1x16xf32>,
          %get3A_94 = vector.shape_cast %get3A_93 : vector<1x16xf32> to vector<16xf32>
          %get3A_95 = arith.index_cast %scan3A_32 : i32 to index
          %get3A_96 = arith.constant 368 : index
          %get3A_97 = tpu.vector_load %arg19[%get3A_95, %get3A_96] {strides = array<i32>} : memref<32x384xf32, #tpu.memory_space<vmem>>, vector<1x16xf32>,
          %get3A_98 = vector.shape_cast %get3A_97 : vector<1x16xf32> to vector<16xf32>
          %div3A_99 = arith.divf %get3A_94, %max3A_38 : vector<16xf32>
          %add3A_100 = arith.addf %div3A_99, %get3A_98 : vector<16xf32>
          %max3A_101 = arith.constant 0.000000e+00 : f32
          %max3A_102 = vector.broadcast %max3A_101 : f32 to vector<16xf32>
          %max3A_103 = arith.maximumf %add3A_100, %max3A_102 : vector<16xf32>
          %swap3A_104 = arith.index_cast %scan3A_32 : i32 to index
          %swap3A_105 = arith.constant 48 : index
          %swap3A_106 = tpu.vector_load %arg20[%swap3A_104, %swap3A_105] {strides = array<i32>} : memref<32x64xf32, #tpu.memory_space<vmem>>, vector<1x16xf32>,
          %swap3A_107 = vector.shape_cast %swap3A_106 : vector<1x16xf32> to vector<16xf32>
          %swap3A_108 = vector.shape_cast %max3A_103 : vector<16xf32> to vector<1x16xf32>
          tpu.vector_store %arg20[%swap3A_104, %swap3A_105], %swap3A_108 {strides = array<i32>} : memref<32x64xf32, #tpu.memory_space<vmem>>, vector<1x16xf32>,
          %scan3A_109 = arith.constant 0 : i32
          scf.yield %scan3A_109 : i32
        }
        %scan3A_30 = arith.constant 32 : i32
        "tpu.region"() ({
          %run_scoped3A = tpu.sem_alloc : memref<!tpu.dma_semaphore, #tpu.memory_space<semaphore_mem>>
          %dma_start3A = arith.constant 0 : i32
          %dma_start3A_32 = tpu.memref_slice %arg8[%add3A, %dma_start3A] : memref<10240x64xf32, #tpu.memory_space<hbm>> -> memref<32x64xf32, #tpu.memory_space<hbm>>
          %dma_start3A_33 = arith.constant 0 : i32
          %dma_start3A_34 = tpu.memref_slice %arg8[%add3A, %dma_start3A_33] : memref<10240x64xf32, #tpu.memory_space<hbm>> -> memref<32x64xf32, #tpu.memory_space<hbm>>
          tpu.enqueue_dma source(%arg20 : memref<32x64xf32, #tpu.memory_space<vmem>>) target(%dma_start3A_34 : memref<32x64xf32, #tpu.memory_space<hbm>>) target_semaphore(%run_scoped3A : memref<!tpu.dma_semaphore, #tpu.memory_space<semaphore_mem>>)
          %dma_wait3A = arith.constant 0 : i32
          %dma_wait3A_35 = tpu.memref_slice %arg8[%add3A, %dma_wait3A] : memref<10240x64xf32, #tpu.memory_space<hbm>> -> memref<32x64xf32, #tpu.memory_space<hbm>>
          %dma_wait3A_36 = arith.constant 0 : i32
          %dma_wait3A_37 = tpu.memref_slice %arg8[%add3A, %dma_wait3A_36] : memref<10240x64xf32, #tpu.memory_space<hbm>> -> memref<32x64xf32, #tpu.memory_space<hbm>>
          tpu.wait_dma2 semaphore(%run_scoped3A : memref<!tpu.dma_semaphore, #tpu.memory_space<semaphore_mem>>) src(%arg20 : memref<32x64xf32, #tpu.memory_space<vmem>>) dst(%dma_wait3A_37 : memref<32x64xf32, #tpu.memory_space<hbm>>)
          tpu.yield
        }) : () -> ()
        %scan3A_31 = arith.constant 0 : i32
        scf.yield %scan3A_31 : i32
      }
      %scan3A_18 = arith.constant 20 : i32
    } else {
    }
    return
  }
}

#map = affine_map<(d0, d1) -> (0, 0)>
#map1 = affine_map<(d0, d1) -> (0)>
module attributes {stable_mosaic.version = 14 : i64} {
  func.func @_sc_body(%arg0: i32, %arg1: i32, %arg2: memref<10240x384xf32, #tpu.memory_space<hbm>>, %arg3: memref<20480xi32, #tpu.memory_space<hbm>>, %arg4: memref<20480xi32, #tpu.memory_space<hbm>>, %arg5: memref<20480xf32, #tpu.memory_space<hbm>>, %arg6: memref<32xf32, #tpu.memory_space<hbm>>, %arg7: memref<10240x128xf32, #tpu.memory_space<hbm>>, %arg8: memref<10240x64xf32, #tpu.memory_space<hbm>>, %arg9: memref<10240x80xf32, #tpu.memory_space<vmem_shared>>, %arg10: memref<64xi32, #tpu.memory_space<vmem>>, %arg11: memref<64xi32, #tpu.memory_space<vmem>>, %arg12: memref<80xf32, #tpu.memory_space<vmem>>, %arg13: memref<64x384xf32, #tpu.memory_space<vmem>>, %arg14: memref<64x80xf32, #tpu.memory_space<vmem>>, %arg15: memref<64x128xf32, #tpu.memory_space<vmem>>, %arg16: memref<64x128xf32, #tpu.memory_space<vmem>>, %arg17: memref<32xf32, #tpu.memory_space<vmem>>, %arg18: memref<32x80xf32, #tpu.memory_space<vmem>>, %arg19: memref<32x384xf32, #tpu.memory_space<vmem>>, %arg20: memref<32x64xf32, #tpu.memory_space<vmem>>, %arg21: memref<!tpu.dma_semaphore, #tpu.memory_space<semaphore_mem>>) attributes {dimension_semantics = [#tpu.dimension_semantics<core_parallel>, #tpu.dimension_semantics<subcore_parallel>], iteration_bounds = array<i64: 2, 16>, scalar_prefetch = 0 : i64, scratch_operands = 13 : i64, tpu.core_type = #tpu.core_type<sc_vector_subcore>, window_params = [{transform_indices = #map}, {transform_indices = #map1}, {transform_indices = #map1}, {transform_indices = #map1}, {transform_indices = #map1}, {transform_indices = #map}, {transform_indices = #map}]} {
    %eq3A = arith.constant 0 : i32
    %eq3A_0 = arith.cmpi eq, %arg0, %eq3A : i32
    %convert_element_type3A = arith.extui %eq3A_0 : i1 to i32
    %cond3A = arith.constant 0 : i32
    %cond3A_1 = arith.cmpi ne, %convert_element_type3A, %cond3A : i32
    scf.if %cond3A_1 {
      %scan3A = arith.constant 0 : i32
      %scan3A_13 = arith.constant 0 : i32
      %scan3A_14 = arith.constant 32 : i32
      %scan3A_15 = arith.addi %scan3A_13, %scan3A_14 : i32
      %scan3A_16 = arith.constant 1 : i32
      %scan3A_17 = scf.for %scan3A_26 = %scan3A_13 to %scan3A_15 step %scan3A_16 iter_args(%scan3A_27 = %scan3A) -> (i32)  : i32 {
        %broadcast_in_dim3A = arith.constant 0.000000e+00 : f32
        %broadcast_in_dim3A_28 = vector.broadcast %broadcast_in_dim3A : f32 to vector<16xf32>
        %swap3A = arith.index_cast %scan3A_26 : i32 to index
        %swap3A_29 = arith.constant 0 : index
        %swap3A_30 = tpu.vector_load %arg18[%swap3A, %swap3A_29] {strides = array<i32>} : memref<32x80xf32, #tpu.memory_space<vmem>>, vector<1x16xf32>,
        %swap3A_31 = vector.shape_cast %swap3A_30 : vector<1x16xf32> to vector<16xf32>
        %swap3A_32 = vector.shape_cast %broadcast_in_dim3A_28 : vector<16xf32> to vector<1x16xf32>
        tpu.vector_store %arg18[%swap3A, %swap3A_29], %swap3A_32 {strides = array<i32>} : memref<32x80xf32, #tpu.memory_space<vmem>>, vector<1x16xf32>,
        %broadcast_in_dim3A_33 = arith.constant 0.000000e+00 : f32
        %broadcast_in_dim3A_34 = vector.broadcast %broadcast_in_dim3A_33 : f32 to vector<16xf32>
        %swap3A_35 = arith.index_cast %scan3A_26 : i32 to index
        %swap3A_36 = arith.constant 16 : index
        %swap3A_37 = tpu.vector_load %arg18[%swap3A_35, %swap3A_36] {strides = array<i32>} : memref<32x80xf32, #tpu.memory_space<vmem>>, vector<1x16xf32>,
        %swap3A_38 = vector.shape_cast %swap3A_37 : vector<1x16xf32> to vector<16xf32>
        %swap3A_39 = vector.shape_cast %broadcast_in_dim3A_34 : vector<16xf32> to vector<1x16xf32>
        tpu.vector_store %arg18[%swap3A_35, %swap3A_36], %swap3A_39 {strides = array<i32>} : memref<32x80xf32, #tpu.memory_space<vmem>>, vector<1x16xf32>,
        %broadcast_in_dim3A_40 = arith.constant 0.000000e+00 : f32
        %broadcast_in_dim3A_41 = vector.broadcast %broadcast_in_dim3A_40 : f32 to vector<16xf32>
        %swap3A_42 = arith.index_cast %scan3A_26 : i32 to index
        %swap3A_43 = arith.constant 32 : index
        %swap3A_44 = tpu.vector_load %arg18[%swap3A_42, %swap3A_43] {strides = array<i32>} : memref<32x80xf32, #tpu.memory_space<vmem>>, vector<1x16xf32>,
        %swap3A_45 = vector.shape_cast %swap3A_44 : vector<1x16xf32> to vector<16xf32>
        %swap3A_46 = vector.shape_cast %broadcast_in_dim3A_41 : vector<16xf32> to vector<1x16xf32>
        tpu.vector_store %arg18[%swap3A_42, %swap3A_43], %swap3A_46 {strides = array<i32>} : memref<32x80xf32, #tpu.memory_space<vmem>>, vector<1x16xf32>,
        %broadcast_in_dim3A_47 = arith.constant 0.000000e+00 : f32
        %broadcast_in_dim3A_48 = vector.broadcast %broadcast_in_dim3A_47 : f32 to vector<16xf32>
        %swap3A_49 = arith.index_cast %scan3A_26 : i32 to index
        %swap3A_50 = arith.constant 48 : index
        %swap3A_51 = tpu.vector_load %arg18[%swap3A_49, %swap3A_50] {strides = array<i32>} : memref<32x80xf32, #tpu.memory_space<vmem>>, vector<1x16xf32>,
        %swap3A_52 = vector.shape_cast %swap3A_51 : vector<1x16xf32> to vector<16xf32>
        %swap3A_53 = vector.shape_cast %broadcast_in_dim3A_48 : vector<16xf32> to vector<1x16xf32>
        tpu.vector_store %arg18[%swap3A_49, %swap3A_50], %swap3A_53 {strides = array<i32>} : memref<32x80xf32, #tpu.memory_space<vmem>>, vector<1x16xf32>,
        %broadcast_in_dim3A_54 = arith.constant 0.000000e+00 : f32
        %broadcast_in_dim3A_55 = vector.broadcast %broadcast_in_dim3A_54 : f32 to vector<16xf32>
        %swap3A_56 = arith.index_cast %scan3A_26 : i32 to index
        %swap3A_57 = arith.constant 64 : index
        %swap3A_58 = tpu.vector_load %arg18[%swap3A_56, %swap3A_57] {strides = array<i32>} : memref<32x80xf32, #tpu.memory_space<vmem>>, vector<1x16xf32>,
        %swap3A_59 = vector.shape_cast %swap3A_58 : vector<1x16xf32> to vector<16xf32>
        %swap3A_60 = vector.shape_cast %broadcast_in_dim3A_55 : vector<16xf32> to vector<1x16xf32>
        tpu.vector_store %arg18[%swap3A_56, %swap3A_57], %swap3A_60 {strides = array<i32>} : memref<32x80xf32, #tpu.memory_space<vmem>>, vector<1x16xf32>,
        %scan3A_61 = arith.constant 0 : i32
        scf.yield %scan3A_61 : i32
      }
      %scan3A_18 = arith.constant 32 : i32
      %scan3A_19 = arith.constant 0 : i32
      %scan3A_20 = arith.constant 0 : i32
      %scan3A_21 = arith.constant 20 : i32
      %scan3A_22 = arith.addi %scan3A_20, %scan3A_21 : i32
      %scan3A_23 = arith.constant 1 : i32
      %scan3A_24 = scf.for %scan3A_26 = %scan3A_20 to %scan3A_22 step %scan3A_23 iter_args(%scan3A_27 = %scan3A_19) -> (i32)  : i32 {
        %mul3A = arith.constant 640 : i32
        %mul3A_28 = arith.muli %arg1, %mul3A : i32
        %mul3A_29 = arith.constant 32 : i32
        %mul3A_30 = arith.muli %scan3A_26, %mul3A_29 : i32
        %add3A = arith.addi %mul3A_28, %mul3A_30 : i32
        "tpu.region"() ({
          %run_scoped3A = tpu.sem_alloc : memref<!tpu.dma_semaphore, #tpu.memory_space<semaphore_mem>>
          %dma_start3A = arith.constant 0 : i32
          %dma_start3A_32 = tpu.memref_slice %arg9[%add3A, %dma_start3A] : memref<10240x80xf32, #tpu.memory_space<vmem_shared>> -> memref<32x80xf32, #tpu.memory_space<vmem_shared>>
          %dma_start3A_33 = arith.constant 0 : i32
          %dma_start3A_34 = tpu.memref_slice %arg9[%add3A, %dma_start3A_33] : memref<10240x80xf32, #tpu.memory_space<vmem_shared>> -> memref<32x80xf32, #tpu.memory_space<vmem_shared>>
          tpu.enqueue_dma source(%arg18 : memref<32x80xf32, #tpu.memory_space<vmem>>) target(%dma_start3A_34 : memref<32x80xf32, #tpu.memory_space<vmem_shared>>) target_semaphore(%run_scoped3A : memref<!tpu.dma_semaphore, #tpu.memory_space<semaphore_mem>>)
          %dma_wait3A = arith.constant 0 : i32
          %dma_wait3A_35 = tpu.memref_slice %arg9[%add3A, %dma_wait3A] : memref<10240x80xf32, #tpu.memory_space<vmem_shared>> -> memref<32x80xf32, #tpu.memory_space<vmem_shared>>
          %dma_wait3A_36 = arith.constant 0 : i32
          %dma_wait3A_37 = tpu.memref_slice %arg9[%add3A, %dma_wait3A_36] : memref<10240x80xf32, #tpu.memory_space<vmem_shared>> -> memref<32x80xf32, #tpu.memory_space<vmem_shared>>
          tpu.wait_dma2 semaphore(%run_scoped3A : memref<!tpu.dma_semaphore, #tpu.memory_space<semaphore_mem>>) src(%arg18 : memref<32x80xf32, #tpu.memory_space<vmem>>) dst(%dma_wait3A_37 : memref<32x80xf32, #tpu.memory_space<vmem_shared>>)
          tpu.yield
        }) : () -> ()
        %scan3A_31 = arith.constant 0 : i32
        scf.yield %scan3A_31 : i32
      }
      %scan3A_25 = arith.constant 20 : i32
    } else {
    }
    %barrier3A = arith.constant 0 : index
    tpu.barrier barrier_id(%barrier3A)
    %eq3A_2 = arith.constant 0 : i32
    %eq3A_3 = arith.cmpi eq, %arg0, %eq3A_2 : i32
    %convert_element_type3A_4 = arith.extui %eq3A_3 : i1 to i32
    %cond3A_5 = arith.constant 0 : i32
    %cond3A_6 = arith.cmpi ne, %convert_element_type3A_4, %cond3A_5 : i32
    scf.if %cond3A_6 {
      "tpu.region"() ({
        %run_scoped3A = tpu.sem_alloc : memref<!tpu.dma_semaphore, #tpu.memory_space<semaphore_mem>>
        tpu.enqueue_dma source(%arg6 : memref<32xf32, #tpu.memory_space<hbm>>) target(%arg17 : memref<32xf32, #tpu.memory_space<vmem>>) target_semaphore(%run_scoped3A : memref<!tpu.dma_semaphore, #tpu.memory_space<semaphore_mem>>)
        tpu.wait_dma2 semaphore(%run_scoped3A : memref<!tpu.dma_semaphore, #tpu.memory_space<semaphore_mem>>) src(%arg6 : memref<32xf32, #tpu.memory_space<hbm>>) dst(%arg17 : memref<32xf32, #tpu.memory_space<vmem>>)
        tpu.yield
      }) : () -> ()
      %scan3A = arith.constant 0 : i32
      %scan3A_13 = arith.constant 0 : i32
      %scan3A_14 = arith.constant 20 : i32
      %scan3A_15 = arith.addi %scan3A_13, %scan3A_14 : i32
      %scan3A_16 = arith.constant 1 : i32
      %scan3A_17 = scf.for %scan3A_19 = %scan3A_13 to %scan3A_15 step %scan3A_16 iter_args(%scan3A_20 = %scan3A) -> (i32)  : i32 {
        %mul3A = arith.constant 20 : i32
        %mul3A_21 = arith.muli %arg1, %mul3A : i32
        %add3A = arith.addi %mul3A_21, %scan3A_19 : i32
        %mul3A_22 = arith.constant 64 : i32
        %mul3A_23 = arith.muli %add3A, %mul3A_22 : i32
        "tpu.region"() ({
          %run_scoped3A = tpu.sem_alloc : memref<!tpu.dma_semaphore, #tpu.memory_space<semaphore_mem>>
          %dma_start3A_48 = tpu.memref_slice %arg3[%mul3A_23] : memref<20480xi32, #tpu.memory_space<hbm>> -> memref<64xi32, #tpu.memory_space<hbm>>
          %dma_start3A_49 = tpu.memref_slice %arg3[%mul3A_23] : memref<20480xi32, #tpu.memory_space<hbm>> -> memref<64xi32, #tpu.memory_space<hbm>>
          tpu.enqueue_dma source(%dma_start3A_49 : memref<64xi32, #tpu.memory_space<hbm>>) target(%arg10 : memref<64xi32, #tpu.memory_space<vmem>>) target_semaphore(%run_scoped3A : memref<!tpu.dma_semaphore, #tpu.memory_space<semaphore_mem>>)
          %dma_wait3A_50 = tpu.memref_slice %arg3[%mul3A_23] : memref<20480xi32, #tpu.memory_space<hbm>> -> memref<64xi32, #tpu.memory_space<hbm>>
          %dma_wait3A_51 = tpu.memref_slice %arg3[%mul3A_23] : memref<20480xi32, #tpu.memory_space<hbm>> -> memref<64xi32, #tpu.memory_space<hbm>>
          tpu.wait_dma2 semaphore(%run_scoped3A : memref<!tpu.dma_semaphore, #tpu.memory_space<semaphore_mem>>) src(%dma_wait3A_51 : memref<64xi32, #tpu.memory_space<hbm>>) dst(%arg10 : memref<64xi32, #tpu.memory_space<vmem>>)
          tpu.yield
        }) : () -> ()
        "tpu.region"() ({
          %run_scoped3A = tpu.sem_alloc : memref<!tpu.dma_semaphore, #tpu.memory_space<semaphore_mem>>
          %dma_start3A_48 = tpu.memref_slice %arg4[%mul3A_23] : memref<20480xi32, #tpu.memory_space<hbm>> -> memref<64xi32, #tpu.memory_space<hbm>>
          %dma_start3A_49 = tpu.memref_slice %arg4[%mul3A_23] : memref<20480xi32, #tpu.memory_space<hbm>> -> memref<64xi32, #tpu.memory_space<hbm>>
          tpu.enqueue_dma source(%dma_start3A_49 : memref<64xi32, #tpu.memory_space<hbm>>) target(%arg11 : memref<64xi32, #tpu.memory_space<vmem>>) target_semaphore(%run_scoped3A : memref<!tpu.dma_semaphore, #tpu.memory_space<semaphore_mem>>)
          %dma_wait3A_50 = tpu.memref_slice %arg4[%mul3A_23] : memref<20480xi32, #tpu.memory_space<hbm>> -> memref<64xi32, #tpu.memory_space<hbm>>
          %dma_wait3A_51 = tpu.memref_slice %arg4[%mul3A_23] : memref<20480xi32, #tpu.memory_space<hbm>> -> memref<64xi32, #tpu.memory_space<hbm>>
          tpu.wait_dma2 semaphore(%run_scoped3A : memref<!tpu.dma_semaphore, #tpu.memory_space<semaphore_mem>>) src(%dma_wait3A_51 : memref<64xi32, #tpu.memory_space<hbm>>) dst(%arg11 : memref<64xi32, #tpu.memory_space<vmem>>)
          tpu.yield
        }) : () -> ()
        "tpu.region"() ({
          %run_scoped3A = tpu.sem_alloc : memref<!tpu.dma_semaphore, #tpu.memory_space<semaphore_mem>>
          %dma_start3A_48 = arith.constant 0 : i32
          %dma_start3A_49 = tpu.memref_slice %arg12[%dma_start3A_48] : memref<80xf32, #tpu.memory_space<vmem>> -> memref<64xf32, #tpu.memory_space<vmem>>
          %dma_start3A_50 = tpu.memref_slice %arg5[%mul3A_23] : memref<20480xf32, #tpu.memory_space<hbm>> -> memref<64xf32, #tpu.memory_space<hbm>>
          %dma_start3A_51 = arith.constant 0 : i32
          %dma_start3A_52 = tpu.memref_slice %arg12[%dma_start3A_51] : memref<80xf32, #tpu.memory_space<vmem>> -> memref<64xf32, #tpu.memory_space<vmem>>
          %dma_start3A_53 = tpu.memref_slice %arg5[%mul3A_23] : memref<20480xf32, #tpu.memory_space<hbm>> -> memref<64xf32, #tpu.memory_space<hbm>>
          tpu.enqueue_dma source(%dma_start3A_53 : memref<64xf32, #tpu.memory_space<hbm>>) target(%dma_start3A_52 : memref<64xf32, #tpu.memory_space<vmem>>) target_semaphore(%run_scoped3A : memref<!tpu.dma_semaphore, #tpu.memory_space<semaphore_mem>>)
          %dma_wait3A_54 = arith.constant 0 : i32
          %dma_wait3A_55 = tpu.memref_slice %arg12[%dma_wait3A_54] : memref<80xf32, #tpu.memory_space<vmem>> -> memref<64xf32, #tpu.memory_space<vmem>>
          %dma_wait3A_56 = tpu.memref_slice %arg5[%mul3A_23] : memref<20480xf32, #tpu.memory_space<hbm>> -> memref<64xf32, #tpu.memory_space<hbm>>
          %dma_wait3A_57 = arith.constant 0 : i32
          %dma_wait3A_58 = tpu.memref_slice %arg12[%dma_wait3A_57] : memref<80xf32, #tpu.memory_space<vmem>> -> memref<64xf32, #tpu.memory_space<vmem>>
          %dma_wait3A_59 = tpu.memref_slice %arg5[%mul3A_23] : memref<20480xf32, #tpu.memory_space<hbm>> -> memref<64xf32, #tpu.memory_space<hbm>>
          tpu.wait_dma2 semaphore(%run_scoped3A : memref<!tpu.dma_semaphore, #tpu.memory_space<semaphore_mem>>) src(%dma_wait3A_59 : memref<64xf32, #tpu.memory_space<hbm>>) dst(%dma_wait3A_58 : memref<64xf32, #tpu.memory_space<vmem>>)
          tpu.yield
        }) : () -> ()
        %dma_start3A = arith.constant 0 : i32
        %dma_start3A_24 = arith.constant 0 : i32
        %dma_start3A_25 = tpu.memref_slice %arg2[%dma_start3A, %dma_start3A_24] : memref<10240x384xf32, #tpu.memory_space<hbm>> -> memref<10240x384xf32, #tpu.memory_space<hbm>>
        tpu.enqueue_indirect_dma source(%dma_start3A_25 : memref<10240x384xf32, #tpu.memory_space<hbm>>) target(%arg13 : memref<64x384xf32, #tpu.memory_space<vmem>>) offsets(%arg10 : memref<64xi32, #tpu.memory_space<vmem>>) semaphore(%arg21 : memref<!tpu.dma_semaphore, #tpu.memory_space<semaphore_mem>>)
        %dma_start3A_26 = arith.constant 0 : i32
        %dma_start3A_27 = arith.constant 0 : i32
        %dma_start3A_28 = tpu.memref_slice %arg7[%dma_start3A_26, %dma_start3A_27] : memref<10240x128xf32, #tpu.memory_space<hbm>> -> memref<10240x128xf32, #tpu.memory_space<hbm>>
        tpu.enqueue_indirect_dma source(%dma_start3A_28 : memref<10240x128xf32, #tpu.memory_space<hbm>>) target(%arg15 : memref<64x128xf32, #tpu.memory_space<vmem>>) offsets(%arg10 : memref<64xi32, #tpu.memory_space<vmem>>) semaphore(%arg21 : memref<!tpu.dma_semaphore, #tpu.memory_space<semaphore_mem>>)
        %dma_start3A_29 = arith.constant 0 : i32
        %dma_start3A_30 = arith.constant 0 : i32
        %dma_start3A_31 = tpu.memref_slice %arg7[%dma_start3A_29, %dma_start3A_30] : memref<10240x128xf32, #tpu.memory_space<hbm>> -> memref<10240x128xf32, #tpu.memory_space<hbm>>
        tpu.enqueue_indirect_dma source(%dma_start3A_31 : memref<10240x128xf32, #tpu.memory_space<hbm>>) target(%arg16 : memref<64x128xf32, #tpu.memory_space<vmem>>) offsets(%arg11 : memref<64xi32, #tpu.memory_space<vmem>>) semaphore(%arg21 : memref<!tpu.dma_semaphore, #tpu.memory_space<semaphore_mem>>)
        %dma_wait3A = arith.constant 0 : i32
        %dma_wait3A_32 = arith.constant 0 : i32
        %dma_wait3A_33 = tpu.memref_slice %arg2[%dma_wait3A, %dma_wait3A_32] : memref<10240x384xf32, #tpu.memory_space<hbm>> -> memref<10240x384xf32, #tpu.memory_space<hbm>>
        tpu.wait_indirect_dma semaphore(%arg21 : memref<!tpu.dma_semaphore, #tpu.memory_space<semaphore_mem>>) src(%dma_wait3A_33 : memref<10240x384xf32, #tpu.memory_space<hbm>>) dst(%arg13 : memref<64x384xf32, #tpu.memory_space<vmem>>)
        %dma_wait3A_34 = arith.constant 0 : i32
        %dma_wait3A_35 = arith.constant 0 : i32
        %dma_wait3A_36 = tpu.memref_slice %arg7[%dma_wait3A_34, %dma_wait3A_35] : memref<10240x128xf32, #tpu.memory_space<hbm>> -> memref<10240x128xf32, #tpu.memory_space<hbm>>
        tpu.wait_indirect_dma semaphore(%arg21 : memref<!tpu.dma_semaphore, #tpu.memory_space<semaphore_mem>>) src(%dma_wait3A_36 : memref<10240x128xf32, #tpu.memory_space<hbm>>) dst(%arg15 : memref<64x128xf32, #tpu.memory_space<vmem>>)
        %dma_wait3A_37 = arith.constant 0 : i32
        %dma_wait3A_38 = arith.constant 0 : i32
        %dma_wait3A_39 = tpu.memref_slice %arg7[%dma_wait3A_37, %dma_wait3A_38] : memref<10240x128xf32, #tpu.memory_space<hbm>> -> memref<10240x128xf32, #tpu.memory_space<hbm>>
        tpu.wait_indirect_dma semaphore(%arg21 : memref<!tpu.dma_semaphore, #tpu.memory_space<semaphore_mem>>) src(%dma_wait3A_39 : memref<10240x128xf32, #tpu.memory_space<hbm>>) dst(%arg16 : memref<64x128xf32, #tpu.memory_space<vmem>>)
        %scan3A_40 = arith.constant 0 : i32
        %scan3A_41 = arith.constant 0 : i32
        %scan3A_42 = arith.constant 64 : i32
        %scan3A_43 = arith.addi %scan3A_41, %scan3A_42 : i32
        %scan3A_44 = arith.constant 1 : i32
        %scan3A_45 = scf.for %scan3A_48 = %scan3A_41 to %scan3A_43 step %scan3A_44 iter_args(%scan3A_49 = %scan3A_40) -> (i32)  : i32 {
          %get3A = arith.index_cast %scan3A_48 : i32 to index
          %get3A_50 = tpu.vector_load %arg12[%get3A] {strides = array<i32>} : memref<80xf32, #tpu.memory_space<vmem>>, vector<16xf32>,
          %get3A_51 = vector.shape_cast %get3A_50 : vector<16xf32> to vector<16xf32>
          %slice3A = vector.extract_strided_slice %get3A_51 {offsets = [0], sizes = [1], strides = [1]} : vector<16xf32> to vector<1xf32>
          %squeeze3A = vector.extract %slice3A[0] : f32 from vector<1xf32>
          %broadcast_in_dim3A = vector.broadcast %squeeze3A : f32 to vector<16xf32>
          %get3A_52 = arith.index_cast %scan3A_48 : i32 to index
          %get3A_53 = arith.constant 0 : index
          %get3A_54 = tpu.vector_load %arg15[%get3A_52, %get3A_53] {strides = array<i32>} : memref<64x128xf32, #tpu.memory_space<vmem>>, vector<1x16xf32>,
          %get3A_55 = vector.shape_cast %get3A_54 : vector<1x16xf32> to vector<16xf32>
          %slice3A_56 = vector.extract_strided_slice %get3A_55 {offsets = [0], sizes = [1], strides = [1]} : vector<16xf32> to vector<1xf32>
          %squeeze3A_57 = vector.extract %slice3A_56[0] : f32 from vector<1xf32>
          %broadcast_in_dim3A_58 = vector.broadcast %squeeze3A_57 : f32 to vector<16xf32>
          %get3A_59 = arith.index_cast %scan3A_48 : i32 to index
          %get3A_60 = arith.constant 0 : index
          %get3A_61 = tpu.vector_load %arg16[%get3A_59, %get3A_60] {strides = array<i32>} : memref<64x128xf32, #tpu.memory_space<vmem>>, vector<1x16xf32>,
          %get3A_62 = vector.shape_cast %get3A_61 : vector<1x16xf32> to vector<16xf32>
          %slice3A_63 = vector.extract_strided_slice %get3A_62 {offsets = [0], sizes = [1], strides = [1]} : vector<16xf32> to vector<1xf32>
          %squeeze3A_64 = vector.extract %slice3A_63[0] : f32 from vector<1xf32>
          %broadcast_in_dim3A_65 = vector.broadcast %squeeze3A_64 : f32 to vector<16xf32>
          %mul3A_66 = arith.mulf %broadcast_in_dim3A_58, %broadcast_in_dim3A_65 : vector<16xf32>
          %get3A_67 = arith.constant 0 : index
          %get3A_68 = tpu.vector_load %arg17[%get3A_67] {strides = array<i32>} : memref<32xf32, #tpu.memory_space<vmem>>, vector<16xf32>,
          %get3A_69 = vector.shape_cast %get3A_68 : vector<16xf32> to vector<16xf32>
          %slice3A_70 = vector.extract_strided_slice %get3A_69 {offsets = [0], sizes = [1], strides = [1]} : vector<16xf32> to vector<1xf32>
          %squeeze3A_71 = vector.extract %slice3A_70[0] : f32 from vector<1xf32>
          %broadcast_in_dim3A_72 = vector.broadcast %squeeze3A_71 : f32 to vector<16xf32>
          %mul3A_73 = arith.mulf %broadcast_in_dim3A, %broadcast_in_dim3A_72 : vector<16xf32>
          %get3A_74 = arith.constant 4 : index
          %get3A_75 = tpu.vector_load %arg17[%get3A_74] {strides = array<i32>} : memref<32xf32, #tpu.memory_space<vmem>>, vector<16xf32>,
          %get3A_76 = vector.shape_cast %get3A_75 : vector<16xf32> to vector<16xf32>
          %slice3A_77 = vector.extract_strided_slice %get3A_76 {offsets = [0], sizes = [1], strides = [1]} : vector<16xf32> to vector<1xf32>
          %squeeze3A_78 = vector.extract %slice3A_77[0] : f32 from vector<1xf32>
          %broadcast_in_dim3A_79 = vector.broadcast %squeeze3A_78 : f32 to vector<16xf32>
          %add3A_80 = arith.addf %mul3A_73, %broadcast_in_dim3A_79 : vector<16xf32>
          %max3A = arith.constant 0.000000e+00 : f32
          %max3A_81 = vector.broadcast %max3A : f32 to vector<16xf32>
          %max3A_82 = arith.maximumf %add3A_80, %max3A_81 : vector<16xf32>
          %mul3A_83 = arith.mulf %max3A_82, %mul3A_66 : vector<16xf32>
          %get3A_84 = arith.constant 1 : index
          %get3A_85 = tpu.vector_load %arg17[%get3A_84] {strides = array<i32>} : memref<32xf32, #tpu.memory_space<vmem>>, vector<16xf32>,
          %get3A_86 = vector.shape_cast %get3A_85 : vector<16xf32> to vector<16xf32>
          %slice3A_87 = vector.extract_strided_slice %get3A_86 {offsets = [0], sizes = [1], strides = [1]} : vector<16xf32> to vector<1xf32>
          %squeeze3A_88 = vector.extract %slice3A_87[0] : f32 from vector<1xf32>
          %broadcast_in_dim3A_89 = vector.broadcast %squeeze3A_88 : f32 to vector<16xf32>
          %mul3A_90 = arith.mulf %broadcast_in_dim3A, %broadcast_in_dim3A_89 : vector<16xf32>
          %get3A_91 = arith.constant 5 : index
          %get3A_92 = tpu.vector_load %arg17[%get3A_91] {strides = array<i32>} : memref<32xf32, #tpu.memory_space<vmem>>, vector<16xf32>,
          %get3A_93 = vector.shape_cast %get3A_92 : vector<16xf32> to vector<16xf32>
          %slice3A_94 = vector.extract_strided_slice %get3A_93 {offsets = [0], sizes = [1], strides = [1]} : vector<16xf32> to vector<1xf32>
          %squeeze3A_95 = vector.extract %slice3A_94[0] : f32 from vector<1xf32>
          %broadcast_in_dim3A_96 = vector.broadcast %squeeze3A_95 : f32 to vector<16xf32>
          %add3A_97 = arith.addf %mul3A_90, %broadcast_in_dim3A_96 : vector<16xf32>
          %max3A_98 = arith.constant 0.000000e+00 : f32
          %max3A_99 = vector.broadcast %max3A_98 : f32 to vector<16xf32>
          %max3A_100 = arith.maximumf %add3A_97, %max3A_99 : vector<16xf32>
          %mul3A_101 = arith.mulf %max3A_100, %mul3A_66 : vector<16xf32>
          %get3A_102 = arith.constant 2 : index
          %get3A_103 = tpu.vector_load %arg17[%get3A_102] {strides = array<i32>} : memref<32xf32, #tpu.memory_space<vmem>>, vector<16xf32>,
          %get3A_104 = vector.shape_cast %get3A_103 : vector<16xf32> to vector<16xf32>
          %slice3A_105 = vector.extract_strided_slice %get3A_104 {offsets = [0], sizes = [1], strides = [1]} : vector<16xf32> to vector<1xf32>
          %squeeze3A_106 = vector.extract %slice3A_105[0] : f32 from vector<1xf32>
          %broadcast_in_dim3A_107 = vector.broadcast %squeeze3A_106 : f32 to vector<16xf32>
          %mul3A_108 = arith.mulf %broadcast_in_dim3A, %broadcast_in_dim3A_107 : vector<16xf32>
          %get3A_109 = arith.constant 6 : index
          %get3A_110 = tpu.vector_load %arg17[%get3A_109] {strides = array<i32>} : memref<32xf32, #tpu.memory_space<vmem>>, vector<16xf32>,
          %get3A_111 = vector.shape_cast %get3A_110 : vector<16xf32> to vector<16xf32>
          %slice3A_112 = vector.extract_strided_slice %get3A_111 {offsets = [0], sizes = [1], strides = [1]} : vector<16xf32> to vector<1xf32>
          %squeeze3A_113 = vector.extract %slice3A_112[0] : f32 from vector<1xf32>
          %broadcast_in_dim3A_114 = vector.broadcast %squeeze3A_113 : f32 to vector<16xf32>
          %add3A_115 = arith.addf %mul3A_108, %broadcast_in_dim3A_114 : vector<16xf32>
          %max3A_116 = arith.constant 0.000000e+00 : f32
          %max3A_117 = vector.broadcast %max3A_116 : f32 to vector<16xf32>
          %max3A_118 = arith.maximumf %add3A_115, %max3A_117 : vector<16xf32>
          %mul3A_119 = arith.mulf %max3A_118, %mul3A_66 : vector<16xf32>
          %get3A_120 = arith.constant 3 : index
          %get3A_121 = tpu.vector_load %arg17[%get3A_120] {strides = array<i32>} : memref<32xf32, #tpu.memory_space<vmem>>, vector<16xf32>,
          %get3A_122 = vector.shape_cast %get3A_121 : vector<16xf32> to vector<16xf32>
          %slice3A_123 = vector.extract_strided_slice %get3A_122 {offsets = [0], sizes = [1], strides = [1]} : vector<16xf32> to vector<1xf32>
          %squeeze3A_124 = vector.extract %slice3A_123[0] : f32 from vector<1xf32>
          %broadcast_in_dim3A_125 = vector.broadcast %squeeze3A_124 : f32 to vector<16xf32>
          %mul3A_126 = arith.mulf %broadcast_in_dim3A, %broadcast_in_dim3A_125 : vector<16xf32>
          %get3A_127 = arith.constant 7 : index
          %get3A_128 = tpu.vector_load %arg17[%get3A_127] {strides = array<i32>} : memref<32xf32, #tpu.memory_space<vmem>>, vector<16xf32>,
          %get3A_129 = vector.shape_cast %get3A_128 : vector<16xf32> to vector<16xf32>
          %slice3A_130 = vector.extract_strided_slice %get3A_129 {offsets = [0], sizes = [1], strides = [1]} : vector<16xf32> to vector<1xf32>
          %squeeze3A_131 = vector.extract %slice3A_130[0] : f32 from vector<1xf32>
          %broadcast_in_dim3A_132 = vector.broadcast %squeeze3A_131 : f32 to vector<16xf32>
          %add3A_133 = arith.addf %mul3A_126, %broadcast_in_dim3A_132 : vector<16xf32>
          %max3A_134 = arith.constant 0.000000e+00 : f32
          %max3A_135 = vector.broadcast %max3A_134 : f32 to vector<16xf32>
          %max3A_136 = arith.maximumf %add3A_133, %max3A_135 : vector<16xf32>
          %mul3A_137 = arith.mulf %max3A_136, %mul3A_66 : vector<16xf32>
          %get3A_138 = arith.index_cast %scan3A_48 : i32 to index
          %get3A_139 = arith.constant 256 : index
          %get3A_140 = tpu.vector_load %arg13[%get3A_138, %get3A_139] {strides = array<i32>} : memref<64x384xf32, #tpu.memory_space<vmem>>, vector<1x16xf32>,
          %get3A_141 = vector.shape_cast %get3A_140 : vector<1x16xf32> to vector<16xf32>
          %mul3A_142 = arith.mulf %mul3A_66, %get3A_141 : vector<16xf32>
          %get3A_143 = arith.index_cast %scan3A_48 : i32 to index
          %get3A_144 = arith.constant 0 : index
          %get3A_145 = tpu.vector_load %arg13[%get3A_143, %get3A_144] {strides = array<i32>} : memref<64x384xf32, #tpu.memory_space<vmem>>, vector<1x16xf32>,
          %get3A_146 = vector.shape_cast %get3A_145 : vector<1x16xf32> to vector<16xf32>
          %mul3A_147 = arith.mulf %mul3A_83, %get3A_146 : vector<16xf32>
          %add3A_148 = arith.addf %mul3A_142, %mul3A_147 : vector<16xf32>
          %get3A_149 = arith.index_cast %scan3A_48 : i32 to index
          %get3A_150 = arith.constant 64 : index
          %get3A_151 = tpu.vector_load %arg13[%get3A_149, %get3A_150] {strides = array<i32>} : memref<64x384xf32, #tpu.memory_space<vmem>>, vector<1x16xf32>,
          %get3A_152 = vector.shape_cast %get3A_151 : vector<1x16xf32> to vector<16xf32>
          %mul3A_153 = arith.mulf %mul3A_101, %get3A_152 : vector<16xf32>
          %add3A_154 = arith.addf %add3A_148, %mul3A_153 : vector<16xf32>
          %get3A_155 = arith.index_cast %scan3A_48 : i32 to index
          %get3A_156 = arith.constant 128 : index
          %get3A_157 = tpu.vector_load %arg13[%get3A_155, %get3A_156] {strides = array<i32>} : memref<64x384xf32, #tpu.memory_space<vmem>>, vector<1x16xf32>,
          %get3A_158 = vector.shape_cast %get3A_157 : vector<1x16xf32> to vector<16xf32>
          %mul3A_159 = arith.mulf %mul3A_119, %get3A_158 : vector<16xf32>
          %add3A_160 = arith.addf %add3A_154, %mul3A_159 : vector<16xf32>
          %get3A_161 = arith.index_cast %scan3A_48 : i32 to index
          %get3A_162 = arith.constant 192 : index
          %get3A_163 = tpu.vector_load %arg13[%get3A_161, %get3A_162] {strides = array<i32>} : memref<64x384xf32, #tpu.memory_space<vmem>>, vector<1x16xf32>,
          %get3A_164 = vector.shape_cast %get3A_163 : vector<1x16xf32> to vector<16xf32>
          %mul3A_165 = arith.mulf %mul3A_137, %get3A_164 : vector<16xf32>
          %add3A_166 = arith.addf %add3A_160, %mul3A_165 : vector<16xf32>
          %swap3A = arith.index_cast %scan3A_48 : i32 to index
          %swap3A_167 = arith.constant 0 : index
          %swap3A_168 = tpu.vector_load %arg14[%swap3A, %swap3A_167] {strides = array<i32>} : memref<64x80xf32, #tpu.memory_space<vmem>>, vector<1x16xf32>,
          %swap3A_169 = vector.shape_cast %swap3A_168 : vector<1x16xf32> to vector<16xf32>
          %swap3A_170 = vector.shape_cast %add3A_166 : vector<16xf32> to vector<1x16xf32>
          tpu.vector_store %arg14[%swap3A, %swap3A_167], %swap3A_170 {strides = array<i32>} : memref<64x80xf32, #tpu.memory_space<vmem>>, vector<1x16xf32>,
          %get3A_171 = arith.index_cast %scan3A_48 : i32 to index
          %get3A_172 = arith.constant 272 : index
          %get3A_173 = tpu.vector_load %arg13[%get3A_171, %get3A_172] {strides = array<i32>} : memref<64x384xf32, #tpu.memory_space<vmem>>, vector<1x16xf32>,
          %get3A_174 = vector.shape_cast %get3A_173 : vector<1x16xf32> to vector<16xf32>
          %mul3A_175 = arith.mulf %mul3A_66, %get3A_174 : vector<16xf32>
          %get3A_176 = arith.index_cast %scan3A_48 : i32 to index
          %get3A_177 = arith.constant 16 : index
          %get3A_178 = tpu.vector_load %arg13[%get3A_176, %get3A_177] {strides = array<i32>} : memref<64x384xf32, #tpu.memory_space<vmem>>, vector<1x16xf32>,
          %get3A_179 = vector.shape_cast %get3A_178 : vector<1x16xf32> to vector<16xf32>
          %mul3A_180 = arith.mulf %mul3A_83, %get3A_179 : vector<16xf32>
          %add3A_181 = arith.addf %mul3A_175, %mul3A_180 : vector<16xf32>
          %get3A_182 = arith.index_cast %scan3A_48 : i32 to index
          %get3A_183 = arith.constant 80 : index
          %get3A_184 = tpu.vector_load %arg13[%get3A_182, %get3A_183] {strides = array<i32>} : memref<64x384xf32, #tpu.memory_space<vmem>>, vector<1x16xf32>,
          %get3A_185 = vector.shape_cast %get3A_184 : vector<1x16xf32> to vector<16xf32>
          %mul3A_186 = arith.mulf %mul3A_101, %get3A_185 : vector<16xf32>
          %add3A_187 = arith.addf %add3A_181, %mul3A_186 : vector<16xf32>
          %get3A_188 = arith.index_cast %scan3A_48 : i32 to index
          %get3A_189 = arith.constant 144 : index
          %get3A_190 = tpu.vector_load %arg13[%get3A_188, %get3A_189] {strides = array<i32>} : memref<64x384xf32, #tpu.memory_space<vmem>>, vector<1x16xf32>,
          %get3A_191 = vector.shape_cast %get3A_190 : vector<1x16xf32> to vector<16xf32>
          %mul3A_192 = arith.mulf %mul3A_119, %get3A_191 : vector<16xf32>
          %add3A_193 = arith.addf %add3A_187, %mul3A_192 : vector<16xf32>
          %get3A_194 = arith.index_cast %scan3A_48 : i32 to index
          %get3A_195 = arith.constant 208 : index
          %get3A_196 = tpu.vector_load %arg13[%get3A_194, %get3A_195] {strides = array<i32>} : memref<64x384xf32, #tpu.memory_space<vmem>>, vector<1x16xf32>,
          %get3A_197 = vector.shape_cast %get3A_196 : vector<1x16xf32> to vector<16xf32>
          %mul3A_198 = arith.mulf %mul3A_137, %get3A_197 : vector<16xf32>
          %add3A_199 = arith.addf %add3A_193, %mul3A_198 : vector<16xf32>
          %swap3A_200 = arith.index_cast %scan3A_48 : i32 to index
          %swap3A_201 = arith.constant 16 : index
          %swap3A_202 = tpu.vector_load %arg14[%swap3A_200, %swap3A_201] {strides = array<i32>} : memref<64x80xf32, #tpu.memory_space<vmem>>, vector<1x16xf32>,
          %swap3A_203 = vector.shape_cast %swap3A_202 : vector<1x16xf32> to vector<16xf32>
          %swap3A_204 = vector.shape_cast %add3A_199 : vector<16xf32> to vector<1x16xf32>
          tpu.vector_store %arg14[%swap3A_200, %swap3A_201], %swap3A_204 {strides = array<i32>} : memref<64x80xf32, #tpu.memory_space<vmem>>, vector<1x16xf32>,
          %get3A_205 = arith.index_cast %scan3A_48 : i32 to index
          %get3A_206 = arith.constant 288 : index
          %get3A_207 = tpu.vector_load %arg13[%get3A_205, %get3A_206] {strides = array<i32>} : memref<64x384xf32, #tpu.memory_space<vmem>>, vector<1x16xf32>,
          %get3A_208 = vector.shape_cast %get3A_207 : vector<1x16xf32> to vector<16xf32>
          %mul3A_209 = arith.mulf %mul3A_66, %get3A_208 : vector<16xf32>
          %get3A_210 = arith.index_cast %scan3A_48 : i32 to index
          %get3A_211 = arith.constant 32 : index
          %get3A_212 = tpu.vector_load %arg13[%get3A_210, %get3A_211] {strides = array<i32>} : memref<64x384xf32, #tpu.memory_space<vmem>>, vector<1x16xf32>,
          %get3A_213 = vector.shape_cast %get3A_212 : vector<1x16xf32> to vector<16xf32>
          %mul3A_214 = arith.mulf %mul3A_83, %get3A_213 : vector<16xf32>
          %add3A_215 = arith.addf %mul3A_209, %mul3A_214 : vector<16xf32>
          %get3A_216 = arith.index_cast %scan3A_48 : i32 to index
          %get3A_217 = arith.constant 96 : index
          %get3A_218 = tpu.vector_load %arg13[%get3A_216, %get3A_217] {strides = array<i32>} : memref<64x384xf32, #tpu.memory_space<vmem>>, vector<1x16xf32>,
          %get3A_219 = vector.shape_cast %get3A_218 : vector<1x16xf32> to vector<16xf32>
          %mul3A_220 = arith.mulf %mul3A_101, %get3A_219 : vector<16xf32>
          %add3A_221 = arith.addf %add3A_215, %mul3A_220 : vector<16xf32>
          %get3A_222 = arith.index_cast %scan3A_48 : i32 to index
          %get3A_223 = arith.constant 160 : index
          %get3A_224 = tpu.vector_load %arg13[%get3A_222, %get3A_223] {strides = array<i32>} : memref<64x384xf32, #tpu.memory_space<vmem>>, vector<1x16xf32>,
          %get3A_225 = vector.shape_cast %get3A_224 : vector<1x16xf32> to vector<16xf32>
          %mul3A_226 = arith.mulf %mul3A_119, %get3A_225 : vector<16xf32>
          %add3A_227 = arith.addf %add3A_221, %mul3A_226 : vector<16xf32>
          %get3A_228 = arith.index_cast %scan3A_48 : i32 to index
          %get3A_229 = arith.constant 224 : index
          %get3A_230 = tpu.vector_load %arg13[%get3A_228, %get3A_229] {strides = array<i32>} : memref<64x384xf32, #tpu.memory_space<vmem>>, vector<1x16xf32>,
          %get3A_231 = vector.shape_cast %get3A_230 : vector<1x16xf32> to vector<16xf32>
          %mul3A_232 = arith.mulf %mul3A_137, %get3A_231 : vector<16xf32>
          %add3A_233 = arith.addf %add3A_227, %mul3A_232 : vector<16xf32>
          %swap3A_234 = arith.index_cast %scan3A_48 : i32 to index
          %swap3A_235 = arith.constant 32 : index
          %swap3A_236 = tpu.vector_load %arg14[%swap3A_234, %swap3A_235] {strides = array<i32>} : memref<64x80xf32, #tpu.memory_space<vmem>>, vector<1x16xf32>,
          %swap3A_237 = vector.shape_cast %swap3A_236 : vector<1x16xf32> to vector<16xf32>
          %swap3A_238 = vector.shape_cast %add3A_233 : vector<16xf32> to vector<1x16xf32>
          tpu.vector_store %arg14[%swap3A_234, %swap3A_235], %swap3A_238 {strides = array<i32>} : memref<64x80xf32, #tpu.memory_space<vmem>>, vector<1x16xf32>,
          %get3A_239 = arith.index_cast %scan3A_48 : i32 to index
          %get3A_240 = arith.constant 304 : index
          %get3A_241 = tpu.vector_load %arg13[%get3A_239, %get3A_240] {strides = array<i32>} : memref<64x384xf32, #tpu.memory_space<vmem>>, vector<1x16xf32>,
          %get3A_242 = vector.shape_cast %get3A_241 : vector<1x16xf32> to vector<16xf32>
          %mul3A_243 = arith.mulf %mul3A_66, %get3A_242 : vector<16xf32>
          %get3A_244 = arith.index_cast %scan3A_48 : i32 to index
          %get3A_245 = arith.constant 48 : index
          %get3A_246 = tpu.vector_load %arg13[%get3A_244, %get3A_245] {strides = array<i32>} : memref<64x384xf32, #tpu.memory_space<vmem>>, vector<1x16xf32>,
          %get3A_247 = vector.shape_cast %get3A_246 : vector<1x16xf32> to vector<16xf32>
          %mul3A_248 = arith.mulf %mul3A_83, %get3A_247 : vector<16xf32>
          %add3A_249 = arith.addf %mul3A_243, %mul3A_248 : vector<16xf32>
          %get3A_250 = arith.index_cast %scan3A_48 : i32 to index
          %get3A_251 = arith.constant 112 : index
          %get3A_252 = tpu.vector_load %arg13[%get3A_250, %get3A_251] {strides = array<i32>} : memref<64x384xf32, #tpu.memory_space<vmem>>, vector<1x16xf32>,
          %get3A_253 = vector.shape_cast %get3A_252 : vector<1x16xf32> to vector<16xf32>
          %mul3A_254 = arith.mulf %mul3A_101, %get3A_253 : vector<16xf32>
          %add3A_255 = arith.addf %add3A_249, %mul3A_254 : vector<16xf32>
          %get3A_256 = arith.index_cast %scan3A_48 : i32 to index
          %get3A_257 = arith.constant 176 : index
          %get3A_258 = tpu.vector_load %arg13[%get3A_256, %get3A_257] {strides = array<i32>} : memref<64x384xf32, #tpu.memory_space<vmem>>, vector<1x16xf32>,
          %get3A_259 = vector.shape_cast %get3A_258 : vector<1x16xf32> to vector<16xf32>
          %mul3A_260 = arith.mulf %mul3A_119, %get3A_259 : vector<16xf32>
          %add3A_261 = arith.addf %add3A_255, %mul3A_260 : vector<16xf32>
          %get3A_262 = arith.index_cast %scan3A_48 : i32 to index
          %get3A_263 = arith.constant 240 : index
          %get3A_264 = tpu.vector_load %arg13[%get3A_262, %get3A_263] {strides = array<i32>} : memref<64x384xf32, #tpu.memory_space<vmem>>, vector<1x16xf32>,
          %get3A_265 = vector.shape_cast %get3A_264 : vector<1x16xf32> to vector<16xf32>
          %mul3A_266 = arith.mulf %mul3A_137, %get3A_265 : vector<16xf32>
          %add3A_267 = arith.addf %add3A_261, %mul3A_266 : vector<16xf32>
          %swap3A_268 = arith.index_cast %scan3A_48 : i32 to index
          %swap3A_269 = arith.constant 48 : index
          %swap3A_270 = tpu.vector_load %arg14[%swap3A_268, %swap3A_269] {strides = array<i32>} : memref<64x80xf32, #tpu.memory_space<vmem>>, vector<1x16xf32>,
          %swap3A_271 = vector.shape_cast %swap3A_270 : vector<1x16xf32> to vector<16xf32>
          %swap3A_272 = vector.shape_cast %add3A_267 : vector<16xf32> to vector<1x16xf32>
          tpu.vector_store %arg14[%swap3A_268, %swap3A_269], %swap3A_272 {strides = array<i32>} : memref<64x80xf32, #tpu.memory_space<vmem>>, vector<1x16xf32>,
          %get3A_273 = arith.constant 16 : index
          %get3A_274 = tpu.vector_load %arg17[%get3A_273] {strides = array<i32>} : memref<32xf32, #tpu.memory_space<vmem>>, vector<16xf32>,
          %get3A_275 = vector.shape_cast %get3A_274 : vector<16xf32> to vector<16xf32>
          %mul3A_276 = arith.mulf %mul3A_66, %get3A_275 : vector<16xf32>
          %swap3A_277 = arith.index_cast %scan3A_48 : i32 to index
          %swap3A_278 = arith.constant 64 : index
          %swap3A_279 = tpu.vector_load %arg14[%swap3A_277, %swap3A_278] {strides = array<i32>} : memref<64x80xf32, #tpu.memory_space<vmem>>, vector<1x16xf32>,
          %swap3A_280 = vector.shape_cast %swap3A_279 : vector<1x16xf32> to vector<16xf32>
          %swap3A_281 = vector.shape_cast %mul3A_276 : vector<16xf32> to vector<1x16xf32>
          tpu.vector_store %arg14[%swap3A_277, %swap3A_278], %swap3A_281 {strides = array<i32>} : memref<64x80xf32, #tpu.memory_space<vmem>>, vector<1x16xf32>,
          %scan3A_282 = arith.constant 0 : i32
          scf.yield %scan3A_282 : i32
        }
        %scan3A_46 = arith.constant 64 : i32
        "tpu.region"() ({
          %run_scoped3A = tpu.sem_alloc : memref<!tpu.dma_semaphore, #tpu.memory_space<semaphore_mem>>
          %dma_start3A_48 = arith.constant 0 : i32
          %dma_start3A_49 = arith.constant 0 : i32
          %dma_start3A_50 = tpu.memref_slice %arg9[%dma_start3A_48, %dma_start3A_49] : memref<10240x80xf32, #tpu.memory_space<vmem_shared>> -> memref<10240x80xf32, #tpu.memory_space<vmem_shared>>
          tpu.enqueue_indirect_dma source(%arg14 : memref<64x80xf32, #tpu.memory_space<vmem>>) target(%dma_start3A_50 : memref<10240x80xf32, #tpu.memory_space<vmem_shared>>) offsets(%arg11 : memref<64xi32, #tpu.memory_space<vmem>>) semaphore(%run_scoped3A : memref<!tpu.dma_semaphore, #tpu.memory_space<semaphore_mem>>) {add = true}
          %dma_wait3A_51 = arith.constant 0 : i32
          %dma_wait3A_52 = arith.constant 0 : i32
          %dma_wait3A_53 = tpu.memref_slice %arg9[%dma_wait3A_51, %dma_wait3A_52] : memref<10240x80xf32, #tpu.memory_space<vmem_shared>> -> memref<10240x80xf32, #tpu.memory_space<vmem_shared>>
          tpu.wait_indirect_dma semaphore(%run_scoped3A : memref<!tpu.dma_semaphore, #tpu.memory_space<semaphore_mem>>) src(%arg14 : memref<64x80xf32, #tpu.memory_space<vmem>>) dst(%dma_wait3A_53 : memref<10240x80xf32, #tpu.memory_space<vmem_shared>>)
          tpu.yield
        }) : () -> ()
        %scan3A_47 = arith.constant 0 : i32
        scf.yield %scan3A_47 : i32
      }
      %scan3A_18 = arith.constant 20 : i32
    } else {
    }
    %barrier3A_7 = arith.constant 0 : index
    tpu.barrier barrier_id(%barrier3A_7)
    %eq3A_8 = arith.constant 0 : i32
    %eq3A_9 = arith.cmpi eq, %arg0, %eq3A_8 : i32
    %convert_element_type3A_10 = arith.extui %eq3A_9 : i1 to i32
    %cond3A_11 = arith.constant 0 : i32
    %cond3A_12 = arith.cmpi ne, %convert_element_type3A_10, %cond3A_11 : i32
    scf.if %cond3A_12 {
      %scan3A = arith.constant 0 : i32
      %scan3A_13 = arith.constant 0 : i32
      %scan3A_14 = arith.constant 20 : i32
      %scan3A_15 = arith.addi %scan3A_13, %scan3A_14 : i32
      %scan3A_16 = arith.constant 1 : i32
      %scan3A_17 = scf.for %scan3A_19 = %scan3A_13 to %scan3A_15 step %scan3A_16 iter_args(%scan3A_20 = %scan3A) -> (i32)  : i32 {
        %mul3A = arith.constant 640 : i32
        %mul3A_21 = arith.muli %arg1, %mul3A : i32
        %mul3A_22 = arith.constant 32 : i32
        %mul3A_23 = arith.muli %scan3A_19, %mul3A_22 : i32
        %add3A = arith.addi %mul3A_21, %mul3A_23 : i32
        "tpu.region"() ({
          %run_scoped3A = tpu.sem_alloc : memref<!tpu.dma_semaphore, #tpu.memory_space<semaphore_mem>>
          %dma_start3A = arith.constant 0 : i32
          %dma_start3A_32 = tpu.memref_slice %arg9[%add3A, %dma_start3A] : memref<10240x80xf32, #tpu.memory_space<vmem_shared>> -> memref<32x80xf32, #tpu.memory_space<vmem_shared>>
          %dma_start3A_33 = arith.constant 0 : i32
          %dma_start3A_34 = tpu.memref_slice %arg9[%add3A, %dma_start3A_33] : memref<10240x80xf32, #tpu.memory_space<vmem_shared>> -> memref<32x80xf32, #tpu.memory_space<vmem_shared>>
          tpu.enqueue_dma source(%dma_start3A_34 : memref<32x80xf32, #tpu.memory_space<vmem_shared>>) target(%arg18 : memref<32x80xf32, #tpu.memory_space<vmem>>) target_semaphore(%run_scoped3A : memref<!tpu.dma_semaphore, #tpu.memory_space<semaphore_mem>>)
          %dma_wait3A = arith.constant 0 : i32
          %dma_wait3A_35 = tpu.memref_slice %arg9[%add3A, %dma_wait3A] : memref<10240x80xf32, #tpu.memory_space<vmem_shared>> -> memref<32x80xf32, #tpu.memory_space<vmem_shared>>
          %dma_wait3A_36 = arith.constant 0 : i32
          %dma_wait3A_37 = tpu.memref_slice %arg9[%add3A, %dma_wait3A_36] : memref<10240x80xf32, #tpu.memory_space<vmem_shared>> -> memref<32x80xf32, #tpu.memory_space<vmem_shared>>
          tpu.wait_dma2 semaphore(%run_scoped3A : memref<!tpu.dma_semaphore, #tpu.memory_space<semaphore_mem>>) src(%dma_wait3A_37 : memref<32x80xf32, #tpu.memory_space<vmem_shared>>) dst(%arg18 : memref<32x80xf32, #tpu.memory_space<vmem>>)
          tpu.yield
        }) : () -> ()
        "tpu.region"() ({
          %run_scoped3A = tpu.sem_alloc : memref<!tpu.dma_semaphore, #tpu.memory_space<semaphore_mem>>
          %dma_start3A = arith.constant 0 : i32
          %dma_start3A_32 = tpu.memref_slice %arg2[%add3A, %dma_start3A] : memref<10240x384xf32, #tpu.memory_space<hbm>> -> memref<32x384xf32, #tpu.memory_space<hbm>>
          %dma_start3A_33 = arith.constant 0 : i32
          %dma_start3A_34 = tpu.memref_slice %arg2[%add3A, %dma_start3A_33] : memref<10240x384xf32, #tpu.memory_space<hbm>> -> memref<32x384xf32, #tpu.memory_space<hbm>>
          tpu.enqueue_dma source(%dma_start3A_34 : memref<32x384xf32, #tpu.memory_space<hbm>>) target(%arg19 : memref<32x384xf32, #tpu.memory_space<vmem>>) target_semaphore(%run_scoped3A : memref<!tpu.dma_semaphore, #tpu.memory_space<semaphore_mem>>)
          %dma_wait3A = arith.constant 0 : i32
          %dma_wait3A_35 = tpu.memref_slice %arg2[%add3A, %dma_wait3A] : memref<10240x384xf32, #tpu.memory_space<hbm>> -> memref<32x384xf32, #tpu.memory_space<hbm>>
          %dma_wait3A_36 = arith.constant 0 : i32
          %dma_wait3A_37 = tpu.memref_slice %arg2[%add3A, %dma_wait3A_36] : memref<10240x384xf32, #tpu.memory_space<hbm>> -> memref<32x384xf32, #tpu.memory_space<hbm>>
          tpu.wait_dma2 semaphore(%run_scoped3A : memref<!tpu.dma_semaphore, #tpu.memory_space<semaphore_mem>>) src(%dma_wait3A_37 : memref<32x384xf32, #tpu.memory_space<hbm>>) dst(%arg19 : memref<32x384xf32, #tpu.memory_space<vmem>>)
          tpu.yield
        }) : () -> ()
        %scan3A_24 = arith.constant 0 : i32
        %scan3A_25 = arith.constant 0 : i32
        %scan3A_26 = arith.constant 32 : i32
        %scan3A_27 = arith.addi %scan3A_25, %scan3A_26 : i32
        %scan3A_28 = arith.constant 1 : i32
        %scan3A_29 = scf.for %scan3A_32 = %scan3A_25 to %scan3A_27 step %scan3A_28 iter_args(%scan3A_33 = %scan3A_24) -> (i32)  : i32 {
          %get3A = arith.index_cast %scan3A_32 : i32 to index
          %get3A_34 = arith.constant 64 : index
          %get3A_35 = tpu.vector_load %arg18[%get3A, %get3A_34] {strides = array<i32>} : memref<32x80xf32, #tpu.memory_space<vmem>>, vector<1x16xf32>,
          %get3A_36 = vector.shape_cast %get3A_35 : vector<1x16xf32> to vector<16xf32>
          %slice3A = vector.extract_strided_slice %get3A_36 {offsets = [0], sizes = [1], strides = [1]} : vector<16xf32> to vector<1xf32>
          %squeeze3A = vector.extract %slice3A[0] : f32 from vector<1xf32>
          %broadcast_in_dim3A = vector.broadcast %squeeze3A : f32 to vector<16xf32>
          %max3A = arith.constant 1.000000e+00 : f32
          %max3A_37 = vector.broadcast %max3A : f32 to vector<16xf32>
          %max3A_38 = arith.maximumf %broadcast_in_dim3A, %max3A_37 : vector<16xf32>
          %get3A_39 = arith.index_cast %scan3A_32 : i32 to index
          %get3A_40 = arith.constant 0 : index
          %get3A_41 = tpu.vector_load %arg18[%get3A_39, %get3A_40] {strides = array<i32>} : memref<32x80xf32, #tpu.memory_space<vmem>>, vector<1x16xf32>,
          %get3A_42 = vector.shape_cast %get3A_41 : vector<1x16xf32> to vector<16xf32>
          %get3A_43 = arith.index_cast %scan3A_32 : i32 to index
          %get3A_44 = arith.constant 320 : index
          %get3A_45 = tpu.vector_load %arg19[%get3A_43, %get3A_44] {strides = array<i32>} : memref<32x384xf32, #tpu.memory_space<vmem>>, vector<1x16xf32>,
          %get3A_46 = vector.shape_cast %get3A_45 : vector<1x16xf32> to vector<16xf32>
          %div3A = arith.divf %get3A_42, %max3A_38 : vector<16xf32>
          %add3A_47 = arith.addf %div3A, %get3A_46 : vector<16xf32>
          %max3A_48 = arith.constant 0.000000e+00 : f32
          %max3A_49 = vector.broadcast %max3A_48 : f32 to vector<16xf32>
          %max3A_50 = arith.maximumf %add3A_47, %max3A_49 : vector<16xf32>
          %swap3A = arith.index_cast %scan3A_32 : i32 to index
          %swap3A_51 = arith.constant 0 : index
          %swap3A_52 = tpu.vector_load %arg20[%swap3A, %swap3A_51] {strides = array<i32>} : memref<32x64xf32, #tpu.memory_space<vmem>>, vector<1x16xf32>,
          %swap3A_53 = vector.shape_cast %swap3A_52 : vector<1x16xf32> to vector<16xf32>
          %swap3A_54 = vector.shape_cast %max3A_50 : vector<16xf32> to vector<1x16xf32>
          tpu.vector_store %arg20[%swap3A, %swap3A_51], %swap3A_54 {strides = array<i32>} : memref<32x64xf32, #tpu.memory_space<vmem>>, vector<1x16xf32>,
          %get3A_55 = arith.index_cast %scan3A_32 : i32 to index
          %get3A_56 = arith.constant 16 : index
          %get3A_57 = tpu.vector_load %arg18[%get3A_55, %get3A_56] {strides = array<i32>} : memref<32x80xf32, #tpu.memory_space<vmem>>, vector<1x16xf32>,
          %get3A_58 = vector.shape_cast %get3A_57 : vector<1x16xf32> to vector<16xf32>
          %get3A_59 = arith.index_cast %scan3A_32 : i32 to index
          %get3A_60 = arith.constant 336 : index
          %get3A_61 = tpu.vector_load %arg19[%get3A_59, %get3A_60] {strides = array<i32>} : memref<32x384xf32, #tpu.memory_space<vmem>>, vector<1x16xf32>,
          %get3A_62 = vector.shape_cast %get3A_61 : vector<1x16xf32> to vector<16xf32>
          %div3A_63 = arith.divf %get3A_58, %max3A_38 : vector<16xf32>
          %add3A_64 = arith.addf %div3A_63, %get3A_62 : vector<16xf32>
          %max3A_65 = arith.constant 0.000000e+00 : f32
          %max3A_66 = vector.broadcast %max3A_65 : f32 to vector<16xf32>
          %max3A_67 = arith.maximumf %add3A_64, %max3A_66 : vector<16xf32>
          %swap3A_68 = arith.index_cast %scan3A_32 : i32 to index
          %swap3A_69 = arith.constant 16 : index
          %swap3A_70 = tpu.vector_load %arg20[%swap3A_68, %swap3A_69] {strides = array<i32>} : memref<32x64xf32, #tpu.memory_space<vmem>>, vector<1x16xf32>,
          %swap3A_71 = vector.shape_cast %swap3A_70 : vector<1x16xf32> to vector<16xf32>
          %swap3A_72 = vector.shape_cast %max3A_67 : vector<16xf32> to vector<1x16xf32>
          tpu.vector_store %arg20[%swap3A_68, %swap3A_69], %swap3A_72 {strides = array<i32>} : memref<32x64xf32, #tpu.memory_space<vmem>>, vector<1x16xf32>,
          %get3A_73 = arith.index_cast %scan3A_32 : i32 to index
          %get3A_74 = arith.constant 32 : index
          %get3A_75 = tpu.vector_load %arg18[%get3A_73, %get3A_74] {strides = array<i32>} : memref<32x80xf32, #tpu.memory_space<vmem>>, vector<1x16xf32>,
          %get3A_76 = vector.shape_cast %get3A_75 : vector<1x16xf32> to vector<16xf32>
          %get3A_77 = arith.index_cast %scan3A_32 : i32 to index
          %get3A_78 = arith.constant 352 : index
          %get3A_79 = tpu.vector_load %arg19[%get3A_77, %get3A_78] {strides = array<i32>} : memref<32x384xf32, #tpu.memory_space<vmem>>, vector<1x16xf32>,
          %get3A_80 = vector.shape_cast %get3A_79 : vector<1x16xf32> to vector<16xf32>
          %div3A_81 = arith.divf %get3A_76, %max3A_38 : vector<16xf32>
          %add3A_82 = arith.addf %div3A_81, %get3A_80 : vector<16xf32>
          %max3A_83 = arith.constant 0.000000e+00 : f32
          %max3A_84 = vector.broadcast %max3A_83 : f32 to vector<16xf32>
          %max3A_85 = arith.maximumf %add3A_82, %max3A_84 : vector<16xf32>
          %swap3A_86 = arith.index_cast %scan3A_32 : i32 to index
          %swap3A_87 = arith.constant 32 : index
          %swap3A_88 = tpu.vector_load %arg20[%swap3A_86, %swap3A_87] {strides = array<i32>} : memref<32x64xf32, #tpu.memory_space<vmem>>, vector<1x16xf32>,
          %swap3A_89 = vector.shape_cast %swap3A_88 : vector<1x16xf32> to vector<16xf32>
          %swap3A_90 = vector.shape_cast %max3A_85 : vector<16xf32> to vector<1x16xf32>
          tpu.vector_store %arg20[%swap3A_86, %swap3A_87], %swap3A_90 {strides = array<i32>} : memref<32x64xf32, #tpu.memory_space<vmem>>, vector<1x16xf32>,
          %get3A_91 = arith.index_cast %scan3A_32 : i32 to index
          %get3A_92 = arith.constant 48 : index
          %get3A_93 = tpu.vector_load %arg18[%get3A_91, %get3A_92] {strides = array<i32>} : memref<32x80xf32, #tpu.memory_space<vmem>>, vector<1x16xf32>,
          %get3A_94 = vector.shape_cast %get3A_93 : vector<1x16xf32> to vector<16xf32>
          %get3A_95 = arith.index_cast %scan3A_32 : i32 to index
          %get3A_96 = arith.constant 368 : index
          %get3A_97 = tpu.vector_load %arg19[%get3A_95, %get3A_96] {strides = array<i32>} : memref<32x384xf32, #tpu.memory_space<vmem>>, vector<1x16xf32>,
          %get3A_98 = vector.shape_cast %get3A_97 : vector<1x16xf32> to vector<16xf32>
          %div3A_99 = arith.divf %get3A_94, %max3A_38 : vector<16xf32>
          %add3A_100 = arith.addf %div3A_99, %get3A_98 : vector<16xf32>
          %max3A_101 = arith.constant 0.000000e+00 : f32
          %max3A_102 = vector.broadcast %max3A_101 : f32 to vector<16xf32>
          %max3A_103 = arith.maximumf %add3A_100, %max3A_102 : vector<16xf32>
          %swap3A_104 = arith.index_cast %scan3A_32 : i32 to index
          %swap3A_105 = arith.constant 48 : index
          %swap3A_106 = tpu.vector_load %arg20[%swap3A_104, %swap3A_105] {strides = array<i32>} : memref<32x64xf32, #tpu.memory_space<vmem>>, vector<1x16xf32>,
          %swap3A_107 = vector.shape_cast %swap3A_106 : vector<1x16xf32> to vector<16xf32>
          %swap3A_108 = vector.shape_cast %max3A_103 : vector<16xf32> to vector<1x16xf32>
          tpu.vector_store %arg20[%swap3A_104, %swap3A_105], %swap3A_108 {strides = array<i32>} : memref<32x64xf32, #tpu.memory_space<vmem>>, vector<1x16xf32>,
          %scan3A_109 = arith.constant 0 : i32
          scf.yield %scan3A_109 : i32
        }
        %scan3A_30 = arith.constant 32 : i32
        "tpu.region"() ({
          %run_scoped3A = tpu.sem_alloc : memref<!tpu.dma_semaphore, #tpu.memory_space<semaphore_mem>>
          %dma_start3A = arith.constant 0 : i32
          %dma_start3A_32 = tpu.memref_slice %arg8[%add3A, %dma_start3A] : memref<10240x64xf32, #tpu.memory_space<hbm>> -> memref<32x64xf32, #tpu.memory_space<hbm>>
          %dma_start3A_33 = arith.constant 0 : i32
          %dma_start3A_34 = tpu.memref_slice %arg8[%add3A, %dma_start3A_33] : memref<10240x64xf32, #tpu.memory_space<hbm>> -> memref<32x64xf32, #tpu.memory_space<hbm>>
          tpu.enqueue_dma source(%arg20 : memref<32x64xf32, #tpu.memory_space<vmem>>) target(%dma_start3A_34 : memref<32x64xf32, #tpu.memory_space<hbm>>) target_semaphore(%run_scoped3A : memref<!tpu.dma_semaphore, #tpu.memory_space<semaphore_mem>>)
          %dma_wait3A = arith.constant 0 : i32
          %dma_wait3A_35 = tpu.memref_slice %arg8[%add3A, %dma_wait3A] : memref<10240x64xf32, #tpu.memory_space<hbm>> -> memref<32x64xf32, #tpu.memory_space<hbm>>
          %dma_wait3A_36 = arith.constant 0 : i32
          %dma_wait3A_37 = tpu.memref_slice %arg8[%add3A, %dma_wait3A_36] : memref<10240x64xf32, #tpu.memory_space<hbm>> -> memref<32x64xf32, #tpu.memory_space<hbm>>
          tpu.wait_dma2 semaphore(%run_scoped3A : memref<!tpu.dma_semaphore, #tpu.memory_space<semaphore_mem>>) src(%arg20 : memref<32x64xf32, #tpu.memory_space<vmem>>) dst(%dma_wait3A_37 : memref<32x64xf32, #tpu.memory_space<hbm>>)
          tpu.yield
        }) : () -> ()
        %scan3A_31 = arith.constant 0 : i32
        scf.yield %scan3A_31 : i32
      }
      %scan3A_18 = arith.constant 20 : i32
    } else {
    }
    return
  }
}

module attributes {stable_mosaic.version = 14 : i64} {
  func.func @_mm_body(%arg0: i32, %arg1: memref<640x129xf32, #tpu.memory_space<vmem>>, %arg2: memref<129x384xf32, #tpu.memory_space<vmem>>, %arg3: memref<640x384xf32, #tpu.memory_space<vmem>>) attributes {dimension_semantics = [#tpu.dimension_semantics<arbitrary>], iteration_bounds = array<i64: 16>, scalar_prefetch = 0 : i64, scratch_operands = 0 : i64, tpu.core_type = #tpu.core_type<tc>, window_params = [{transform_indices = @transform_0, window_bounds = array<i64: 640, 129>}, {pipeline_mode = #tpu.pipeline_mode<synchronous>, transform_indices = @transform_1, window_bounds = array<i64: 129, 384>}, {transform_indices = @transform_2, window_bounds = array<i64: 640, 384>}]} {
    %get3A = arith.constant 0 : index
    %get3A_0 = arith.constant 0 : index
    %get3A_1 = vector.load %arg1[%get3A, %get3A_0] : memref<640x129xf32, #tpu.memory_space<vmem>>, vector<640x129xf32>
    %get3A_2 = arith.constant 0 : index
    %get3A_3 = arith.constant 0 : index
    %get3A_4 = vector.load %arg2[%get3A_2, %get3A_3] : memref<129x384xf32, #tpu.memory_space<vmem>>, vector<129x384xf32>
    %dot_general3A = arith.constant dense<0.000000e+00> : vector<640x384xf32>
    %dot_general3A_5 = tpu.matmul %get3A_1, %get3A_4, %dot_general3A {dimension_numbers = #tpu.dot_dimension_numbers<[1], [0], [0], [1], [0, 0, 1, 1], [], []>, transpose_lhs_hint = false} : vector<640x129xf32>, vector<129x384xf32>, vector<640x384xf32> -> vector<640x384xf32>
    %swap3A = arith.constant 0 : index
    %swap3A_6 = arith.constant 0 : index
    %swap3A_7 = vector.load %arg3[%swap3A, %swap3A_6] : memref<640x384xf32, #tpu.memory_space<vmem>>, vector<640x384xf32>
    tpu.vector_store %arg3[%swap3A, %swap3A_6], %dot_general3A_5 {strides = array<i32>} : memref<640x384xf32, #tpu.memory_space<vmem>>, vector<640x384xf32>,
    return
  }
  func.func @transform_0(%arg0: i32) -> (i32, i32) {
    %c0_i32 = arith.constant 0 : i32
    %c0_i32_0 = arith.constant 0 : i32
    return %arg0, %c0_i32 : i32, i32
  }
  func.func @transform_1(%arg0: i32) -> (i32, i32) {
    %c0_i32 = arith.constant 0 : i32
    %c0_i32_0 = arith.constant 0 : i32
    %c0_i32_1 = arith.constant 0 : i32
    return %c0_i32, %c0_i32_0 : i32, i32
  }
  func.func @transform_2(%arg0: i32) -> (i32, i32) {
    %c0_i32 = arith.constant 0 : i32
    %c0_i32_0 = arith.constant 0 : i32
    return %arg0, %c0_i32 : i32, i32
  }
}

module attributes {stable_mosaic.version = 14 : i64} {
  func.func @_bisect_body(%arg0: memref<10240x64xf32, #tpu.memory_space<vmem>>, %arg1: memref<10240x128xf32, #tpu.memory_space<vmem>>, %arg2: memref<64x128xf32, #tpu.memory_space<vmem>>, %arg3: memref<8x128xi32, #tpu.memory_space<vmem>>) attributes {dimension_semantics = [], scalar_prefetch = 0 : i64, scratch_operands = 0 : i64, tpu.core_type = #tpu.core_type<tc>} {
    %get3A = arith.constant 0 : index
    %get3A_0 = arith.constant 0 : index
    %get3A_1 = vector.load %arg0[%get3A, %get3A_0] : memref<10240x64xf32, #tpu.memory_space<vmem>>, vector<10240x64xf32>
    %get3A_2 = arith.constant 0 : index
    %get3A_3 = arith.constant 0 : index
    %get3A_4 = vector.load %arg2[%get3A_2, %get3A_3] : memref<64x128xf32, #tpu.memory_space<vmem>>, vector<64x128xf32>
    %dot_general3A = arith.constant dense<0.000000e+00> : vector<10240x128xf32>
    %dot_general3A_5 = tpu.matmul %get3A_1, %get3A_4, %dot_general3A {dimension_numbers = #tpu.dot_dimension_numbers<[1], [0], [0], [1], [0, 0, 1, 1], [], []>, transpose_lhs_hint = false} : vector<10240x64xf32>, vector<64x128xf32>, vector<10240x128xf32> -> vector<10240x128xf32>
    %get3A_6 = arith.constant 0 : index
    %get3A_7 = arith.constant 0 : index
    %get3A_8 = vector.load %arg1[%get3A_6, %get3A_7] : memref<10240x128xf32, #tpu.memory_space<vmem>>, vector<10240x128xf32>
    %slice3A = vector.extract_strided_slice %get3A_8 {offsets = [0, 0], sizes = [10240, 1], strides = [1, 1]} : vector<10240x128xf32> to vector<10240x1xf32>
    %mul3A = vector.broadcast %slice3A : vector<10240x1xf32> to vector<10240x128xf32>
    %mul3A_9 = arith.mulf %dot_general3A_5, %mul3A : vector<10240x128xf32>
    %sub3A = arith.constant 1.000000e+00 : f32
    %sub3A_10 = vector.broadcast %sub3A : f32 to vector<10240x1xf32>
    %sub3A_11 = arith.subf %sub3A_10, %slice3A : vector<10240x1xf32>
    %mul3A_12 = arith.constant 1.000000e+30 : f32
    %mul3A_13 = vector.broadcast %mul3A_12 : f32 to vector<10240x1xf32>
    %mul3A_14 = arith.mulf %sub3A_11, %mul3A_13 : vector<10240x1xf32>
    %sub3A_15 = vector.broadcast %mul3A_14 : vector<10240x1xf32> to vector<10240x128xf32>
    %sub3A_16 = arith.subf %mul3A_9, %sub3A_15 : vector<10240x128xf32>
    %bitcast_convert_type3A = tpu.bitcast %sub3A_16 : vector<10240x128xf32> -> vector<10240x128xi32>
    %shift_right_arithmetic3A = arith.constant 31 : i32
    %shift_right_arithmetic3A_17 = vector.broadcast %shift_right_arithmetic3A : i32 to vector<10240x128xi32>
    %shift_right_arithmetic3A_18 = arith.shrsi %bitcast_convert_type3A, %shift_right_arithmetic3A_17 : vector<10240x128xi32>
    %and3A = arith.constant 2147483647 : i32
    %and3A_19 = vector.broadcast %and3A : i32 to vector<10240x128xi32>
    %and3A_20 = arith.andi %shift_right_arithmetic3A_18, %and3A_19 : vector<10240x128xi32>
    %xor3A = arith.xori %bitcast_convert_type3A, %and3A_20 : vector<10240x128xi32>
    %scan3A = arith.constant -2147483648 : i32
    %scan3A_21 = arith.constant 2147483647 : i32
    %scan3A_22 = arith.constant 0 : i32
    %scan3A_23 = arith.constant 32 : i32
    %scan3A_24 = arith.addi %scan3A_22, %scan3A_23 : i32
    %scan3A_25 = arith.constant 1 : i32
    %scan3A_26:2 = scf.for %scan3A_29 = %scan3A_22 to %scan3A_24 step %scan3A_25 iter_args(%scan3A_30 = %scan3A, %scan3A_31 = %scan3A_21) -> (i32, i32)  : i32 {
      %shift_right_arithmetic3A_32 = arith.constant 1 : i32
      %shift_right_arithmetic3A_33 = arith.shrsi %scan3A_30, %shift_right_arithmetic3A_32 : i32
      %shift_right_arithmetic3A_34 = arith.constant 1 : i32
      %shift_right_arithmetic3A_35 = arith.shrsi %scan3A_31, %shift_right_arithmetic3A_34 : i32
      %add3A = arith.addi %shift_right_arithmetic3A_33, %shift_right_arithmetic3A_35 : i32
      %and3A_36 = arith.andi %scan3A_30, %scan3A_31 : i32
      %and3A_37 = arith.constant 1 : i32
      %and3A_38 = arith.andi %and3A_36, %and3A_37 : i32
      %add3A_39 = arith.addi %add3A, %and3A_38 : i32
      %gt3A = vector.broadcast %add3A_39 : i32 to vector<10240x128xi32>
      %gt3A_40 = arith.cmpi sgt, %xor3A, %gt3A : vector<10240x128xi32>
      %convert_element_type3A = arith.extui %gt3A_40 : vector<10240x128xi1> to vector<10240x128xi32>
      %reduce_sum3A = vector.shape_cast %convert_element_type3A : vector<10240x128xi32> to vector<1x10240x128xi32>
      %reduce_sum3A_41 = arith.constant dense<0> : vector<1xi32>
      %reduce_sum3A_42 = vector.multi_reduction <add>, %reduce_sum3A, %reduce_sum3A_41 [1, 2] : vector<1x10240x128xi32> to vector<1xi32>
      %reduce_sum3A_43 = vector.shape_cast %reduce_sum3A_42 : vector<1xi32> to vector<1x1x1xi32>
      %reduce_sum3A_44 = vector.extract %reduce_sum3A_43[0, 0, 0] : i32 from vector<1x1x1xi32>
      %ge3A = arith.constant 640000 : i32
      %ge3A_45 = arith.cmpi sge, %reduce_sum3A_44, %ge3A : i32
      %select_n3A = arith.select %ge3A_45, %add3A_39, %scan3A_30 : i32
      %select_n3A_46 = arith.select %ge3A_45, %scan3A_31, %add3A_39 : i32
      scf.yield %select_n3A, %select_n3A_46 : i32, i32
    }
    %broadcast_in_dim3A = vector.broadcast %scan3A_26#1 : i32 to vector<8x128xi32>
    %swap3A = arith.constant 0 : index
    %swap3A_27 = arith.constant 0 : index
    %swap3A_28 = vector.load %arg3[%swap3A, %swap3A_27] : memref<8x128xi32, #tpu.memory_space<vmem>>, vector<8x128xi32>
    tpu.vector_store %arg3[%swap3A, %swap3A_27], %broadcast_in_dim3A {strides = array<i32>} : memref<8x128xi32, #tpu.memory_space<vmem>>, vector<8x128xi32>,
    return
  }
}

module attributes {stable_mosaic.version = 14 : i64} {
  func.func @_mask_body(%arg0: i32, %arg1: memref<640x64xf32, #tpu.memory_space<vmem>>, %arg2: memref<640x128xf32, #tpu.memory_space<vmem>>, %arg3: memref<64x128xf32, #tpu.memory_space<vmem>>, %arg4: memref<8x128xi32, #tpu.memory_space<vmem>>, %arg5: memref<640x64xf32, #tpu.memory_space<vmem>>, %arg6: memref<640x128xf32, #tpu.memory_space<vmem>>, %arg7: memref<1x1x64xf32, #tpu.memory_space<vmem>>, %arg8: memref<1x1x64xf32, #tpu.memory_space<vmem>>) attributes {dimension_semantics = [#tpu.dimension_semantics<arbitrary>], iteration_bounds = array<i64: 16>, scalar_prefetch = 0 : i64, scratch_operands = 0 : i64, tpu.core_type = #tpu.core_type<tc>, window_params = [{transform_indices = @transform_0, window_bounds = array<i64: 640, 64>}, {transform_indices = @transform_1, window_bounds = array<i64: 640, 128>}, {pipeline_mode = #tpu.pipeline_mode<synchronous>, transform_indices = @transform_2, window_bounds = array<i64: 64, 128>}, {pipeline_mode = #tpu.pipeline_mode<synchronous>, transform_indices = @transform_3, window_bounds = array<i64: 8, 128>}, {transform_indices = @transform_4, window_bounds = array<i64: 640, 64>}, {transform_indices = @transform_5, window_bounds = array<i64: 640, 128>}, {transform_indices = @transform_6, window_bounds = array<i64: 1, 1, 64>}, {transform_indices = @transform_7, window_bounds = array<i64: 1, 1, 64>}]} {
    %get3A = arith.constant 0 : index
    %get3A_0 = arith.constant 0 : index
    %get3A_1 = vector.load %arg4[%get3A, %get3A_0] : memref<8x128xi32, #tpu.memory_space<vmem>>, vector<1x1xi32>
    %get3A_2 = vector.extract %get3A_1[0, 0] : i32 from vector<1x1xi32>
    %get3A_3 = arith.constant 0 : index
    %get3A_4 = arith.constant 0 : index
    %get3A_5 = vector.load %arg1[%get3A_3, %get3A_4] : memref<640x64xf32, #tpu.memory_space<vmem>>, vector<640x64xf32>
    %get3A_6 = arith.constant 0 : index
    %get3A_7 = arith.constant 0 : index
    %get3A_8 = vector.load %arg3[%get3A_6, %get3A_7] : memref<64x128xf32, #tpu.memory_space<vmem>>, vector<64x128xf32>
    %dot_general3A = arith.constant dense<0.000000e+00> : vector<640x128xf32>
    %dot_general3A_9 = tpu.matmul %get3A_5, %get3A_8, %dot_general3A {dimension_numbers = #tpu.dot_dimension_numbers<[1], [0], [0], [1], [0, 0, 1, 1], [], []>, transpose_lhs_hint = false} : vector<640x64xf32>, vector<64x128xf32>, vector<640x128xf32> -> vector<640x128xf32>
    %get3A_10 = arith.constant 0 : index
    %get3A_11 = arith.constant 0 : index
    %get3A_12 = vector.load %arg2[%get3A_10, %get3A_11] : memref<640x128xf32, #tpu.memory_space<vmem>>, vector<640x128xf32>
    %slice3A = vector.extract_strided_slice %get3A_12 {offsets = [0, 0], sizes = [640, 1], strides = [1, 1]} : vector<640x128xf32> to vector<640x1xf32>
    %mul3A = vector.broadcast %slice3A : vector<640x1xf32> to vector<640x128xf32>
    %mul3A_13 = arith.mulf %dot_general3A_9, %mul3A : vector<640x128xf32>
    %sub3A = arith.constant 1.000000e+00 : f32
    %sub3A_14 = vector.broadcast %sub3A : f32 to vector<640x1xf32>
    %sub3A_15 = arith.subf %sub3A_14, %slice3A : vector<640x1xf32>
    %mul3A_16 = arith.constant 1.000000e+30 : f32
    %mul3A_17 = vector.broadcast %mul3A_16 : f32 to vector<640x1xf32>
    %mul3A_18 = arith.mulf %sub3A_15, %mul3A_17 : vector<640x1xf32>
    %sub3A_19 = vector.broadcast %mul3A_18 : vector<640x1xf32> to vector<640x128xf32>
    %sub3A_20 = arith.subf %mul3A_13, %sub3A_19 : vector<640x128xf32>
    %bitcast_convert_type3A = tpu.bitcast %sub3A_20 : vector<640x128xf32> -> vector<640x128xi32>
    %shift_right_arithmetic3A = arith.constant 31 : i32
    %shift_right_arithmetic3A_21 = vector.broadcast %shift_right_arithmetic3A : i32 to vector<640x128xi32>
    %shift_right_arithmetic3A_22 = arith.shrsi %bitcast_convert_type3A, %shift_right_arithmetic3A_21 : vector<640x128xi32>
    %and3A = arith.constant 2147483647 : i32
    %and3A_23 = vector.broadcast %and3A : i32 to vector<640x128xi32>
    %and3A_24 = arith.andi %shift_right_arithmetic3A_22, %and3A_23 : vector<640x128xi32>
    %xor3A = arith.xori %bitcast_convert_type3A, %and3A_24 : vector<640x128xi32>
    %ge3A = vector.broadcast %get3A_2 : i32 to vector<640x128xi32>
    %ge3A_25 = arith.cmpi sge, %xor3A, %ge3A : vector<640x128xi32>
    %slice3A_26 = vector.extract_strided_slice %ge3A_25 {offsets = [0, 0], sizes = [640, 64], strides = [1, 1]} : vector<640x128xi1> to vector<640x64xi1>
    %convert_element_type3A = arith.extui %slice3A_26 : vector<640x64xi1> to vector<640x64xi32>
    %convert_element_type3A_27 = arith.sitofp %convert_element_type3A : vector<640x64xi32> to vector<640x64xf32>
    %get3A_28 = arith.constant 0 : index
    %get3A_29 = arith.constant 0 : index
    %get3A_30 = vector.load %arg1[%get3A_28, %get3A_29] : memref<640x64xf32, #tpu.memory_space<vmem>>, vector<640x64xf32>
    %slice3A_31 = vector.extract_strided_slice %sub3A_20 {offsets = [0, 0], sizes = [640, 64], strides = [1, 1]} : vector<640x128xf32> to vector<640x64xf32>
    %tanh3A = math.tanh %slice3A_31 : vector<640x64xf32>
    %mul3A_32 = arith.mulf %get3A_30, %tanh3A : vector<640x64xf32>
    %mul3A_33 = arith.mulf %mul3A_32, %convert_element_type3A_27 : vector<640x64xf32>
    %swap3A = arith.constant 0 : index
    %swap3A_34 = arith.constant 0 : index
    %swap3A_35 = vector.load %arg5[%swap3A, %swap3A_34] : memref<640x64xf32, #tpu.memory_space<vmem>>, vector<640x64xf32>
    tpu.vector_store %arg5[%swap3A, %swap3A_34], %mul3A_33 {strides = array<i32>} : memref<640x64xf32, #tpu.memory_space<vmem>>, vector<640x64xf32>,
    %convert_element_type3A_36 = arith.extui %ge3A_25 : vector<640x128xi1> to vector<640x128xi32>
    %convert_element_type3A_37 = arith.sitofp %convert_element_type3A_36 : vector<640x128xi32> to vector<640x128xf32>
    %swap3A_38 = arith.constant 0 : index
    %swap3A_39 = arith.constant 0 : index
    %swap3A_40 = vector.load %arg6[%swap3A_38, %swap3A_39] : memref<640x128xf32, #tpu.memory_space<vmem>>, vector<640x128xf32>
    tpu.vector_store %arg6[%swap3A_38, %swap3A_39], %convert_element_type3A_37 {strides = array<i32>} : memref<640x128xf32, #tpu.memory_space<vmem>>, vector<640x128xf32>,
    %jit3A = arith.constant -1.000000e+30 : f32
    %broadcast_in_dim3A = vector.broadcast %jit3A : f32 to vector<640x64xf32>
    %select_n3A = arith.select %slice3A_26, %mul3A_32, %broadcast_in_dim3A : vector<640x64xi1>, vector<640x64xf32>
    %reduce_max3A = arith.constant dense<0xFF800000> : vector<64xf32>
    %reduce_max3A_41 = vector.multi_reduction <maximumf>, %select_n3A, %reduce_max3A [0] : vector<640x64xf32> to vector<64xf32>
    %swap3A_42 = arith.constant 0 : index
    %swap3A_43 = arith.constant 0 : index
    %swap3A_44 = arith.constant 0 : index
    %swap3A_45 = vector.load %arg7[%swap3A_42, %swap3A_43, %swap3A_44] : memref<1x1x64xf32, #tpu.memory_space<vmem>>, vector<1x1x64xf32>
    %swap3A_46 = vector.shape_cast %swap3A_45 : vector<1x1x64xf32> to vector<64xf32>
    %swap3A_47 = vector.shape_cast %reduce_max3A_41 : vector<64xf32> to vector<1x1x64xf32>
    tpu.vector_store %arg7[%swap3A_42, %swap3A_43, %swap3A_44], %swap3A_47 {strides = array<i32>} : memref<1x1x64xf32, #tpu.memory_space<vmem>>, vector<1x1x64xf32>,
    %reduce_sum3A = arith.constant dense<0.000000e+00> : vector<64xf32>
    %reduce_sum3A_48 = vector.multi_reduction <add>, %mul3A_33, %reduce_sum3A [0] : vector<640x64xf32> to vector<64xf32>
    %swap3A_49 = arith.constant 0 : index
    %swap3A_50 = arith.constant 0 : index
    %swap3A_51 = arith.constant 0 : index
    %swap3A_52 = vector.load %arg8[%swap3A_49, %swap3A_50, %swap3A_51] : memref<1x1x64xf32, #tpu.memory_space<vmem>>, vector<1x1x64xf32>
    %swap3A_53 = vector.shape_cast %swap3A_52 : vector<1x1x64xf32> to vector<64xf32>
    %swap3A_54 = vector.shape_cast %reduce_sum3A_48 : vector<64xf32> to vector<1x1x64xf32>
    tpu.vector_store %arg8[%swap3A_49, %swap3A_50, %swap3A_51], %swap3A_54 {strides = array<i32>} : memref<1x1x64xf32, #tpu.memory_space<vmem>>, vector<1x1x64xf32>,
    return
  }
  func.func @transform_0(%arg0: i32) -> (i32, i32) {
    %c0_i32 = arith.constant 0 : i32
    %c0_i32_0 = arith.constant 0 : i32
    return %arg0, %c0_i32 : i32, i32
  }
  func.func @transform_1(%arg0: i32) -> (i32, i32) {
    %c0_i32 = arith.constant 0 : i32
    %c0_i32_0 = arith.constant 0 : i32
    return %arg0, %c0_i32 : i32, i32
  }
  func.func @transform_2(%arg0: i32) -> (i32, i32) {
    %c0_i32 = arith.constant 0 : i32
    %c0_i32_0 = arith.constant 0 : i32
    %c0_i32_1 = arith.constant 0 : i32
    return %c0_i32, %c0_i32_0 : i32, i32
  }
  func.func @transform_3(%arg0: i32) -> (i32, i32) {
    %c0_i32 = arith.constant 0 : i32
    %c0_i32_0 = arith.constant 0 : i32
    %c0_i32_1 = arith.constant 0 : i32
    return %c0_i32, %c0_i32_0 : i32, i32
  }
  func.func @transform_4(%arg0: i32) -> (i32, i32) {
    %c0_i32 = arith.constant 0 : i32
    %c0_i32_0 = arith.constant 0 : i32
    return %arg0, %c0_i32 : i32, i32
  }
  func.func @transform_5(%arg0: i32) -> (i32, i32) {
    %c0_i32 = arith.constant 0 : i32
    %c0_i32_0 = arith.constant 0 : i32
    return %arg0, %c0_i32 : i32, i32
  }
  func.func @transform_6(%arg0: i32) -> (i32, i32, i32) {
    %c0_i32 = arith.constant 0 : i32
    %c0_i32_0 = arith.constant 0 : i32
    %c0_i32_1 = arith.constant 0 : i32
    return %arg0, %c0_i32, %c0_i32_0 : i32, i32, i32
  }
  func.func @transform_7(%arg0: i32) -> (i32, i32, i32) {
    %c0_i32 = arith.constant 0 : i32
    %c0_i32_0 = arith.constant 0 : i32
    %c0_i32_1 = arith.constant 0 : i32
    return %arg0, %c0_i32, %c0_i32_0 : i32, i32, i32
  }
}

module attributes {stable_mosaic.version = 14 : i64} {
  func.func @_mm_body(%arg0: i32, %arg1: memref<640x65xf32, #tpu.memory_space<vmem>>, %arg2: memref<65x384xf32, #tpu.memory_space<vmem>>, %arg3: memref<640x384xf32, #tpu.memory_space<vmem>>) attributes {dimension_semantics = [#tpu.dimension_semantics<arbitrary>], iteration_bounds = array<i64: 16>, scalar_prefetch = 0 : i64, scratch_operands = 0 : i64, tpu.core_type = #tpu.core_type<tc>, window_params = [{transform_indices = @transform_0, window_bounds = array<i64: 640, 65>}, {pipeline_mode = #tpu.pipeline_mode<synchronous>, transform_indices = @transform_1, window_bounds = array<i64: 65, 384>}, {transform_indices = @transform_2, window_bounds = array<i64: 640, 384>}]} {
    %get3A = arith.constant 0 : index
    %get3A_0 = arith.constant 0 : index
    %get3A_1 = vector.load %arg1[%get3A, %get3A_0] : memref<640x65xf32, #tpu.memory_space<vmem>>, vector<640x65xf32>
    %get3A_2 = arith.constant 0 : index
    %get3A_3 = arith.constant 0 : index
    %get3A_4 = vector.load %arg2[%get3A_2, %get3A_3] : memref<65x384xf32, #tpu.memory_space<vmem>>, vector<65x384xf32>
    %dot_general3A = arith.constant dense<0.000000e+00> : vector<640x384xf32>
    %dot_general3A_5 = tpu.matmul %get3A_1, %get3A_4, %dot_general3A {dimension_numbers = #tpu.dot_dimension_numbers<[1], [0], [0], [1], [0, 0, 1, 1], [], []>, transpose_lhs_hint = false} : vector<640x65xf32>, vector<65x384xf32>, vector<640x384xf32> -> vector<640x384xf32>
    %swap3A = arith.constant 0 : index
    %swap3A_6 = arith.constant 0 : index
    %swap3A_7 = vector.load %arg3[%swap3A, %swap3A_6] : memref<640x384xf32, #tpu.memory_space<vmem>>, vector<640x384xf32>
    tpu.vector_store %arg3[%swap3A, %swap3A_6], %dot_general3A_5 {strides = array<i32>} : memref<640x384xf32, #tpu.memory_space<vmem>>, vector<640x384xf32>,
    return
  }
  func.func @transform_0(%arg0: i32) -> (i32, i32) {
    %c0_i32 = arith.constant 0 : i32
    %c0_i32_0 = arith.constant 0 : i32
    return %arg0, %c0_i32 : i32, i32
  }
  func.func @transform_1(%arg0: i32) -> (i32, i32) {
    %c0_i32 = arith.constant 0 : i32
    %c0_i32_0 = arith.constant 0 : i32
    %c0_i32_1 = arith.constant 0 : i32
    return %c0_i32, %c0_i32_0 : i32, i32
  }
  func.func @transform_2(%arg0: i32) -> (i32, i32) {
    %c0_i32 = arith.constant 0 : i32
    %c0_i32_0 = arith.constant 0 : i32
    return %arg0, %c0_i32 : i32, i32
  }
}

module attributes {stable_mosaic.version = 14 : i64} {
  func.func @_bisect_body(%arg0: memref<10240x64xf32, #tpu.memory_space<vmem>>, %arg1: memref<10240x128xf32, #tpu.memory_space<vmem>>, %arg2: memref<64x128xf32, #tpu.memory_space<vmem>>, %arg3: memref<8x128xi32, #tpu.memory_space<vmem>>) attributes {dimension_semantics = [], scalar_prefetch = 0 : i64, scratch_operands = 0 : i64, tpu.core_type = #tpu.core_type<tc>} {
    %get3A = arith.constant 0 : index
    %get3A_0 = arith.constant 0 : index
    %get3A_1 = vector.load %arg0[%get3A, %get3A_0] : memref<10240x64xf32, #tpu.memory_space<vmem>>, vector<10240x64xf32>
    %get3A_2 = arith.constant 0 : index
    %get3A_3 = arith.constant 0 : index
    %get3A_4 = vector.load %arg2[%get3A_2, %get3A_3] : memref<64x128xf32, #tpu.memory_space<vmem>>, vector<64x128xf32>
    %dot_general3A = arith.constant dense<0.000000e+00> : vector<10240x128xf32>
    %dot_general3A_5 = tpu.matmul %get3A_1, %get3A_4, %dot_general3A {dimension_numbers = #tpu.dot_dimension_numbers<[1], [0], [0], [1], [0, 0, 1, 1], [], []>, transpose_lhs_hint = false} : vector<10240x64xf32>, vector<64x128xf32>, vector<10240x128xf32> -> vector<10240x128xf32>
    %get3A_6 = arith.constant 0 : index
    %get3A_7 = arith.constant 0 : index
    %get3A_8 = vector.load %arg1[%get3A_6, %get3A_7] : memref<10240x128xf32, #tpu.memory_space<vmem>>, vector<10240x128xf32>
    %slice3A = vector.extract_strided_slice %get3A_8 {offsets = [0, 0], sizes = [10240, 1], strides = [1, 1]} : vector<10240x128xf32> to vector<10240x1xf32>
    %mul3A = vector.broadcast %slice3A : vector<10240x1xf32> to vector<10240x128xf32>
    %mul3A_9 = arith.mulf %dot_general3A_5, %mul3A : vector<10240x128xf32>
    %sub3A = arith.constant 1.000000e+00 : f32
    %sub3A_10 = vector.broadcast %sub3A : f32 to vector<10240x1xf32>
    %sub3A_11 = arith.subf %sub3A_10, %slice3A : vector<10240x1xf32>
    %mul3A_12 = arith.constant 1.000000e+30 : f32
    %mul3A_13 = vector.broadcast %mul3A_12 : f32 to vector<10240x1xf32>
    %mul3A_14 = arith.mulf %sub3A_11, %mul3A_13 : vector<10240x1xf32>
    %sub3A_15 = vector.broadcast %mul3A_14 : vector<10240x1xf32> to vector<10240x128xf32>
    %sub3A_16 = arith.subf %mul3A_9, %sub3A_15 : vector<10240x128xf32>
    %bitcast_convert_type3A = tpu.bitcast %sub3A_16 : vector<10240x128xf32> -> vector<10240x128xi32>
    %shift_right_arithmetic3A = arith.constant 31 : i32
    %shift_right_arithmetic3A_17 = vector.broadcast %shift_right_arithmetic3A : i32 to vector<10240x128xi32>
    %shift_right_arithmetic3A_18 = arith.shrsi %bitcast_convert_type3A, %shift_right_arithmetic3A_17 : vector<10240x128xi32>
    %and3A = arith.constant 2147483647 : i32
    %and3A_19 = vector.broadcast %and3A : i32 to vector<10240x128xi32>
    %and3A_20 = arith.andi %shift_right_arithmetic3A_18, %and3A_19 : vector<10240x128xi32>
    %xor3A = arith.xori %bitcast_convert_type3A, %and3A_20 : vector<10240x128xi32>
    %scan3A = arith.constant -2147483648 : i32
    %scan3A_21 = arith.constant 2147483647 : i32
    %scan3A_22 = arith.constant 0 : i32
    %scan3A_23 = arith.constant 32 : i32
    %scan3A_24 = arith.addi %scan3A_22, %scan3A_23 : i32
    %scan3A_25 = arith.constant 1 : i32
    %scan3A_26:2 = scf.for %scan3A_29 = %scan3A_22 to %scan3A_24 step %scan3A_25 iter_args(%scan3A_30 = %scan3A, %scan3A_31 = %scan3A_21) -> (i32, i32)  : i32 {
      %shift_right_arithmetic3A_32 = arith.constant 1 : i32
      %shift_right_arithmetic3A_33 = arith.shrsi %scan3A_30, %shift_right_arithmetic3A_32 : i32
      %shift_right_arithmetic3A_34 = arith.constant 1 : i32
      %shift_right_arithmetic3A_35 = arith.shrsi %scan3A_31, %shift_right_arithmetic3A_34 : i32
      %add3A = arith.addi %shift_right_arithmetic3A_33, %shift_right_arithmetic3A_35 : i32
      %and3A_36 = arith.andi %scan3A_30, %scan3A_31 : i32
      %and3A_37 = arith.constant 1 : i32
      %and3A_38 = arith.andi %and3A_36, %and3A_37 : i32
      %add3A_39 = arith.addi %add3A, %and3A_38 : i32
      %gt3A = vector.broadcast %add3A_39 : i32 to vector<10240x128xi32>
      %gt3A_40 = arith.cmpi sgt, %xor3A, %gt3A : vector<10240x128xi32>
      %convert_element_type3A = arith.extui %gt3A_40 : vector<10240x128xi1> to vector<10240x128xi32>
      %reduce_sum3A = vector.shape_cast %convert_element_type3A : vector<10240x128xi32> to vector<1x10240x128xi32>
      %reduce_sum3A_41 = arith.constant dense<0> : vector<1xi32>
      %reduce_sum3A_42 = vector.multi_reduction <add>, %reduce_sum3A, %reduce_sum3A_41 [1, 2] : vector<1x10240x128xi32> to vector<1xi32>
      %reduce_sum3A_43 = vector.shape_cast %reduce_sum3A_42 : vector<1xi32> to vector<1x1x1xi32>
      %reduce_sum3A_44 = vector.extract %reduce_sum3A_43[0, 0, 0] : i32 from vector<1x1x1xi32>
      %ge3A = arith.constant 320000 : i32
      %ge3A_45 = arith.cmpi sge, %reduce_sum3A_44, %ge3A : i32
      %select_n3A = arith.select %ge3A_45, %add3A_39, %scan3A_30 : i32
      %select_n3A_46 = arith.select %ge3A_45, %scan3A_31, %add3A_39 : i32
      scf.yield %select_n3A, %select_n3A_46 : i32, i32
    }
    %broadcast_in_dim3A = vector.broadcast %scan3A_26#1 : i32 to vector<8x128xi32>
    %swap3A = arith.constant 0 : index
    %swap3A_27 = arith.constant 0 : index
    %swap3A_28 = vector.load %arg3[%swap3A, %swap3A_27] : memref<8x128xi32, #tpu.memory_space<vmem>>, vector<8x128xi32>
    tpu.vector_store %arg3[%swap3A, %swap3A_27], %broadcast_in_dim3A {strides = array<i32>} : memref<8x128xi32, #tpu.memory_space<vmem>>, vector<8x128xi32>,
    return
  }
}

module attributes {stable_mosaic.version = 14 : i64} {
  func.func @_mask_body(%arg0: i32, %arg1: memref<640x64xf32, #tpu.memory_space<vmem>>, %arg2: memref<640x128xf32, #tpu.memory_space<vmem>>, %arg3: memref<64x128xf32, #tpu.memory_space<vmem>>, %arg4: memref<8x128xi32, #tpu.memory_space<vmem>>, %arg5: memref<640x64xf32, #tpu.memory_space<vmem>>, %arg6: memref<640x128xf32, #tpu.memory_space<vmem>>, %arg7: memref<1x1x64xf32, #tpu.memory_space<vmem>>, %arg8: memref<1x1x64xf32, #tpu.memory_space<vmem>>) attributes {dimension_semantics = [#tpu.dimension_semantics<arbitrary>], iteration_bounds = array<i64: 16>, scalar_prefetch = 0 : i64, scratch_operands = 0 : i64, tpu.core_type = #tpu.core_type<tc>, window_params = [{transform_indices = @transform_0, window_bounds = array<i64: 640, 64>}, {transform_indices = @transform_1, window_bounds = array<i64: 640, 128>}, {pipeline_mode = #tpu.pipeline_mode<synchronous>, transform_indices = @transform_2, window_bounds = array<i64: 64, 128>}, {pipeline_mode = #tpu.pipeline_mode<synchronous>, transform_indices = @transform_3, window_bounds = array<i64: 8, 128>}, {transform_indices = @transform_4, window_bounds = array<i64: 640, 64>}, {transform_indices = @transform_5, window_bounds = array<i64: 640, 128>}, {transform_indices = @transform_6, window_bounds = array<i64: 1, 1, 64>}, {transform_indices = @transform_7, window_bounds = array<i64: 1, 1, 64>}]} {
    %get3A = arith.constant 0 : index
    %get3A_0 = arith.constant 0 : index
    %get3A_1 = vector.load %arg4[%get3A, %get3A_0] : memref<8x128xi32, #tpu.memory_space<vmem>>, vector<1x1xi32>
    %get3A_2 = vector.extract %get3A_1[0, 0] : i32 from vector<1x1xi32>
    %get3A_3 = arith.constant 0 : index
    %get3A_4 = arith.constant 0 : index
    %get3A_5 = vector.load %arg1[%get3A_3, %get3A_4] : memref<640x64xf32, #tpu.memory_space<vmem>>, vector<640x64xf32>
    %get3A_6 = arith.constant 0 : index
    %get3A_7 = arith.constant 0 : index
    %get3A_8 = vector.load %arg3[%get3A_6, %get3A_7] : memref<64x128xf32, #tpu.memory_space<vmem>>, vector<64x128xf32>
    %dot_general3A = arith.constant dense<0.000000e+00> : vector<640x128xf32>
    %dot_general3A_9 = tpu.matmul %get3A_5, %get3A_8, %dot_general3A {dimension_numbers = #tpu.dot_dimension_numbers<[1], [0], [0], [1], [0, 0, 1, 1], [], []>, transpose_lhs_hint = false} : vector<640x64xf32>, vector<64x128xf32>, vector<640x128xf32> -> vector<640x128xf32>
    %get3A_10 = arith.constant 0 : index
    %get3A_11 = arith.constant 0 : index
    %get3A_12 = vector.load %arg2[%get3A_10, %get3A_11] : memref<640x128xf32, #tpu.memory_space<vmem>>, vector<640x128xf32>
    %slice3A = vector.extract_strided_slice %get3A_12 {offsets = [0, 0], sizes = [640, 1], strides = [1, 1]} : vector<640x128xf32> to vector<640x1xf32>
    %mul3A = vector.broadcast %slice3A : vector<640x1xf32> to vector<640x128xf32>
    %mul3A_13 = arith.mulf %dot_general3A_9, %mul3A : vector<640x128xf32>
    %sub3A = arith.constant 1.000000e+00 : f32
    %sub3A_14 = vector.broadcast %sub3A : f32 to vector<640x1xf32>
    %sub3A_15 = arith.subf %sub3A_14, %slice3A : vector<640x1xf32>
    %mul3A_16 = arith.constant 1.000000e+30 : f32
    %mul3A_17 = vector.broadcast %mul3A_16 : f32 to vector<640x1xf32>
    %mul3A_18 = arith.mulf %sub3A_15, %mul3A_17 : vector<640x1xf32>
    %sub3A_19 = vector.broadcast %mul3A_18 : vector<640x1xf32> to vector<640x128xf32>
    %sub3A_20 = arith.subf %mul3A_13, %sub3A_19 : vector<640x128xf32>
    %bitcast_convert_type3A = tpu.bitcast %sub3A_20 : vector<640x128xf32> -> vector<640x128xi32>
    %shift_right_arithmetic3A = arith.constant 31 : i32
    %shift_right_arithmetic3A_21 = vector.broadcast %shift_right_arithmetic3A : i32 to vector<640x128xi32>
    %shift_right_arithmetic3A_22 = arith.shrsi %bitcast_convert_type3A, %shift_right_arithmetic3A_21 : vector<640x128xi32>
    %and3A = arith.constant 2147483647 : i32
    %and3A_23 = vector.broadcast %and3A : i32 to vector<640x128xi32>
    %and3A_24 = arith.andi %shift_right_arithmetic3A_22, %and3A_23 : vector<640x128xi32>
    %xor3A = arith.xori %bitcast_convert_type3A, %and3A_24 : vector<640x128xi32>
    %ge3A = vector.broadcast %get3A_2 : i32 to vector<640x128xi32>
    %ge3A_25 = arith.cmpi sge, %xor3A, %ge3A : vector<640x128xi32>
    %slice3A_26 = vector.extract_strided_slice %ge3A_25 {offsets = [0, 0], sizes = [640, 64], strides = [1, 1]} : vector<640x128xi1> to vector<640x64xi1>
    %convert_element_type3A = arith.extui %slice3A_26 : vector<640x64xi1> to vector<640x64xi32>
    %convert_element_type3A_27 = arith.sitofp %convert_element_type3A : vector<640x64xi32> to vector<640x64xf32>
    %get3A_28 = arith.constant 0 : index
    %get3A_29 = arith.constant 0 : index
    %get3A_30 = vector.load %arg1[%get3A_28, %get3A_29] : memref<640x64xf32, #tpu.memory_space<vmem>>, vector<640x64xf32>
    %slice3A_31 = vector.extract_strided_slice %sub3A_20 {offsets = [0, 0], sizes = [640, 64], strides = [1, 1]} : vector<640x128xf32> to vector<640x64xf32>
    %tanh3A = math.tanh %slice3A_31 : vector<640x64xf32>
    %mul3A_32 = arith.mulf %get3A_30, %tanh3A : vector<640x64xf32>
    %mul3A_33 = arith.mulf %mul3A_32, %convert_element_type3A_27 : vector<640x64xf32>
    %swap3A = arith.constant 0 : index
    %swap3A_34 = arith.constant 0 : index
    %swap3A_35 = vector.load %arg5[%swap3A, %swap3A_34] : memref<640x64xf32, #tpu.memory_space<vmem>>, vector<640x64xf32>
    tpu.vector_store %arg5[%swap3A, %swap3A_34], %mul3A_33 {strides = array<i32>} : memref<640x64xf32, #tpu.memory_space<vmem>>, vector<640x64xf32>,
    %convert_element_type3A_36 = arith.extui %ge3A_25 : vector<640x128xi1> to vector<640x128xi32>
    %convert_element_type3A_37 = arith.sitofp %convert_element_type3A_36 : vector<640x128xi32> to vector<640x128xf32>
    %swap3A_38 = arith.constant 0 : index
    %swap3A_39 = arith.constant 0 : index
    %swap3A_40 = vector.load %arg6[%swap3A_38, %swap3A_39] : memref<640x128xf32, #tpu.memory_space<vmem>>, vector<640x128xf32>
    tpu.vector_store %arg6[%swap3A_38, %swap3A_39], %convert_element_type3A_37 {strides = array<i32>} : memref<640x128xf32, #tpu.memory_space<vmem>>, vector<640x128xf32>,
    %jit3A = arith.constant -1.000000e+30 : f32
    %broadcast_in_dim3A = vector.broadcast %jit3A : f32 to vector<640x64xf32>
    %select_n3A = arith.select %slice3A_26, %mul3A_32, %broadcast_in_dim3A : vector<640x64xi1>, vector<640x64xf32>
    %reduce_max3A = arith.constant dense<0xFF800000> : vector<64xf32>
    %reduce_max3A_41 = vector.multi_reduction <maximumf>, %select_n3A, %reduce_max3A [0] : vector<640x64xf32> to vector<64xf32>
    %swap3A_42 = arith.constant 0 : index
    %swap3A_43 = arith.constant 0 : index
    %swap3A_44 = arith.constant 0 : index
    %swap3A_45 = vector.load %arg7[%swap3A_42, %swap3A_43, %swap3A_44] : memref<1x1x64xf32, #tpu.memory_space<vmem>>, vector<1x1x64xf32>
    %swap3A_46 = vector.shape_cast %swap3A_45 : vector<1x1x64xf32> to vector<64xf32>
    %swap3A_47 = vector.shape_cast %reduce_max3A_41 : vector<64xf32> to vector<1x1x64xf32>
    tpu.vector_store %arg7[%swap3A_42, %swap3A_43, %swap3A_44], %swap3A_47 {strides = array<i32>} : memref<1x1x64xf32, #tpu.memory_space<vmem>>, vector<1x1x64xf32>,
    %reduce_sum3A = arith.constant dense<0.000000e+00> : vector<64xf32>
    %reduce_sum3A_48 = vector.multi_reduction <add>, %mul3A_33, %reduce_sum3A [0] : vector<640x64xf32> to vector<64xf32>
    %swap3A_49 = arith.constant 0 : index
    %swap3A_50 = arith.constant 0 : index
    %swap3A_51 = arith.constant 0 : index
    %swap3A_52 = vector.load %arg8[%swap3A_49, %swap3A_50, %swap3A_51] : memref<1x1x64xf32, #tpu.memory_space<vmem>>, vector<1x1x64xf32>
    %swap3A_53 = vector.shape_cast %swap3A_52 : vector<1x1x64xf32> to vector<64xf32>
    %swap3A_54 = vector.shape_cast %reduce_sum3A_48 : vector<64xf32> to vector<1x1x64xf32>
    tpu.vector_store %arg8[%swap3A_49, %swap3A_50, %swap3A_51], %swap3A_54 {strides = array<i32>} : memref<1x1x64xf32, #tpu.memory_space<vmem>>, vector<1x1x64xf32>,
    return
  }
  func.func @transform_0(%arg0: i32) -> (i32, i32) {
    %c0_i32 = arith.constant 0 : i32
    %c0_i32_0 = arith.constant 0 : i32
    return %arg0, %c0_i32 : i32, i32
  }
  func.func @transform_1(%arg0: i32) -> (i32, i32) {
    %c0_i32 = arith.constant 0 : i32
    %c0_i32_0 = arith.constant 0 : i32
    return %arg0, %c0_i32 : i32, i32
  }
  func.func @transform_2(%arg0: i32) -> (i32, i32) {
    %c0_i32 = arith.constant 0 : i32
    %c0_i32_0 = arith.constant 0 : i32
    %c0_i32_1 = arith.constant 0 : i32
    return %c0_i32, %c0_i32_0 : i32, i32
  }
  func.func @transform_3(%arg0: i32) -> (i32, i32) {
    %c0_i32 = arith.constant 0 : i32
    %c0_i32_0 = arith.constant 0 : i32
    %c0_i32_1 = arith.constant 0 : i32
    return %c0_i32, %c0_i32_0 : i32, i32
  }
  func.func @transform_4(%arg0: i32) -> (i32, i32) {
    %c0_i32 = arith.constant 0 : i32
    %c0_i32_0 = arith.constant 0 : i32
    return %arg0, %c0_i32 : i32, i32
  }
  func.func @transform_5(%arg0: i32) -> (i32, i32) {
    %c0_i32 = arith.constant 0 : i32
    %c0_i32_0 = arith.constant 0 : i32
    return %arg0, %c0_i32 : i32, i32
  }
  func.func @transform_6(%arg0: i32) -> (i32, i32, i32) {
    %c0_i32 = arith.constant 0 : i32
    %c0_i32_0 = arith.constant 0 : i32
    %c0_i32_1 = arith.constant 0 : i32
    return %arg0, %c0_i32, %c0_i32_0 : i32, i32, i32
  }
  func.func @transform_7(%arg0: i32) -> (i32, i32, i32) {
    %c0_i32 = arith.constant 0 : i32
    %c0_i32_0 = arith.constant 0 : i32
    %c0_i32_1 = arith.constant 0 : i32
    return %arg0, %c0_i32, %c0_i32_0 : i32, i32, i32
  }
}

module attributes {stable_mosaic.version = 14 : i64} {
  func.func @_head_body(%arg0: memref<16x1x64xf32, #tpu.memory_space<vmem>>, %arg1: memref<16x1x64xf32, #tpu.memory_space<vmem>>, %arg2: memref<16x1x64xf32, #tpu.memory_space<vmem>>, %arg3: memref<16x1x64xf32, #tpu.memory_space<vmem>>, %arg4: memref<256x64xf32, #tpu.memory_space<vmem>>, %arg5: memref<8x64xf32, #tpu.memory_space<vmem>>, %arg6: memref<64x128xf32, #tpu.memory_space<vmem>>, %arg7: memref<8x128xf32, #tpu.memory_space<vmem>>, %arg8: memref<128x128xf32, #tpu.memory_space<vmem>>, %arg9: memref<8x128xf32, #tpu.memory_space<vmem>>, %arg10: memref<8x128xf32, #tpu.memory_space<vmem>>) attributes {dimension_semantics = [], scalar_prefetch = 0 : i64, scratch_operands = 0 : i64, tpu.core_type = #tpu.core_type<tc>} {
    %get3A = arith.constant 0 : index
    %get3A_0 = arith.constant 0 : index
    %get3A_1 = arith.constant 0 : index
    %get3A_2 = vector.load %arg0[%get3A, %get3A_0, %get3A_1] : memref<16x1x64xf32, #tpu.memory_space<vmem>>, vector<16x1x64xf32>
    %reduce_max3A = arith.constant dense<0xFF800000> : vector<64xf32>
    %reduce_max3A_3 = vector.multi_reduction <maximumf>, %get3A_2, %reduce_max3A [0, 1] : vector<16x1x64xf32> to vector<64xf32>
    %broadcast_in_dim3A = vector.shape_cast %reduce_max3A_3 : vector<64xf32> to vector<1x64xf32>
    %get3A_4 = arith.constant 0 : index
    %get3A_5 = arith.constant 0 : index
    %get3A_6 = arith.constant 0 : index
    %get3A_7 = vector.load %arg1[%get3A_4, %get3A_5, %get3A_6] : memref<16x1x64xf32, #tpu.memory_space<vmem>>, vector<16x1x64xf32>
    %reduce_sum3A = arith.constant dense<0.000000e+00> : vector<64xf32>
    %reduce_sum3A_8 = vector.multi_reduction <add>, %get3A_7, %reduce_sum3A [0, 1] : vector<16x1x64xf32> to vector<64xf32>
    %div3A = arith.constant 5.000000e+03 : f32
    %div3A_9 = vector.broadcast %div3A : f32 to vector<64xf32>
    %div3A_10 = arith.divf %reduce_sum3A_8, %div3A_9 : vector<64xf32>
    %broadcast_in_dim3A_11 = vector.shape_cast %div3A_10 : vector<64xf32> to vector<1x64xf32>
    %get3A_12 = arith.constant 0 : index
    %get3A_13 = arith.constant 0 : index
    %get3A_14 = arith.constant 0 : index
    %get3A_15 = vector.load %arg2[%get3A_12, %get3A_13, %get3A_14] : memref<16x1x64xf32, #tpu.memory_space<vmem>>, vector<16x1x64xf32>
    %reduce_max3A_16 = arith.constant dense<0xFF800000> : vector<64xf32>
    %reduce_max3A_17 = vector.multi_reduction <maximumf>, %get3A_15, %reduce_max3A_16 [0, 1] : vector<16x1x64xf32> to vector<64xf32>
    %broadcast_in_dim3A_18 = vector.shape_cast %reduce_max3A_17 : vector<64xf32> to vector<1x64xf32>
    %get3A_19 = arith.constant 0 : index
    %get3A_20 = arith.constant 0 : index
    %get3A_21 = arith.constant 0 : index
    %get3A_22 = vector.load %arg3[%get3A_19, %get3A_20, %get3A_21] : memref<16x1x64xf32, #tpu.memory_space<vmem>>, vector<16x1x64xf32>
    %reduce_sum3A_23 = arith.constant dense<0.000000e+00> : vector<64xf32>
    %reduce_sum3A_24 = vector.multi_reduction <add>, %get3A_22, %reduce_sum3A_23 [0, 1] : vector<16x1x64xf32> to vector<64xf32>
    %div3A_25 = arith.constant 2.500000e+03 : f32
    %div3A_26 = vector.broadcast %div3A_25 : f32 to vector<64xf32>
    %div3A_27 = arith.divf %reduce_sum3A_24, %div3A_26 : vector<64xf32>
    %broadcast_in_dim3A_28 = vector.shape_cast %div3A_27 : vector<64xf32> to vector<1x64xf32>
    %get3A_29 = arith.constant 0 : index
    %get3A_30 = arith.constant 0 : index
    %get3A_31 = vector.load %arg4[%get3A_29, %get3A_30] : memref<256x64xf32, #tpu.memory_space<vmem>>, vector<256x64xf32>
    %slice3A = vector.extract_strided_slice %get3A_31 {offsets = [0, 0], sizes = [64, 64], strides = [1, 1]} : vector<256x64xf32> to vector<64x64xf32>
    %dot_general3A = arith.constant dense<0.000000e+00> : vector<1x64xf32>
    %dot_general3A_32 = tpu.matmul %broadcast_in_dim3A, %slice3A, %dot_general3A {dimension_numbers = #tpu.dot_dimension_numbers<[1], [0], [0], [1], [0, 0, 1, 1], [], []>, transpose_lhs_hint = false} : vector<1x64xf32>, vector<64x64xf32>, vector<1x64xf32> -> vector<1x64xf32>
    %slice3A_33 = vector.extract_strided_slice %get3A_31 {offsets = [64, 0], sizes = [64, 64], strides = [1, 1]} : vector<256x64xf32> to vector<64x64xf32>
    %dot_general3A_34 = arith.constant dense<0.000000e+00> : vector<1x64xf32>
    %dot_general3A_35 = tpu.matmul %broadcast_in_dim3A_11, %slice3A_33, %dot_general3A_34 {dimension_numbers = #tpu.dot_dimension_numbers<[1], [0], [0], [1], [0, 0, 1, 1], [], []>, transpose_lhs_hint = false} : vector<1x64xf32>, vector<64x64xf32>, vector<1x64xf32> -> vector<1x64xf32>
    %add3A = arith.addf %dot_general3A_32, %dot_general3A_35 : vector<1x64xf32>
    %slice3A_36 = vector.extract_strided_slice %get3A_31 {offsets = [128, 0], sizes = [64, 64], strides = [1, 1]} : vector<256x64xf32> to vector<64x64xf32>
    %dot_general3A_37 = arith.constant dense<0.000000e+00> : vector<1x64xf32>
    %dot_general3A_38 = tpu.matmul %broadcast_in_dim3A_18, %slice3A_36, %dot_general3A_37 {dimension_numbers = #tpu.dot_dimension_numbers<[1], [0], [0], [1], [0, 0, 1, 1], [], []>, transpose_lhs_hint = false} : vector<1x64xf32>, vector<64x64xf32>, vector<1x64xf32> -> vector<1x64xf32>
    %add3A_39 = arith.addf %add3A, %dot_general3A_38 : vector<1x64xf32>
    %slice3A_40 = vector.extract_strided_slice %get3A_31 {offsets = [192, 0], sizes = [64, 64], strides = [1, 1]} : vector<256x64xf32> to vector<64x64xf32>
    %dot_general3A_41 = arith.constant dense<0.000000e+00> : vector<1x64xf32>
    %dot_general3A_42 = tpu.matmul %broadcast_in_dim3A_28, %slice3A_40, %dot_general3A_41 {dimension_numbers = #tpu.dot_dimension_numbers<[1], [0], [0], [1], [0, 0, 1, 1], [], []>, transpose_lhs_hint = false} : vector<1x64xf32>, vector<64x64xf32>, vector<1x64xf32> -> vector<1x64xf32>
    %add3A_43 = arith.addf %add3A_39, %dot_general3A_42 : vector<1x64xf32>
    %get3A_44 = arith.constant 0 : index
    %get3A_45 = arith.constant 0 : index
    %get3A_46 = vector.load %arg5[%get3A_44, %get3A_45] : memref<8x64xf32, #tpu.memory_space<vmem>>, vector<1x64xf32>
    %add3A_47 = arith.addf %add3A_43, %get3A_46 : vector<1x64xf32>
    %max3A = arith.constant 0.000000e+00 : f32
    %max3A_48 = vector.broadcast %max3A : f32 to vector<1x64xf32>
    %max3A_49 = arith.maximumf %add3A_47, %max3A_48 : vector<1x64xf32>
    %get3A_50 = arith.constant 0 : index
    %get3A_51 = arith.constant 0 : index
    %get3A_52 = vector.load %arg6[%get3A_50, %get3A_51] : memref<64x128xf32, #tpu.memory_space<vmem>>, vector<64x128xf32>
    %dot_general3A_53 = arith.constant dense<0.000000e+00> : vector<1x128xf32>
    %dot_general3A_54 = tpu.matmul %max3A_49, %get3A_52, %dot_general3A_53 {dimension_numbers = #tpu.dot_dimension_numbers<[1], [0], [0], [1], [0, 0, 1, 1], [], []>, transpose_lhs_hint = false} : vector<1x64xf32>, vector<64x128xf32>, vector<1x128xf32> -> vector<1x128xf32>
    %get3A_55 = arith.constant 0 : index
    %get3A_56 = arith.constant 0 : index
    %get3A_57 = vector.load %arg7[%get3A_55, %get3A_56] : memref<8x128xf32, #tpu.memory_space<vmem>>, vector<1x128xf32>
    %add3A_58 = arith.addf %dot_general3A_54, %get3A_57 : vector<1x128xf32>
    %max3A_59 = arith.constant 0.000000e+00 : f32
    %max3A_60 = vector.broadcast %max3A_59 : f32 to vector<1x128xf32>
    %max3A_61 = arith.maximumf %add3A_58, %max3A_60 : vector<1x128xf32>
    %get3A_62 = arith.constant 0 : index
    %get3A_63 = arith.constant 0 : index
    %get3A_64 = vector.load %arg8[%get3A_62, %get3A_63] : memref<128x128xf32, #tpu.memory_space<vmem>>, vector<128x128xf32>
    %dot_general3A_65 = arith.constant dense<0.000000e+00> : vector<1x128xf32>
    %dot_general3A_66 = tpu.matmul %max3A_61, %get3A_64, %dot_general3A_65 {dimension_numbers = #tpu.dot_dimension_numbers<[1], [0], [0], [1], [0, 0, 1, 1], [], []>, transpose_lhs_hint = false} : vector<1x128xf32>, vector<128x128xf32>, vector<1x128xf32> -> vector<1x128xf32>
    %get3A_67 = arith.constant 0 : index
    %get3A_68 = arith.constant 0 : index
    %get3A_69 = vector.load %arg9[%get3A_67, %get3A_68] : memref<8x128xf32, #tpu.memory_space<vmem>>, vector<1x128xf32>
    %add3A_70 = arith.addf %dot_general3A_66, %get3A_69 : vector<1x128xf32>
    %iota3A = tpu.iota {dimensions = array<i32: 1>} : vector<1x128xi32>
    %lt3A = arith.constant 2 : i32
    %lt3A_71 = vector.broadcast %lt3A : i32 to vector<1x128xi32>
    %lt3A_72 = arith.cmpi slt, %iota3A, %lt3A_71 : vector<1x128xi32>
    %jit3A = arith.constant -1.000000e+30 : f32
    %broadcast_in_dim3A_73 = vector.broadcast %jit3A : f32 to vector<1x128xf32>
    %select_n3A = arith.select %lt3A_72, %add3A_70, %broadcast_in_dim3A_73 : vector<1x128xi1>, vector<1x128xf32>
    %reduce_max3A_74 = arith.constant dense<0xFF800000> : vector<1xf32>
    %reduce_max3A_75 = vector.multi_reduction <maximumf>, %select_n3A, %reduce_max3A_74 [1] : vector<1x128xf32> to vector<1xf32>
    %broadcast_in_dim3A_76 = vector.shape_cast %reduce_max3A_75 : vector<1xf32> to vector<1x1xf32>
    %sub3A = vector.broadcast %broadcast_in_dim3A_76 : vector<1x1xf32> to vector<1x128xf32>
    %sub3A_77 = arith.subf %select_n3A, %sub3A : vector<1x128xf32>
    %exp3A = math.exp %sub3A_77 : vector<1x128xf32>
    %reduce_sum3A_78 = arith.constant dense<0.000000e+00> : vector<1xf32>
    %reduce_sum3A_79 = vector.multi_reduction <add>, %exp3A, %reduce_sum3A_78 [1] : vector<1x128xf32> to vector<1xf32>
    %broadcast_in_dim3A_80 = vector.shape_cast %reduce_sum3A_79 : vector<1xf32> to vector<1x1xf32>
    %log3A = math.log %broadcast_in_dim3A_80 : vector<1x1xf32>
    %add3A_81 = arith.addf %broadcast_in_dim3A_76, %log3A : vector<1x1xf32>
    %broadcast_in_dim3A_82 = arith.constant 0.000000e+00 : f32
    %broadcast_in_dim3A_83 = vector.broadcast %broadcast_in_dim3A_82 : f32 to vector<8x128xf32>
    %swap3A = arith.constant 0 : index
    %swap3A_84 = arith.constant 0 : index
    %swap3A_85 = vector.load %arg10[%swap3A, %swap3A_84] : memref<8x128xf32, #tpu.memory_space<vmem>>, vector<8x128xf32>
    tpu.vector_store %arg10[%swap3A, %swap3A_84], %broadcast_in_dim3A_83 {strides = array<i32>} : memref<8x128xf32, #tpu.memory_space<vmem>>, vector<8x128xf32>,
    %sub3A_86 = vector.broadcast %add3A_81 : vector<1x1xf32> to vector<1x128xf32>
    %sub3A_87 = arith.subf %select_n3A, %sub3A_86 : vector<1x128xf32>
    %swap3A_88 = arith.constant 0 : index
    %swap3A_89 = arith.constant 0 : index
    %swap3A_90 = vector.load %arg10[%swap3A_88, %swap3A_89] : memref<8x128xf32, #tpu.memory_space<vmem>>, vector<1x128xf32>
    tpu.vector_store %arg10[%swap3A_88, %swap3A_89], %sub3A_87 {strides = array<i32>} : memref<8x128xf32, #tpu.memory_space<vmem>>, vector<1x128xf32>,
    return
  }
}

</mosaic_0001>

<sc_bundles>
// kernel: kernel.11.cloned.1.call-start
scs
__scs_entry_jumppad:
0x0: {  	(pc) =	sbr.rel $0x88, $3  }
0x1: {  	(tag) =	ssettag $0x0;
	lr =	simm.s32 $0x1  }
0x2: {  	[smem:$0x3F8A] =	sst lr;
	_ =	strace $0xD0000000  }
0x3: {  	_ = 	snop  }
0x4: {  	_ = 	snop  }
0x5: {  	_ = 	snop  }
0x6: {  	_ = 	snop  }
0x7: {  	_ = 	snop  }
__scs_overlays_trampoline_lowered:
0x8: {  	[smem:$0x3F99] =	sst s0  }
0x9: {  	[smem:$0x3F9A] =	sst s1  }
0xa: {  	[smem:$0x3F9B] =	sst s2  }
0xb: {  	[smem:$0x3F9C] =	sst s3  }
0xc: {  	[smem:$0x3F9D] =	sst s4  }
0xd: {  	[smem:$0x3F9E] =	sst s5  }
0xe: {  	[smem:$0x3F9F] =	sst s6  }
0xf: {  	[smem:$0x3FA0] =	sst s7  }
0x10: {  	[smem:$0x3FA1] =	sst s8  }
0x11: {  	[smem:$0x3FA2] =	sst s9;
	s0 =	simm.s32 @!p0 $0x0  }
0x12: {  	s1 =	sld [smem:$0x3F88];
	s0 =	simm.s32 @p0 $0x1  }
0x13: {  	[smem:$0x3FA3] =	sst s0;
	s0 =	simm.s32 @!p1 $0x0  }
0x14: {  	s2 =	sld [smem:$0x3F87];
	s0 =	simm.s32 @p1 $0x1  }
0x15: {  	[smem:$0x3FA4] =	sst s0;
	s0 =	simm.s32 @!p2 $0x0  }
0x16: {  	s3 =	sld [smem:$0x3FDB];
	s0 =	simm.s32 @p2 $0x1  }
0x17: {  	s4 =	simm.s32 $0x1BF5;
	[smem:$0x3FA6] =	sst s0  }
0x18: {  	s0 =	sld [smem:$0x3F89];
	_ =	swait.ge [sflag:s4], $0x0  }
0x19: {  	s7 =	sld [smem:$0x3F8A]  }
0x1a: {  	s8 =	sadd.s32 $0xFFFFE003, lr  }
0x1b: {  	s9 =	sadd.s32 $0xFFFFFEF7, lr;
	s5 =	simm.s32 $0xFFFFFFFF;
	p2 =	slt.u32 s8, $0xFFFFF086  }
0x1c: {  	p1 =	slt.u32 s9, $0xF7A;
	s5 =	simm.s32 @!p2 $0x0  }
0x1d: {  	s5 =	simm.s32 @p1 $0x1;
	p0 =	seq.s32 s7, s2  }
0x1e: {  	s7 =	smul.u32 @!p0 $0xF7A, s2;
	p2 =	seq.s32 @!p0 s5, $0x0  }
0x1f: {  	s9 =	smul.u32 $0xF7A, s1;
	s8 =	simm.s32 @!p0 $0x1BF5;
	p2 =	por !p2, p0  }
0x20: {  	[sflag:s8] =	ssyncset.s32 @!p0 $0xFFFFF086;
	s6 =	sadd.s32 @!p0 s3, s7;
	s7 =	simm.s32 @!p0 $0x108  }
0x21: {  	s3 =	sadd.s32 s3, s9;
	s6 =	sadd.s32 @!p0 $0x88, s6;
	s7 =	simm.s32 @p2 $0x1082  }
0x22: {  	[simem:s7], [sflag:s8] =	dma.local @!p0 [hbm:s6], $0xF7A  }
0x23: {  	s9 =	sor.u32 $0xD0000000, s2;
	s6 =	simm.s32 $0x108;
	_ =	swait.ge @!p0 [sflag:s8], $0x0  }
0x24: {  	s3 =	sadd.s32 $0x88, s3;
	s6 =	simm.s32 @!p1 $0x1082;
	[sflag:s4] =	ssyncset.s32 $0xFFFFF086  }
0x25: {  	[simem:s6], [sflag:s4] =	dma.local [hbm:s3], $0xF7A  }
0x26: {  	[smem:$0x3F8A] =	sst s1;
	(tag) =	ssettag s2;
	_ =	strace s9  }
0x27: {  	s1 =	sld [smem:$0x3F9A]  }
0x28: {  	s2 =	sld [smem:$0x3F9B]  }
0x29: {  	s4 =	sld [smem:$0x3F9D]  }
0x2a: {  	p0 =	seq.s32 s5, $0x0;
	s5 =	sld [smem:$0x3F9E]  }
0x2b: {  	s6 =	sld [smem:$0x3F9F]  }
0x2c: {  	s7 =	sld [smem:$0x3FA0]  }
0x2d: {  	s3 =	simm.s32 $0x108;
	s8 =	sld [smem:$0x3FA1]  }
0x2e: {  	s3 =	simm.s32 @!p0 $0x1082;
	s9 =	sld [smem:$0x3FA2]  }
0x2f: {  	lr =	sadd.s32 s0, s3;
	s0 =	sld [smem:$0x3F99]  }
0x30: {  	s3 =	sld [smem:$0x3F9C]  }
0x31: {  	[smem:$0x3FA5] =	sst s10  }
0x32: {  	s10 =	sld [smem:$0x3FA3];
	_ =	sdelay $0x3  }
0x33: {  	p0 =	seq.s32 s10, $0x1;
	s10 =	sld [smem:$0x3FA5];
	_ =	sdelay $0x3  }
0x34: {  	[smem:$0x3FA5] =	sst s10  }
0x35: {  	s10 =	sld [smem:$0x3FA4];
	_ =	sdelay $0x3  }
0x36: {  	p1 =	seq.s32 s10, $0x1;
	s10 =	sld [smem:$0x3FA5];
	_ =	sdelay $0x3  }
0x37: {  	[smem:$0x3FA5] =	sst s10  }
0x38: {  	s10 =	sld [smem:$0x3FA6]  }
0x39: {  	_ = 	snop;
	(pc) =	sbr.ind lr, $3  }
0x3a: {  	_ = 	snop  }
0x3b: {  	_ = 	snop  }
0x3c: {  	p2 =	seq.s32 s10, $0x1;
	s10 =	sld [smem:$0x3FA5]  }
0x3d: {  	_ =	shalt  }
0x3e: {  	_ =	shalt  }
0x3f: {  	_ =	shalt  }
0x40: {  	_ =	shalt  }
0x41: {  	_ =	shalt  }
0x42: {  	_ =	shalt  }
0x43: {  	_ =	shalt  }
0x44: {  	_ =	shalt  }
0x45: {  	_ =	shalt  }
0x46: {  	_ =	shalt  }
0x47: {  	_ =	shalt  }
0x48: {  	_ =	shalt  }
0x49: {  	_ =	shalt  }
0x4a: {  	_ =	shalt  }
0x4b: {  	_ =	shalt  }
0x4c: {  	_ =	shalt  }
0x4d: {  	_ =	shalt  }
0x4e: {  	_ =	shalt  }
0x4f: {  	_ =	shalt  }
0x50: {  	_ =	shalt  }
0x51: {  	_ =	shalt  }
0x52: {  	_ =	shalt  }
0x53: {  	_ =	shalt  }
0x54: {  	_ =	shalt  }
0x55: {  	_ =	shalt  }
0x56: {  	_ =	shalt  }
0x57: {  	_ =	shalt  }
0x58: {  	_ =	shalt  }
0x59: {  	_ =	shalt  }
0x5a: {  	_ =	shalt  }
0x5b: {  	_ =	shalt  }
0x5c: {  	_ =	shalt  }
0x5d: {  	_ =	shalt  }
0x5e: {  	_ =	shalt  }
0x5f: {  	_ =	shalt  }
0x60: {  	_ =	shalt  }
0x61: {  	_ =	shalt  }
0x62: {  	_ =	shalt  }
0x63: {  	_ =	shalt  }
0x64: {  	_ =	shalt  }
0x65: {  	_ =	shalt  }
0x66: {  	_ =	shalt  }
0x67: {  	_ =	shalt  }
0x68: {  	_ =	shalt  }
0x69: {  	_ =	shalt  }
0x6a: {  	_ =	shalt  }
0x6b: {  	_ =	shalt  }
0x6c: {  	_ =	shalt  }
0x6d: {  	_ =	shalt  }
0x6e: {  	_ =	shalt  }
0x6f: {  	_ =	shalt  }
0x70: {  	_ =	shalt  }
0x71: {  	_ =	shalt  }
0x72: {  	_ =	shalt  }
0x73: {  	_ =	shalt  }
0x74: {  	_ =	shalt  }
0x75: {  	_ =	shalt  }
0x76: {  	_ =	shalt  }
0x77: {  	_ =	shalt  }
0x78: {  	_ =	shalt  }
0x79: {  	_ =	shalt  }
0x7a: {  	_ =	shalt  }
0x7b: {  	_ =	shalt  }
0x7c: {  	_ =	shalt  }
0x7d: {  	_ =	shalt  }
0x7e: {  	_ =	shalt  }
0x7f: {  	_ =	shalt  }
0x80: {  	_ =	shalt  }
0x81: {  	_ =	shalt  }
0x82: {  	_ =	shalt  }
0x83: {  	_ =	shalt  }
0x84: {  	_ =	shalt  }
0x85: {  	_ =	shalt  }
0x86: {  	_ =	shalt  }
0x87: {  	_ =	shalt  }
.Lfunc_end0:
.L_simem_size_0:
called_computation_lowered:
.L_overlay_start_0:
0x88: {  	s2 =	sld [smem:$0x3FD9]  }
0x89: {  	s3 =	sld [smem:$0x3FFE];
	_ =	sdelay $0x1  }
0x8a: {  	s1 =	srdreg.scid  }
0x8b: {  	s0 =	sand.u32 $0x1, s1  }
0x8c: {  	s16 =	sshll.u32 s0, $0xA;
	s2 =	sadd.s32 s3, s2  }
0x8d: {  	s2 =	sadd.s32 s2, s16  }
0x8e: {  	[smem:$0x3FB1] =	sst s2  }
0x8f: {  	_ = 	snop  }
0x90: {  	(tm) =	ssettm $0x1  }
0x91: {  	s17 =	sld [smem:$0x3FFB];
	_ =	sdelay $0x3  }
0x92: {  	_ =	strace s17  }
0x93: {  	s2 =	sld [smem:$0x3FFC];
	_ =	sdelay $0x3  }
0x94: {  	_ =	strace s2  }
0x95: {  	s2 =	sld [smem:$0x3FFD];
	_ =	sdelay $0x3  }
0x96: {  	_ =	strace s2  }
0x97: {  	_ =	strace $0x8FFFFFFF  }
0x98: {  	s18 =	sld [smem:$0x3FDB];
	_ =	sdelay $0x1  }
0x99: {  	s19 =	simm.s32 $_scs_section_size  }
0x9a: {  	s4 =	simm.s32 $_size__tile_overlayer_lowered;
	s5 =	simm.s32 $_tile_overlayer_lowered  }
0x9b: {  	s22 =	simm.s32 $0x1BFF;
	s21 =	sshll.u32 s5, $0x1;
	s2 =	sadd.s32 s19, s18  }
0x9c: {  	s6 =	simm.s32 $0x0;
	s20 =	sshll.u32 s4, $0x1;
	s4 =	sadd.s32 s21, s2  }
0x9d: {  	[timem:s6], [sflag:s22] =	dma.local [hbm:s4], s20  }
0x9e: {  	_ =	swait.ge [sflag:s22], s20  }
0x9f: {  	s3 =	ssub.s32 $0x0, s20;
	[sflag:s22] =	ssyncset.done $0x0  }
0xa0: {  	[sflag:s22] =	ssyncadd.s32 s3;
	_ =	sdelay $0x1  }
0xa1: {  	s23 =	simm.s32 $0x1B8B  }
0xa2: {  	_ =	swait.ge [sflag:s23], $0x1  }
0xa3: {  	[sflag:s23] =	ssyncset.done $0x0  }
0xa4: {  	s25 =	simm.s32 $0x1B8E;
	s24 =	sld [smem:$0x3FFE];
	[sflag:s23] =	ssyncadd.s32 $0xFFFFFFFF  }
0xa5: {  	s26 =	simm.s32 $execute0_lowered;
	[smem:$0x3FD2] =	sst s25  }
0xa6: {  	s4 =	sshll.u32 s26, $0x1;
	_ =	strace $0x80000046;
	[dreg:$0x1] =	wrdreg $0xFFFFFFFF  }
0xa7: {  	s28 =	simm.s32 $_size_execute0_lowered;
	s2 =	sadd.s32 s2, s4;
	[dreg:$0x0] =	wrdreg $0x0  }
0xa8: {  	s4 =	sshll.u32 s28, $0x1;
	[dreg:$0x2] =	wrdreg s2  }
0xa9: {  	[dreg:$0x3] =	wrdreg s4  }
0xaa: {  	[dreg:$0x4] =	wrdreg $0xC0  }
0xab: {  	_ =	task [dreg:s6], $0x5FFFF  }
0xac: {  	[dreg:$0x1] =	wrdreg $0xFFFFFFFF  }
0xad: {  	[dreg:$0x0] =	wrdreg $0x60  }
0xae: {  	[dreg:$0x2] =	wrdreg s24  }
0xaf: {  	[dreg:$0x3] =	wrdreg $0x0  }
0xb0: {  	[dreg:$0x4] =	wrdreg $0x9  }
0xb1: {  	_ =	task.clear_ibuf [dreg:s6], $0x5FFFF;
	_ =	strace $0x90000046  }
0xb2: {  	s29 =	simm.s32 $0x9;
	_ =	strace $0x80000048  }
0xb3: {  	_ =	swait.ge [sflag:s29], $0x1  }
0xb4: {  	[sflag:s29] =	ssyncadd.s32 $0xFFFFFFFF  }
0xb5: {  	_ =	strace $0x90000048  }
0xb6: {  	_ =	sfence  }
0xb7: {  	s30 =	sld [smem:$0x0];
	_ =	sdelay $0x2  }
0xb8: {  	s31 =	sshll.u32 s1, $0xD;
	s1 =	sshrl.u32 s1, $0x2  }
0xb9: {  	s3 =	sand.u32 $0x4000, s31;
	s1 =	sadd.s32 s1, s30  }
0xba: {  	s0 =	sor.u32 s3, s0;
	s1 =	sshll.u32 s1, $0x11  }
0xbb: {  	s0 =	sor.u32 s1, s0  }
0xbc: {  	s0 =	sadd.s32 $0x8F2B, s0  }
0xbd: {  	[sflag:s0] =	ssyncadd.remote.s32 $0x1  }
0xbe: {  	_ =	sfence.sel $0xFFFF  }
0xbf: {  	[dreg:$0x0] =	wrdreg $0xFFFFFFFF;
	(pc) =	sbr.abs _section_cstart, $3  }
0xc0: {  	[dreg:$0x1] =	wrdreg $0xFFFFFFFF  }
0xc1: {  	_ =	task.clear_ibuf [dreg:s6], $0x2FFFF;
	_ =	strace $0x9FFFFFFF  }
0xc2: {  	(tm) =	ssettm $0x7FFFFFFF  }
0xc3: {  	_ =	shalt  }
tec
execute0_lowered:
.L_overlay_start_1:
0x0: {  	(tag) =	ssettag $0x1  }
0x1: {  	s0 =	rddreg [dreg:$0x0]  }
0x2: {  	s1 =	rddreg [dreg:$0x1];
	s12 =	stileid.u32  }
0x3: {  	s2 =	simm.s32 $0x0;
	s26 =	srdreg.scid;
	s8 =	smul.u32 $0x50000, s12  }
0x4: {  	[smem:$0x7FF] =	sst s2;
	s2 =	sand.u32 $0x1, s26;
	s4 =	sadd.s32 $0x7A000, s0  }
0x5: {  	s14 =	smul.u32 $0x280, s12;
	_ =	strace $0x80000047;
	s8 =	sshrl.u32 s8, $0x2  }
0x6: {  	[dreg:$0x3] =	wrdreg s4;
	s28 =	ssub.s32 $0x2, s2;
	s8 =	sadd.s32 s8, s1  }
0x7: {  	s11 =	sshrl.u32 s28, $0x1;
	s29 =	sadd.s32 $0x1000, s8;
	[dreg:$0x4] =	wrdreg s8  }
0x8: {  	s4 =	ssub.s32 s28, s11;
	s30 =	sadd.s32 $0x2000, s8;
	[dreg:$0x6] =	wrdreg s29  }
0x9: {  	s31 =	smax.u32 s4, $0x1;
	s4 =	sadd.s32 $0x3000, s8;
	[dreg:$0x7] =	wrdreg s30  }
0xa: {  	s11 =	smul.u32 $0x14, s12;
	s12 =	sadd.s32 $0x4000, s8;
	[dreg:$0x8] =	wrdreg s4  }
0xb: {  	s15 =	sadd.s32 $0x5000, s8;
	[dreg:$0x9] =	wrdreg s12  }
0xc: {  	s16 =	sadd.s32 $0x6000, s8;
	[dreg:$0xa] =	wrdreg s15  }
0xd: {  	s17 =	sadd.s32 $0x7000, s8;
	[dreg:$0xb] =	wrdreg s16  }
0xe: {  	s18 =	sadd.s32 $0x8000, s8;
	[dreg:$0xc] =	wrdreg s17  }
0xf: {  	s19 =	sadd.s32 $0x9000, s8;
	[dreg:$0xd] =	wrdreg s18  }
0x10: {  	s3 =	sadd.s32 $0x200, s0;
	s20 =	sadd.s32 $0xA000, s8;
	[dreg:$0xe] =	wrdreg s19  }
0x11: {  	s5 =	sadd.s32 $0x78200, s0;
	s21 =	sadd.s32 $0xB000, s8;
	[dreg:$0xf] =	wrdreg s20  }
0x12: {  	s6 =	sadd.s32 $0x78C00, s0;
	s22 =	sadd.s32 $0xC000, s8;
	[dreg:$0x10] =	wrdreg s21  }
0x13: {  	s7 =	sadd.s32 $0x79600, s0;
	s23 =	sadd.s32 $0xD000, s8;
	[dreg:$0x11] =	wrdreg s22  }
0x14: {  	s9 =	sadd.s32 $0x7A200, s0;
	s24 =	sadd.s32 $0xE000, s8;
	[dreg:$0x12] =	wrdreg s23  }
0x15: {  	s10 =	sadd.s32 $0xA2200, s0;
	s25 =	sadd.s32 $0xF000, s8;
	[dreg:$0x13] =	wrdreg s24  }
0x16: {  	s13 =	sadd.s32 $0x300, s0;
	s26 =	sadd.s32 $0x10000, s8;
	[dreg:$0x14] =	wrdreg s25  }
0x17: {  	s0 =	simm.s32 $0x0;
	s28 =	sadd.s32 $0x11000, s8;
	[dreg:$0x15] =	wrdreg s26  }
0x18: {  	p0 =	seq.s32 s2, $0x0;
	s2 =	simm.s32 $0x40;
	[dreg:$0x16] =	wrdreg s28  }
.Ltmp0:
0x19: {  	s29 =	sadd.s32 $0x12000, s8;
	s30 =	sadd.s32 $0x13000, s8;
	(pc) =	sbr.rel .LBB2_1-.Ltmp0, $4  }
0x1a: {  	s17 =	simm.s32 $0x18A00;
	s18 =	simm.s32 $0x2;
	s19 =	simm.s32 $0xC800  }
0x1b: {  	v3 =	vlaneseq.u32;
	v0 =	vimm.f32 $0.0e+00;
	s20 =	simm.s32 $0xC880;
	s12 =	simm.s32 $0x12580;
	[dreg:$0x5] =	wrdreg s31  }
0x1c: {  	vm0 =	vmmov $0xffff;
	vm1 =	vmmov $0xff;
	v2 =	vshrl.u32 v3, $0x3;
	s21 =	simm.s32 $0x1;
	s22 =	simm.s32 $0x12980;
	[dreg:$0x17] =	wrdreg s29  }
0x1d: {  	v1 =	vand.u32 $0x7, v3;
	v3 =	vor.u32 $0x8, v3;
	v2 =	vmul.u32 $0x8, v2;
	s23 =	simm.s32 $0x19A00;
	s24 =	simm.s32 $0x1CA00;
	[dreg:$0x18] =	wrdreg s30  }
.LBB2_14:
0x1e: {  	[bflag:$0x0] =	sbarrier.arrive $0xFFFF  }
0x1f: {  	[bflag:$0x0] =	sbarrier.arrive $0xFFFF  }
.LBB2_12:
0x20: {  	s0 =	rddreg [dreg:$0x19]  }
0x21: {  	s0 =	sadd.s32 $0x1, s0  }
0x22: {  	p1 =	sne.s32 s0, s31  }
.Ltmp1:
0x23: {  	_ = 	snop;
	(pc) =	sbr.rel @!p1 .LBB2_13-.Ltmp1, $1  }
0x24: {  	_ =	sdelay $0x3  }
.LBB2_1:
.Ltmp2:
0x25: {  	(pc) =	sbr.rel @!p0 .LBB2_14-.Ltmp2, $2  }
0x26: {  	_ =	sdelay $0x2  }
0x27: {  	[dreg:$0x19] =	wrdreg s0  }
0x28: {  	s4 =	simm.s32 $0x200;
	s0 =	simm.s32 $0x0  }
.LBB2_3:
0x29: {  	p1 =	seq.s32 s4, $0x3E00;
	[tilespmem:s0+$0x18A40] =	vst v0;
	s8 =	smov.u32 s4;
	s4 =	sadd.s32 $0x200, s4  }
.Ltmp3:
0x2a: {  	[tilespmem:s0+$0x18A30] =	vst v0;
	(pc) =	sbr.rel @!p1 .LBB2_3-.Ltmp3, $4  }
0x2b: {  	[tilespmem:s0+$0x18A20] =	vst v0  }
0x2c: {  	[tilespmem:s0+$0x18A00] =	vst v0  }
0x2d: {  	[tilespmem:s0+$0x18A10] =	vst v0  }
0x2e: {  	s0 =	sshra.s32 s8, $0x2  }
0x2f: {  	[tilespmem:s0+$0x18A40] =	vst v0  }
0x30: {  	[tilespmem:s0+$0x18A30] =	vst v0  }
0x31: {  	[tilespmem:s0+$0x18A20] =	vst v0  }
0x32: {  	[tilespmem:s0+$0x18A00] =	vst v0  }
0x33: {  	[tilespmem:s0+$0x18A10] =	vst v0;
	s31 =	rddreg [dreg:$0x4]  }
0x34: {  	[spmem:s31] =	stream.linear.scatter [tilespmem:s17], [sflag:$0x2], $0x1000, $0x38;
	[tilespmem:$0x1DA00] =	vst v63  }
0x35: {  	_ =	swait.ge [sflag:s18], $0x1000  }
0x36: {  	[sflag:s18] =	ssyncset.done $0x0  }
0x37: {  	s4 =	rddreg [dreg:$0x6];
	[sflag:s18] =	ssyncadd.s32 $0xFFFFF000  }
0x38: {  	[spmem:s4] =	stream.linear.scatter [tilespmem:s17], [sflag:$0x2], $0x1000, $0x38;
	[tilespmem:$0x1DA00] =	vst v63  }
0x39: {  	_ =	swait.ge [sflag:s18], $0x1000  }
0x3a: {  	[sflag:s18] =	ssyncset.done $0x0  }
0x3b: {  	s8 =	rddreg [dreg:$0x7];
	[sflag:s18] =	ssyncadd.s32 $0xFFFFF000  }
0x3c: {  	[spmem:s8] =	stream.linear.scatter [tilespmem:s17], [sflag:$0x2], $0x1000, $0x38;
	[tilespmem:$0x1DA00] =	vst v63  }
0x3d: {  	_ =	swait.ge [sflag:s18], $0x1000  }
0x3e: {  	[sflag:s18] =	ssyncset.done $0x0  }
0x3f: {  	s15 =	rddreg [dreg:$0x8];
	[sflag:s18] =	ssyncadd.s32 $0xFFFFF000  }
0x40: {  	[spmem:s15] =	stream.linear.scatter [tilespmem:s17], [sflag:$0x2], $0x1000, $0x38;
	[tilespmem:$0x1DA00] =	vst v63  }
0x41: {  	_ =	swait.ge [sflag:s18], $0x1000  }
0x42: {  	[sflag:s18] =	ssyncset.done $0x0  }
0x43: {  	s16 =	rddreg [dreg:$0x9];
	[sflag:s18] =	ssyncadd.s32 $0xFFFFF000  }
0x44: {  	[spmem:s16] =	stream.linear.scatter [tilespmem:s17], [sflag:$0x2], $0x1000, $0x38;
	[tilespmem:$0x1DA00] =	vst v63  }
0x45: {  	_ =	swait.ge [sflag:s18], $0x1000  }
0x46: {  	[sflag:s18] =	ssyncset.done $0x0  }
0x47: {  	s25 =	rddreg [dreg:$0xa];
	[sflag:s18] =	ssyncadd.s32 $0xFFFFF000  }
0x48: {  	[spmem:s25] =	stream.linear.scatter [tilespmem:s17], [sflag:$0x2], $0x1000, $0x38;
	[tilespmem:$0x1DA00] =	vst v63  }
0x49: {  	_ =	swait.ge [sflag:s18], $0x1000  }
0x4a: {  	[sflag:s18] =	ssyncset.done $0x0  }
0x4b: {  	s26 =	rddreg [dreg:$0xb];
	[sflag:s18] =	ssyncadd.s32 $0xFFFFF000  }
0x4c: {  	[spmem:s26] =	stream.linear.scatter [tilespmem:s17], [sflag:$0x2], $0x1000, $0x38;
	[tilespmem:$0x1DA00] =	vst v63  }
0x4d: {  	_ =	swait.ge [sflag:s18], $0x1000  }
0x4e: {  	[sflag:s18] =	ssyncset.done $0x0  }
0x4f: {  	s28 =	rddreg [dreg:$0xc];
	[sflag:s18] =	ssyncadd.s32 $0xFFFFF000  }
0x50: {  	[spmem:s28] =	stream.linear.scatter [tilespmem:s17], [sflag:$0x2], $0x1000, $0x38;
	[tilespmem:$0x1DA00] =	vst v63  }
0x51: {  	_ =	swait.ge [sflag:s18], $0x1000  }
0x52: {  	[sflag:s18] =	ssyncset.done $0x0  }
0x53: {  	s29 =	rddreg [dreg:$0xd];
	[sflag:s18] =	ssyncadd.s32 $0xFFFFF000  }
0x54: {  	[spmem:s29] =	stream.linear.scatter [tilespmem:s17], [sflag:$0x2], $0x1000, $0x38;
	[tilespmem:$0x1DA00] =	vst v63  }
0x55: {  	_ =	swait.ge [sflag:s18], $0x1000  }
0x56: {  	[sflag:s18] =	ssyncset.done $0x0  }
0x57: {  	s30 =	rddreg [dreg:$0xe];
	[sflag:s18] =	ssyncadd.s32 $0xFFFFF000  }
0x58: {  	[spmem:s30] =	stream.linear.scatter [tilespmem:s17], [sflag:$0x2], $0x1000, $0x38;
	[tilespmem:$0x1DA00] =	vst v63  }
0x59: {  	_ =	swait.ge [sflag:s18], $0x1000  }
0x5a: {  	[sflag:s18] =	ssyncset.done $0x0  }
0x5b: {  	s31 =	rddreg [dreg:$0xf];
	[sflag:s18] =	ssyncadd.s32 $0xFFFFF000  }
0x5c: {  	[spmem:s31] =	stream.linear.scatter [tilespmem:s17], [sflag:$0x2], $0x1000, $0x38;
	[tilespmem:$0x1DA00] =	vst v63  }
0x5d: {  	_ =	swait.ge [sflag:s18], $0x1000  }
0x5e: {  	[sflag:s18] =	ssyncset.done $0x0  }
0x5f: {  	s4 =	rddreg [dreg:$0x10];
	[sflag:s18] =	ssyncadd.s32 $0xFFFFF000  }
0x60: {  	[spmem:s4] =	stream.linear.scatter [tilespmem:s17], [sflag:$0x2], $0x1000, $0x38;
	[tilespmem:$0x1DA00] =	vst v63  }
0x61: {  	_ =	swait.ge [sflag:s18], $0x1000  }
0x62: {  	[sflag:s18] =	ssyncset.done $0x0  }
0x63: {  	s8 =	rddreg [dreg:$0x11];
	[sflag:s18] =	ssyncadd.s32 $0xFFFFF000  }
0x64: {  	[spmem:s8] =	stream.linear.scatter [tilespmem:s17], [sflag:$0x2], $0x1000, $0x38;
	[tilespmem:$0x1DA00] =	vst v63  }
0x65: {  	_ =	swait.ge [sflag:s18], $0x1000  }
0x66: {  	[sflag:s18] =	ssyncset.done $0x0  }
0x67: {  	s15 =	rddreg [dreg:$0x12];
	[sflag:s18] =	ssyncadd.s32 $0xFFFFF000  }
0x68: {  	[spmem:s15] =	stream.linear.scatter [tilespmem:s17], [sflag:$0x2], $0x1000, $0x38;
	[tilespmem:$0x1DA00] =	vst v63  }
0x69: {  	_ =	swait.ge [sflag:s18], $0x1000  }
0x6a: {  	[sflag:s18] =	ssyncset.done $0x0  }
0x6b: {  	s16 =	rddreg [dreg:$0x13];
	[sflag:s18] =	ssyncadd.s32 $0xFFFFF000  }
0x6c: {  	[spmem:s16] =	stream.linear.scatter [tilespmem:s17], [sflag:$0x2], $0x1000, $0x38;
	[tilespmem:$0x1DA00] =	vst v63  }
0x6d: {  	_ =	swait.ge [sflag:s18], $0x1000  }
0x6e: {  	[sflag:s18] =	ssyncset.done $0x0  }
0x6f: {  	s25 =	rddreg [dreg:$0x14];
	[sflag:s18] =	ssyncadd.s32 $0xFFFFF000  }
0x70: {  	[spmem:s25] =	stream.linear.scatter [tilespmem:s17], [sflag:$0x2], $0x1000, $0x38;
	[tilespmem:$0x1DA00] =	vst v63  }
0x71: {  	_ =	swait.ge [sflag:s18], $0x1000  }
0x72: {  	[sflag:s18] =	ssyncset.done $0x0  }
0x73: {  	s26 =	rddreg [dreg:$0x15];
	[sflag:s18] =	ssyncadd.s32 $0xFFFFF000  }
0x74: {  	[spmem:s26] =	stream.linear.scatter [tilespmem:s17], [sflag:$0x2], $0x1000, $0x38;
	[tilespmem:$0x1DA00] =	vst v63  }
0x75: {  	_ =	swait.ge [sflag:s18], $0x1000  }
0x76: {  	[sflag:s18] =	ssyncset.done $0x0  }
0x77: {  	s28 =	rddreg [dreg:$0x16];
	[sflag:s18] =	ssyncadd.s32 $0xFFFFF000  }
0x78: {  	[spmem:s28] =	stream.linear.scatter [tilespmem:s17], [sflag:$0x2], $0x1000, $0x38;
	[tilespmem:$0x1DA00] =	vst v63  }
0x79: {  	_ =	swait.ge [sflag:s18], $0x1000  }
0x7a: {  	[sflag:s18] =	ssyncset.done $0x0  }
0x7b: {  	s29 =	rddreg [dreg:$0x17];
	[sflag:s18] =	ssyncadd.s32 $0xFFFFF000  }
0x7c: {  	[spmem:s29] =	stream.linear.scatter [tilespmem:s17], [sflag:$0x2], $0x1000, $0x38;
	[tilespmem:$0x1DA00] =	vst v63  }
0x7d: {  	_ =	swait.ge [sflag:s18], $0x1000  }
0x7e: {  	[sflag:s18] =	ssyncset.done $0x0  }
0x7f: {  	s30 =	rddreg [dreg:$0x18];
	[sflag:s18] =	ssyncadd.s32 $0xFFFFF000  }
0x80: {  	[spmem:s30] =	stream.linear.scatter [tilespmem:s17], [sflag:$0x2], $0x1000, $0x38;
	[tilespmem:$0x1DA00] =	vst v63  }
0x81: {  	_ =	swait.ge [sflag:s18], $0x1000  }
0x82: {  	[sflag:s18] =	ssyncset.done $0x0  }
0x83: {  	[sflag:s18] =	ssyncadd.s32 $0xFFFFF000  }
0x84: {  	[bflag:$0x0] =	sbarrier.arrive $0xFFFF  }
0x85: {  	s4 =	simm.s32 $0x18980;
	s25 =	simm.s32 $0x0;
	s31 =	rddreg [dreg:$0x3]  }
0x86: {  	[tilespmem:s4], [sflag:$0x2] =	stream.linear.gather [hbm4b:s31+s25], $0x80, $0x38;
	[tilespmem:$0x1DA00] =	vst v63  }
0x87: {  	_ =	swait.ge [sflag:s18], $0x80  }
0x88: {  	[sflag:s18] =	ssyncset.done $0x0  }
0x89: {  	s26 =	simm.s32 $0x0;
	[sflag:s18] =	ssyncadd.s32 $0xFFFFFF80  }
.LBB2_5:
0x8a: {  	s0 =	sadd.s32 s11, s26  }
0x8b: {  	s0 =	sshll.u32 s0, $0x3  }
0x8c: {  	s4 =	sadd.s32 s5, s0  }
0x8d: {  	[tilespmem:s19], [sflag:$0x2] =	stream.linear.gather [hbm4b:s4+s25], $0x40, $0x38;
	[tilespmem:$0x1DA00] =	vst v63  }
0x8e: {  	_ =	swait.ge [sflag:s18], $0x40  }
0x8f: {  	[sflag:s18] =	ssyncset.done $0x0  }
0x90: {  	s16 =	sadd.s32 s6, s0;
	[sflag:s18] =	ssyncadd.s32 $0xFFFFFFC0  }
0x91: {  	[tilespmem:s20], [sflag:$0x2] =	stream.linear.gather [hbm4b:s16+s25], $0x40, $0x38;
	[tilespmem:$0x1DA00] =	vst v63  }
0x92: {  	_ =	swait.ge [sflag:s18], $0x40  }
0x93: {  	[sflag:s18] =	ssyncset.done $0x0  }
0x94: {  	s8 =	sadd.s32 s7, s0;
	s0 =	simm.s32 $0xC900;
	[sflag:s18] =	ssyncadd.s32 $0xFFFFFFC0  }
0x95: {  	[tilespmem:s0], [sflag:$0x2] =	stream.linear.gather [hbm4b:s8+s25], $0x40, $0x38;
	[tilespmem:$0x1DA00] =	vst v63  }
0x96: {  	_ =	swait.ge [sflag:s18], $0x40  }
0x97: {  	[sflag:s18] =	ssyncset.done $0x0  }
0x98: {  	[sflag:s18] =	ssyncadd.s32 $0xFFFFFFC0  }
0x99: {  	v4 =	vld [tilespmem:$0xC800];
	_ =	sdelay $0x4  }
0x9a: {  	v5 =	vshrl.u32 v4, $0x3  }
0x9b: {  	v5 =	vmul.u32 $0x18, v5  }
0x9c: {  	v4 =	vand.u32 $0x7, v4  }
0x9d: {  	v4 =	vor.u32 v4, v5  }
0x9e: {  	v5 =	vperm.xlane v4, v1;
	_ =	sdelay $0x1  }
0x9f: {  	v5 =	vadd.s32 v2, v5;
	_ =	sdelay $0x1  }
0xa0: {  	v4 =	vperm.xlane v4, v3;
	_ =	sdelay $0x1  }
0xa1: {  	s15 =	simm.s32 $0xC980;
	v4 =	vadd.s32 v2, v4  }
0xa2: {  	[tilespmem:s15], [sflag:$0x1] =	stream.indirect_vreg.gather [hbm4b:s3+s25], $0x80, v5, vm0, $0xb8;
	[tilespmem:$0x1DA00] =	vst v63  }
0xa3: {  	s16 =	simm.s32 $0xD180  }
0xa4: {  	[tilespmem:s16], [sflag:$0x1] =	stream.indirect_vreg.gather [hbm4b:s13+s25], $0x80, v5, vm1, $0xb8;
	[tilespmem:$0x1DA00] =	vst v63  }
0xa5: {  	s8 =	simm.s32 $0xD580  }
0xa6: {  	[tilespmem:s8], [sflag:$0x1] =	stream.indirect_vreg.gather [hbm4b:s3+s25], $0x80, v4, vm0, $0xb8;
	[tilespmem:$0x1DA00] =	vst v63  }
0xa7: {  	s15 =	simm.s32 $0xDD80  }
0xa8: {  	[tilespmem:s15], [sflag:$0x1] =	stream.indirect_vreg.gather [hbm4b:s13+s25], $0x80, v4, vm1, $0xb8;
	[tilespmem:$0x1DA00] =	vst v63  }
0xa9: {  	v4 =	vld [tilespmem:$0xC810];
	_ =	sdelay $0x4  }
0xaa: {  	v5 =	vshrl.u32 v4, $0x3  }
0xab: {  	v5 =	vmul.u32 $0x18, v5  }
0xac: {  	v4 =	vand.u32 $0x7, v4  }
0xad: {  	v4 =	vor.u32 v4, v5  }
0xae: {  	v5 =	vperm.xlane v4, v1;
	_ =	sdelay $0x1  }
0xaf: {  	v5 =	vadd.s32 v2, v5;
	_ =	sdelay $0x1  }
0xb0: {  	v4 =	vperm.xlane v4, v3;
	_ =	sdelay $0x1  }
0xb1: {  	s16 =	simm.s32 $0xE180;
	v4 =	vadd.s32 v2, v4  }
0xb2: {  	[tilespmem:s16], [sflag:$0x1] =	stream.indirect_vreg.gather [hbm4b:s3+s25], $0x80, v5, vm0, $0xb8;
	[tilespmem:$0x1DA00] =	vst v63  }
0xb3: {  	s8 =	simm.s32 $0xE980  }
0xb4: {  	[tilespmem:s8], [sflag:$0x1] =	stream.indirect_vreg.gather [hbm4b:s13+s25], $0x80, v5, vm1, $0xb8;
	[tilespmem:$0x1DA00] =	vst v63  }
0xb5: {  	s15 =	simm.s32 $0xED80  }
0xb6: {  	[tilespmem:s15], [sflag:$0x1] =	stream.indirect_vreg.gather [hbm4b:s3+s25], $0x80, v4, vm0, $0xb8;
	[tilespmem:$0x1DA00] =	vst v63  }
0xb7: {  	s16 =	simm.s32 $0xF580  }
0xb8: {  	[tilespmem:s16], [sflag:$0x1] =	stream.indirect_vreg.gather [hbm4b:s13+s25], $0x80, v4, vm1, $0xb8;
	[tilespmem:$0x1DA00] =	vst v63  }
0xb9: {  	v4 =	vld [tilespmem:$0xC820];
	_ =	sdelay $0x4  }
0xba: {  	v5 =	vshrl.u32 v4, $0x3  }
0xbb: {  	v5 =	vmul.u32 $0x18, v5  }
0xbc: {  	v4 =	vand.u32 $0x7, v4  }
0xbd: {  	v4 =	vor.u32 v4, v5  }
0xbe: {  	v5 =	vperm.xlane v4, v1;
	_ =	sdelay $0x1  }
0xbf: {  	v5 =	vadd.s32 v2, v5;
	_ =	sdelay $0x1  }
0xc0: {  	v4 =	vperm.xlane v4, v3;
	_ =	sdelay $0x1  }
0xc1: {  	s8 =	simm.s32 $0xF980;
	v4 =	vadd.s32 v2, v4  }
0xc2: {  	[tilespmem:s8], [sflag:$0x1] =	stream.indirect_vreg.gather [hbm4b:s3+s25], $0x80, v5, vm0, $0xb8;
	[tilespmem:$0x1DA00] =	vst v63  }
0xc3: {  	s15 =	simm.s32 $0x10180  }
0xc4: {  	[tilespmem:s15], [sflag:$0x1] =	stream.indirect_vreg.gather [hbm4b:s13+s25], $0x80, v5, vm1, $0xb8;
	[tilespmem:$0x1DA00] =	vst v63  }
0xc5: {  	s16 =	simm.s32 $0x10580  }
0xc6: {  	[tilespmem:s16], [sflag:$0x1] =	stream.indirect_vreg.gather [hbm4b:s3+s25], $0x80, v4, vm0, $0xb8;
	[tilespmem:$0x1DA00] =	vst v63  }
0xc7: {  	s8 =	simm.s32 $0x10D80  }
0xc8: {  	[tilespmem:s8], [sflag:$0x1] =	stream.indirect_vreg.gather [hbm4b:s13+s25], $0x80, v4, vm1, $0xb8;
	[tilespmem:$0x1DA00] =	vst v63  }
0xc9: {  	v4 =	vld [tilespmem:$0xC830];
	_ =	sdelay $0x4  }
0xca: {  	v5 =	vshrl.u32 v4, $0x3  }
0xcb: {  	v5 =	vmul.u32 $0x18, v5  }
0xcc: {  	v4 =	vand.u32 $0x7, v4  }
0xcd: {  	v4 =	vor.u32 v4, v5  }
0xce: {  	v5 =	vperm.xlane v4, v1;
	_ =	sdelay $0x1  }
0xcf: {  	v5 =	vadd.s32 v2, v5;
	_ =	sdelay $0x1  }
0xd0: {  	v4 =	vperm.xlane v4, v3;
	_ =	sdelay $0x1  }
0xd1: {  	s15 =	simm.s32 $0x11180;
	v4 =	vadd.s32 v2, v4  }
0xd2: {  	[tilespmem:s15], [sflag:$0x1] =	stream.indirect_vreg.gather [hbm4b:s3+s25], $0x80, v5, vm0, $0xb8;
	[tilespmem:$0x1DA00] =	vst v63  }
0xd3: {  	s16 =	simm.s32 $0x11980  }
0xd4: {  	[tilespmem:s16], [sflag:$0x1] =	stream.indirect_vreg.gather [hbm4b:s13+s25], $0x80, v5, vm1, $0xb8;
	[tilespmem:$0x1DA00] =	vst v63  }
0xd5: {  	s8 =	simm.s32 $0x11D80  }
0xd6: {  	[tilespmem:s8], [sflag:$0x1] =	stream.indirect_vreg.gather [hbm4b:s3+s25], $0x80, v4, vm0, $0xb8;
	[tilespmem:$0x1DA00] =	vst v63  }
0xd7: {  	_ = 	snop  }
0xd8: {  	[tilespmem:s12], [sflag:$0x1] =	stream.indirect_vreg.gather [hbm4b:s13+s25], $0x80, v4, vm1, $0xb8;
	[tilespmem:$0x1DA00] =	vst v63  }
0xd9: {  	s28 =	simm.s32 $0x14980  }
0xda: {  	[tilespmem:s28], [sflag:$0x1] =	stream.indirect.gather [hbm4b:s9+s2], $0x80, s19, s2, $0xb8;
	[tilespmem:$0x1DA00] =	vst v63  }
0xdb: {  	s29 =	simm.s32 $0x16980  }
0xdc: {  	[tilespmem:s29], [sflag:$0x1] =	stream.indirect.gather [hbm4b:s9+s2], $0x80, s20, s2, $0xb8;
	[tilespmem:$0x1DA00] =	vst v63  }
0xdd: {  	_ =	swait.ge [sflag:s21], $0x6000  }
0xde: {  	[sflag:s21] =	ssyncset.done $0x0  }
0xdf: {  	[sflag:s21] =	ssyncadd.s32 $0xFFFFA000  }
0xe0: {  	_ =	swait.ge [sflag:s21], $0x2000  }
0xe1: {  	[sflag:s21] =	ssyncset.done $0x0  }
0xe2: {  	[sflag:s21] =	ssyncadd.s32 $0xFFFFE000  }
0xe3: {  	_ =	swait.ge [sflag:s21], $0x2000  }
0xe4: {  	[sflag:s21] =	ssyncset.done $0x0  }
0xe5: {  	[sflag:s21] =	ssyncadd.s32 $0xFFFFE000  }
0xe6: {  	v4 =	vld [tilespmem:s0+$0x0]  }
0xe7: {  	v5 =	vld [tilespmem:s29+$0x0]  }
0xe8: {  	v6 =	vld [tilespmem:$0x18980]  }
0xe9: {  	v7 =	vld [tilespmem:$0x18984]  }
0xea: {  	v8 =	vld [tilespmem:s28+$0x0]  }
0xeb: {  	v9 =	vld [tilespmem:$0x18981]  }
0xec: {  	v10 =	vld [tilespmem:$0x18982]  }
0xed: {  	s15 =	simm.s32 $0x0;
	v11 =	vld [tilespmem:$0x18985]  }
0xee: {  	s0 =	smul.u32 $0x3000, s15;
	v13 =	vld [tilespmem:$0x18983]  }
0xef: {  	v12 =	vld [tilespmem:$0x18986];
	v6 =	vmul.f32 v6, v4  }
0xf0: {  	s16 =	sand.u32 $0x380, s25;
	v40 =	vld [tilespmem:$0x18987];
	s0 =	sshra.s32 s0, $0x2  }
0xf1: {  	s0 =	sor.u32 s16, s0;
	v9 =	vmul.f32 v9, v4;
	v6 =	vadd.f32 v7, v6  }
0xf2: {  	v41 =	vld [tilespmem:s0+$0xD180];
	v5 =	vmul.f32 v5, v8;
	v39 =	vmul.f32 v10, v4  }
0xf3: {  	v42 =	vmul.f32 v13, v4;
	v7 =	vld [tilespmem:s0+$0xC980];
	v9 =	vadd.f32 v11, v9;
	v6 =	vmax.f32 v6, $0.0e+00  }
0xf4: {  	v8 =	vadd.f32 v12, v39;
	v6 =	vmul.f32 v6, v5  }
0xf5: {  	v43 =	vld [tilespmem:s0+$0xC9C0];
	v4 =	vbroadcast v5, $0x0;
	v10 =	vadd.f32 v40, v42;
	v9 =	vmax.f32 v9, $0.0e+00  }
0xf6: {  	v8 =	vmax.f32 v8, $0.0e+00;
	v9 =	vmul.f32 v9, v5;
	v6 =	vbroadcast v6, $0x0  }
0xf7: {  	v44 =	vld [tilespmem:s0+$0xCD80];
	v11 =	vmul.f32 v41, v4;
	v8 =	vmul.f32 v8, v5  }
0xf8: {  	v10 =	vmax.f32 v10, $0.0e+00;
	v9 =	vbroadcast v9, $0x0;
	v7 =	vmul.f32 v7, v6  }
0xf9: {  	v14 =	vld [tilespmem:s0+$0xCDC0];
	v5 =	vmul.f32 v10, v5  }
0xfa: {  	v8 =	vbroadcast v8, $0x0;
	v45 =	vmul.f32 v43, v9;
	v7 =	vadd.f32 v7, v11;
	_ =	sdelay $0x1  }
0xfb: {  	v5 =	vbroadcast v5, $0x0;
	v46 =	vmul.f32 v44, v8;
	v7 =	vadd.f32 v45, v7;
	_ =	sdelay $0x1  }
0xfc: {  	v47 =	vmul.f32 v14, v5;
	v7 =	vadd.f32 v46, v7;
	_ =	sdelay $0x1  }
0xfd: {  	v7 =	vadd.f32 v47, v7  }
0xfe: {  	s30 =	simm.s32 $0x129A0  }
0xff: {  	[tilespmem:s30+$0xFFFFFFE0] =	vst v7  }
0x100: {  	v7 =	vld [tilespmem:s0+$0xD190]  }
0x101: {  	v48 =	vld [tilespmem:s0+$0xC990];
	_ =	sdelay $0x1  }
0x102: {  	v49 =	vld [tilespmem:s0+$0xC9D0];
	_ =	sdelay $0x1  }
0x103: {  	v50 =	vld [tilespmem:s0+$0xCD90]  }
0x104: {  	v7 =	vmul.f32 v7, v4;
	v10 =	vmul.f32 v48, v6  }
0x105: {  	v51 =	vld [tilespmem:s0+$0xCDD0]  }
0x106: {  	v11 =	vmul.f32 v49, v9;
	v7 =	vadd.f32 v10, v7;
	_ =	sdelay $0x1  }
0x107: {  	v52 =	vmul.f32 v50, v8;
	v7 =	vadd.f32 v11, v7;
	_ =	sdelay $0x1  }
0x108: {  	v53 =	vmul.f32 v51, v5;
	v7 =	vadd.f32 v52, v7;
	_ =	sdelay $0x1  }
0x109: {  	v7 =	vadd.f32 v53, v7;
	_ =	sdelay $0x1  }
0x10a: {  	[tilespmem:s30+$0xFFFFFFF0] =	vst v7  }
0x10b: {  	v7 =	vld [tilespmem:s0+$0xD1A0]  }
0x10c: {  	v54 =	vld [tilespmem:s0+$0xC9A0];
	_ =	sdelay $0x1  }
0x10d: {  	v55 =	vld [tilespmem:s0+$0xC9E0];
	_ =	sdelay $0x1  }
0x10e: {  	v56 =	vld [tilespmem:s0+$0xCDA0]  }
0x10f: {  	v7 =	vmul.f32 v7, v4;
	v10 =	vmul.f32 v54, v6  }
0x110: {  	v57 =	vld [tilespmem:s0+$0xCDE0]  }
0x111: {  	v11 =	vmul.f32 v55, v9;
	v7 =	vadd.f32 v10, v7;
	_ =	sdelay $0x1  }
0x112: {  	v58 =	vmul.f32 v56, v8;
	v7 =	vadd.f32 v11, v7;
	_ =	sdelay $0x1  }
0x113: {  	v59 =	vmul.f32 v57, v5;
	v7 =	vadd.f32 v58, v7;
	_ =	sdelay $0x1  }
0x114: {  	v7 =	vadd.f32 v59, v7;
	_ =	sdelay $0x1  }
0x115: {  	[tilespmem:s30+$0x0] =	vst v7  }
0x116: {  	v7 =	vld [tilespmem:s0+$0xD1B0]  }
0x117: {  	v60 =	vld [tilespmem:s0+$0xC9B0];
	_ =	sdelay $0x1  }
0x118: {  	v61 =	vld [tilespmem:s0+$0xC9F0];
	_ =	sdelay $0x1  }
0x119: {  	v62 =	vld [tilespmem:s0+$0xCDB0]  }
0x11a: {  	v7 =	vmul.f32 v7, v4;
	v6 =	vmul.f32 v60, v6  }
0x11b: {  	v63 =	vld [tilespmem:s0+$0xCDF0]  }
0x11c: {  	v9 =	vmul.f32 v61, v9;
	v6 =	vadd.f32 v6, v7;
	_ =	sdelay $0x1  }
0x11d: {  	v7 =	vmul.f32 v62, v8;
	v6 =	vadd.f32 v9, v6;
	_ =	sdelay $0x1  }
0x11e: {  	v5 =	vmul.f32 v63, v5;
	v6 =	vadd.f32 v7, v6;
	_ =	sdelay $0x1  }
0x11f: {  	v5 =	vadd.f32 v5, v6;
	_ =	sdelay $0x1  }
0x120: {  	s31 =	simm.s32 $0x1;
	[tilespmem:s30+$0x10] =	vst v5  }
0x121: {  	s4 =	simm.s32 $0x12A20;
	s8 =	simm.s32 $0x0;
	s0 =	simm.s32 $0xC901;
	v5 =	vld [tilespmem:$0x18990]  }
.LBB2_6:
0x122: {  	s8 =	sadd.s32 $0x80, s8;
	s28 =	sadd.s32 $0x80, s28;
	s29 =	sadd.s32 $0x80, s29  }
0x123: {  	p1 =	sne.s32 s31, $0x3F;
	s16 =	smov.u32 s31;
	s31 =	sadd.s32 $0x1, s31  }
0x124: {  	_ =	sdelay $0x1  }
0x125: {  	v4 =	vmul.f32 v5, v4;
	_ =	sdelay $0x1  }
0x126: {  	[tilespmem:s30+$0x20] =	vst v4;
	s30 =	smov.u32 s4  }
0x127: {  	v5 =	vld [tilespmem:s0+$0x0]  }
0x128: {  	v4 =	vld [tilespmem:s29+$0x0]  }
0x129: {  	v6 =	vld [tilespmem:$0x18980]  }
0x12a: {  	v7 =	vld [tilespmem:$0x18984]  }
0x12b: {  	v8 =	vld [tilespmem:s28+$0x0]  }
0x12c: {  	v9 =	vld [tilespmem:$0x18982]  }
0x12d: {  	v10 =	vld [tilespmem:$0x18981]  }
0x12e: {  	s16 =	sshrl.u32 s16, $0x3;
	v11 =	vld [tilespmem:$0x18986]  }
0x12f: {  	s16 =	smul.u32 $0x3000, s16;
	v12 =	vld [tilespmem:$0x18985]  }
0x130: {  	v8 =	vmul.f32 v4, v8  }
0x131: {  	s15 =	sand.u32 $0x380, s8;
	s16 =	sshra.s32 s16, $0x2;
	v4 =	vmul.f32 v6, v5;
	v6 =	vmul.f32 v9, v5  }
0x132: {  	s16 =	sor.u32 s15, s16;
	v9 =	vmul.f32 v10, v5;
	v10 =	vld [tilespmem:$0x18983]  }
0x133: {  	v7 =	vadd.f32 v7, v4;
	v6 =	vadd.f32 v11, v6;
	v11 =	vld [tilespmem:s16+$0xC980]  }
0x134: {  	v4 =	vbroadcast v8, $0x0;
	v9 =	vadd.f32 v12, v9;
	v12 =	vld [tilespmem:$0x18987]  }
0x135: {  	v7 =	vmax.f32 v7, $0.0e+00;
	v6 =	vmax.f32 v6, $0.0e+00;
	v13 =	vld [tilespmem:s16+$0xD180]  }
0x136: {  	v7 =	vmul.f32 v7, v8;
	v9 =	vmax.f32 v9, $0.0e+00;
	v6 =	vmul.f32 v6, v8  }
0x137: {  	v9 =	vmul.f32 v9, v8;
	v5 =	vmul.f32 v10, v5;
	v10 =	vld [tilespmem:s16+$0xC9C0]  }
0x138: {  	v7 =	vbroadcast v7, $0x0;
	v6 =	vbroadcast v6, $0x0  }
0x139: {  	v9 =	vbroadcast v9, $0x0;
	v5 =	vadd.f32 v12, v5;
	v12 =	vld [tilespmem:s16+$0xCD80]  }
0x13a: {  	v11 =	vmul.f32 v11, v7;
	v13 =	vmul.f32 v13, v4  }
0x13b: {  	v5 =	vmax.f32 v5, $0.0e+00;
	v14 =	vld [tilespmem:s16+$0xCDC0]  }
0x13c: {  	v5 =	vmul.f32 v5, v8;
	v8 =	vadd.f32 v11, v13;
	v10 =	vmul.f32 v10, v9;
	_ =	sdelay $0x1  }
0x13d: {  	v5 =	vbroadcast v5, $0x0;
	v8 =	vadd.f32 v10, v8;
	v10 =	vmul.f32 v12, v6;
	_ =	sdelay $0x1  }
0x13e: {  	v8 =	vadd.f32 v10, v8;
	v10 =	vmul.f32 v14, v5;
	_ =	sdelay $0x1  }
0x13f: {  	v8 =	vadd.f32 v10, v8;
	_ =	sdelay $0x1  }
0x140: {  	[tilespmem:s4+$0xFFFFFFE0] =	vst v8  }
0x141: {  	v8 =	vld [tilespmem:s16+$0xD190]  }
0x142: {  	v10 =	vld [tilespmem:s16+$0xC990]  }
0x143: {  	v11 =	vld [tilespmem:s16+$0xC9D0];
	_ =	sdelay $0x2  }
0x144: {  	v8 =	vmul.f32 v8, v4;
	v12 =	vld [tilespmem:s16+$0xCD90]  }
0x145: {  	v10 =	vmul.f32 v10, v7  }
0x146: {  	v11 =	vmul.f32 v11, v9;
	v13 =	vld [tilespmem:s16+$0xCDD0]  }
0x147: {  	v8 =	vadd.f32 v10, v8;
	_ =	sdelay $0x1  }
0x148: {  	v8 =	vadd.f32 v11, v8;
	v10 =	vmul.f32 v12, v6;
	_ =	sdelay $0x1  }
0x149: {  	v8 =	vadd.f32 v10, v8;
	v10 =	vmul.f32 v13, v5;
	_ =	sdelay $0x1  }
0x14a: {  	v8 =	vadd.f32 v10, v8;
	_ =	sdelay $0x1  }
0x14b: {  	[tilespmem:s4+$0xFFFFFFF0] =	vst v8  }
0x14c: {  	v8 =	vld [tilespmem:s16+$0xD1A0]  }
0x14d: {  	v10 =	vld [tilespmem:s16+$0xC9A0]  }
0x14e: {  	v11 =	vld [tilespmem:s16+$0xC9E0];
	_ =	sdelay $0x2  }
0x14f: {  	v8 =	vmul.f32 v8, v4;
	v12 =	vld [tilespmem:s16+$0xCDA0]  }
0x150: {  	v10 =	vmul.f32 v10, v7  }
0x151: {  	v11 =	vmul.f32 v11, v9;
	v13 =	vld [tilespmem:s16+$0xCDE0]  }
0x152: {  	v8 =	vadd.f32 v10, v8;
	_ =	sdelay $0x1  }
0x153: {  	v8 =	vadd.f32 v11, v8;
	v10 =	vmul.f32 v12, v6;
	_ =	sdelay $0x1  }
0x154: {  	v8 =	vadd.f32 v10, v8;
	v10 =	vmul.f32 v13, v5;
	_ =	sdelay $0x1  }
0x155: {  	v8 =	vadd.f32 v10, v8;
	_ =	sdelay $0x1  }
0x156: {  	[tilespmem:s4+$0x0] =	vst v8  }
0x157: {  	v8 =	vld [tilespmem:s16+$0xD1B0]  }
0x158: {  	v10 =	vld [tilespmem:s16+$0xC9B0]  }
0x159: {  	v11 =	vld [tilespmem:s16+$0xC9F0]  }
0x15a: {  	v12 =	vld [tilespmem:s16+$0xCDB0]  }
0x15b: {  	v13 =	vld [tilespmem:s16+$0xCDF0]  }
0x15c: {  	v8 =	vmul.f32 v8, v4  }
0x15d: {  	v7 =	vmul.f32 v10, v7  }
0x15e: {  	v9 =	vmul.f32 v11, v9  }
0x15f: {  	v7 =	vadd.f32 v7, v8;
	v6 =	vmul.f32 v12, v6;
	_ =	sdelay $0x1  }
0x160: {  	v7 =	vadd.f32 v9, v7;
	_ =	sdelay $0x1  }
0x161: {  	v5 =	vmul.f32 v13, v5;
	v6 =	vadd.f32 v6, v7  }
.Ltmp4:
0x162: {  	(pc) =	sbr.rel @p1 .LBB2_6-.Ltmp4, $3  }
0x163: {  	v5 =	vadd.f32 v5, v6;
	_ =	sdelay $0x1  }
0x164: {  	[tilespmem:s4+$0x10] =	vst v5  }
0x165: {  	s0 =	sadd.s32 $0x1, s0;
	s4 =	sadd.s32 $0x80, s4;
	v5 =	vld [tilespmem:$0x18990]  }
0x166: {  	_ =	sdelay $0x3  }
0x167: {  	s26 =	sadd.s32 $0x1, s26;
	v4 =	vmul.f32 v5, v4  }
0x168: {  	p1 =	seq.s32 s26, $0x14  }
.Ltmp5:
0x169: {  	[tilespmem:s30+$0x20] =	vst v4;
	(pc) =	sbr.rel @!p1 .LBB2_5-.Ltmp5, $4  }
0x16a: {  	[spmem:s1] =	stream.indirect.scatter.add.f32 [tilespmem:s22], [sflag:$0x2], $0x50, s20, s2, $0xb8;
	[tilespmem:$0x1DA00] =	vst v63  }
0x16b: {  	_ =	swait.ge [sflag:s18], $0x1400  }
0x16c: {  	[sflag:s18] =	ssyncset.done $0x0  }
0x16d: {  	[sflag:s18] =	ssyncadd.s32 $0xFFFFEC00  }
0x16e: {  	[bflag:$0x0] =	sbarrier.arrive $0xFFFF;
	s25 =	simm.s32 $0x0  }
0x16f: {  	s0 =	simm.s32 $0x0;
	s30 =	simm.s32 $0x0;
	s31 =	rddreg [dreg:$0x5]  }
.LBB2_9:
0x170: {  	s4 =	sshll.u32 s0, $0x5  }
0x171: {  	s4 =	sadd.s32 s14, s4  }
0x172: {  	s8 =	sshll.u32 s4, $0x7  }
0x173: {  	s8 =	sand.u32 $0x3FFFFF80, s8  }
0x174: {  	s15 =	sshrl.u32 s4, $0x3;
	s8 =	sadd.s32 s8, s1  }
0x175: {  	[tilespmem:s17], [sflag:$0x2] =	stream.linear.gather [spmem:s8], $0x1000, $0x38;
	[tilespmem:$0x1DA00] =	vst v63  }
0x176: {  	s8 =	smul.u32 $0x180, s15;
	_ =	swait.ge [sflag:s18], $0x1000  }
0x177: {  	[sflag:s18] =	ssyncset.done $0x0  }
0x178: {  	s8 =	sadd.s32 s3, s8;
	[sflag:s18] =	ssyncadd.s32 $0xFFFFF000  }
0x179: {  	[tilespmem:s23], [sflag:$0x2] =	stream.linear.gather [hbm4b:s8+s25], $0x3000, $0x38;
	[tilespmem:$0x1DA00] =	vst v63  }
0x17a: {  	_ =	swait.ge [sflag:s18], $0x3000  }
0x17b: {  	[sflag:s18] =	ssyncset.done $0x0  }
0x17c: {  	s15 =	simm.s32 $0x18A20;
	[sflag:s18] =	ssyncadd.s32 $0xFFFFD000  }
0x17d: {  	v4 =	vld [tilespmem:s15+$0x20];
	_ =	sdelay $0x4  }
0x17e: {  	v4 =	vmax.f32 v4, $1.000000000e+00  }
0x17f: {  	v4 =	vbroadcast v4, $0x0;
	_ =	sdelay $0x1  }
0x180: {  	(erf) = vrcp.f32 v4  }
0x181: {  	s16 =	simm.s32 $0x0  }
0x182: {  	s8 =	smul.u32 $0x3000, s16;
	_ =	sdelay $0x1  }
0x183: {  	s16 =	sand.u32 $0x380, s25;
	s8 =	sshra.s32 s8, $0x2  }
0x184: {  	s8 =	sor.u32 s16, s8;
	v4 =	vld [tilespmem:s15+$0xFFFFFFE0]  }
0x185: {  	s16 =	sadd.s32 $0x1A200, s8  }
0x186: {  	v5 =	vld [tilespmem:s16+$0x40];
	_ =	sdelay $0x1  }
0x187: {  	v6 =	vpop (erf)  }
0x188: {  	v4 =	vmul.f32 v6, v4;
	_ =	sdelay $0x1  }
0x189: {  	v4 =	vadd.f32 v4, v5;
	_ =	sdelay $0x1  }
0x18a: {  	s8 =	simm.s32 $0x1CA20;
	v4 =	vmax.f32 v4, $0.0e+00  }
0x18b: {  	[tilespmem:s8+$0xFFFFFFE0] =	vst v4  }
0x18c: {  	v4 =	vld [tilespmem:s15+$0xFFFFFFF0];
	_ =	sdelay $0x1  }
0x18d: {  	v5 =	vld [tilespmem:s16+$0x50];
	_ =	sdelay $0x2  }
0x18e: {  	v4 =	vmul.f32 v4, v6;
	_ =	sdelay $0x1  }
0x18f: {  	v4 =	vadd.f32 v5, v4;
	_ =	sdelay $0x1  }
0x190: {  	v4 =	vmax.f32 v4, $0.0e+00  }
0x191: {  	[tilespmem:s8+$0xFFFFFFF0] =	vst v4  }
0x192: {  	v4 =	vld [tilespmem:s15+$0x0];
	_ =	sdelay $0x1  }
0x193: {  	v5 =	vld [tilespmem:s16+$0x60];
	_ =	sdelay $0x2  }
0x194: {  	v4 =	vmul.f32 v4, v6;
	_ =	sdelay $0x1  }
0x195: {  	v4 =	vadd.f32 v5, v4;
	_ =	sdelay $0x1  }
0x196: {  	v4 =	vmax.f32 v4, $0.0e+00  }
0x197: {  	[tilespmem:s8+$0x0] =	vst v4  }
0x198: {  	v4 =	vld [tilespmem:s15+$0x10];
	_ =	sdelay $0x1  }
0x199: {  	v5 =	vld [tilespmem:s16+$0x70];
	_ =	sdelay $0x2  }
0x19a: {  	v4 =	vmul.f32 v4, v6;
	_ =	sdelay $0x1  }
0x19b: {  	s26 =	simm.s32 $0x0;
	v4 =	vadd.f32 v5, v4  }
0x19c: {  	s15 =	smul.u32 $0x3000, s26  }
0x19d: {  	s16 =	simm.s32 $0x80;
	v4 =	vmax.f32 v4, $0.0e+00  }
0x19e: {  	s26 =	simm.s32 $0x18AA0;
	s28 =	sand.u32 $0x380, s16;
	s15 =	sshra.s32 s15, $0x2;
	[tilespmem:s8+$0x10] =	vst v4  }
0x19f: {  	s29 =	sor.u32 s28, s15;
	s28 =	simm.s32 $0x2;
	v4 =	vld [tilespmem:s26+$0x20]  }
.LBB2_10:
0x1a0: {  	p1 =	sne.s32 s28, $0x1F;
	v5 =	vld [tilespmem:s26+$0xFFFFFFE0];
	s29 =	sadd.s32 $0x1A200, s29  }
0x1a1: {  	v6 =	vld [tilespmem:s29+$0x40];
	_ =	sdelay $0x2  }
0x1a2: {  	v4 =	vmax.f32 v4, $1.000000000e+00  }
0x1a3: {  	v4 =	vbroadcast v4, $0x0;
	_ =	sdelay $0x1  }
0x1a4: {  	(erf) = vrcp.f32 v4;
	_ =	sdelay $0x8  }
0x1a5: {  	v4 =	vpop (erf)  }
0x1a6: {  	v5 =	vmul.f32 v4, v5;
	_ =	sdelay $0x1  }
0x1a7: {  	v5 =	vadd.f32 v5, v6;
	_ =	sdelay $0x1  }
0x1a8: {  	s8 =	sadd.s32 $0x80, s8;
	v5 =	vmax.f32 v5, $0.0e+00  }
0x1a9: {  	[tilespmem:s8+$0xFFFFFFE0] =	vst v5  }
0x1aa: {  	v5 =	vld [tilespmem:s26+$0xFFFFFFF0];
	_ =	sdelay $0x1  }
0x1ab: {  	v6 =	vld [tilespmem:s29+$0x50];
	_ =	sdelay $0x2  }
0x1ac: {  	v5 =	vmul.f32 v5, v4;
	_ =	sdelay $0x1  }
0x1ad: {  	v5 =	vadd.f32 v6, v5;
	_ =	sdelay $0x1  }
0x1ae: {  	v5 =	vmax.f32 v5, $0.0e+00  }
0x1af: {  	[tilespmem:s8+$0xFFFFFFF0] =	vst v5  }
0x1b0: {  	v5 =	vld [tilespmem:s26+$0x0];
	_ =	sdelay $0x1  }
0x1b1: {  	v6 =	vld [tilespmem:s29+$0x60];
	_ =	sdelay $0x2  }
0x1b2: {  	v5 =	vmul.f32 v5, v4;
	_ =	sdelay $0x1  }
0x1b3: {  	v5 =	vadd.f32 v6, v5;
	_ =	sdelay $0x1  }
0x1b4: {  	v5 =	vmax.f32 v5, $0.0e+00  }
0x1b5: {  	[tilespmem:s8+$0x0] =	vst v5  }
0x1b6: {  	v5 =	vld [tilespmem:s26+$0x10]  }
0x1b7: {  	v6 =	vld [tilespmem:s29+$0x70];
	_ =	sdelay $0x3  }
0x1b8: {  	v4 =	vmul.f32 v5, v4;
	_ =	sdelay $0x1  }
.Ltmp6:
0x1b9: {  	s15 =	sshrl.u32 s28, $0x3;
	v4 =	vadd.f32 v6, v4;
	(pc) =	sbr.rel @p1 .LBB2_10-.Ltmp6, $4  }
0x1ba: {  	s15 =	smul.u32 $0x3000, s15  }
0x1bb: {  	s16 =	sadd.s32 $0x80, s16;
	v4 =	vmax.f32 v4, $0.0e+00  }
0x1bc: {  	s15 =	sshra.s32 s15, $0x2;
	s26 =	sadd.s32 $0x80, s26;
	s29 =	sand.u32 $0x380, s16;
	[tilespmem:s8+$0x10] =	vst v4  }
0x1bd: {  	s28 =	sadd.s32 $0x1, s28;
	s29 =	sor.u32 s29, s15;
	v4 =	vld [tilespmem:s26+$0x20]  }
0x1be: {  	_ =	sdelay $0x3  }
0x1bf: {  	v4 =	vmax.f32 v4, $1.000000000e+00  }
0x1c0: {  	v4 =	vbroadcast v4, $0x0;
	_ =	sdelay $0x1  }
0x1c1: {  	(erf) = vrcp.f32 v4;
	_ =	sdelay $0x4  }
0x1c2: {  	v4 =	vld [tilespmem:s26+$0xFFFFFFE0]  }
0x1c3: {  	s15 =	sadd.s32 $0x1A200, s29  }
0x1c4: {  	v5 =	vld [tilespmem:s15+$0x40];
	_ =	sdelay $0x1  }
0x1c5: {  	v6 =	vpop (erf)  }
0x1c6: {  	v4 =	vmul.f32 v6, v4;
	_ =	sdelay $0x1  }
0x1c7: {  	v4 =	vadd.f32 v4, v5;
	_ =	sdelay $0x1  }
0x1c8: {  	s8 =	sadd.s32 $0x80, s8;
	v4 =	vmax.f32 v4, $0.0e+00  }
0x1c9: {  	[tilespmem:s8+$0xFFFFFFE0] =	vst v4  }
0x1ca: {  	v4 =	vld [tilespmem:s26+$0xFFFFFFF0];
	_ =	sdelay $0x1  }
0x1cb: {  	v5 =	vld [tilespmem:s15+$0x50];
	_ =	sdelay $0x2  }
0x1cc: {  	v4 =	vmul.f32 v4, v6;
	_ =	sdelay $0x1  }
0x1cd: {  	v4 =	vadd.f32 v5, v4;
	_ =	sdelay $0x1  }
0x1ce: {  	v4 =	vmax.f32 v4, $0.0e+00  }
0x1cf: {  	[tilespmem:s8+$0xFFFFFFF0] =	vst v4  }
0x1d0: {  	v4 =	vld [tilespmem:s26+$0x0];
	_ =	sdelay $0x1  }
0x1d1: {  	v5 =	vld [tilespmem:s15+$0x60];
	_ =	sdelay $0x2  }
0x1d2: {  	v4 =	vmul.f32 v4, v6;
	_ =	sdelay $0x1  }
0x1d3: {  	v4 =	vadd.f32 v5, v4;
	_ =	sdelay $0x1  }
0x1d4: {  	v4 =	vmax.f32 v4, $0.0e+00  }
0x1d5: {  	[tilespmem:s8+$0x0] =	vst v4  }
0x1d6: {  	v4 =	vld [tilespmem:s26+$0x10];
	_ =	sdelay $0x1  }
0x1d7: {  	v5 =	vld [tilespmem:s15+$0x70];
	_ =	sdelay $0x2  }
0x1d8: {  	v4 =	vmul.f32 v4, v6;
	_ =	sdelay $0x1  }
0x1d9: {  	v4 =	vadd.f32 v5, v4;
	_ =	sdelay $0x1  }
0x1da: {  	s4 =	sshll.u32 s4, $0x4;
	s0 =	sadd.s32 $0x1, s0;
	v4 =	vmax.f32 v4, $0.0e+00  }
0x1db: {  	s4 =	sadd.s32 s10, s4;
	p1 =	sne.s32 s0, $0x14;
	[tilespmem:s8+$0x10] =	vst v4  }
0x1dc: {  	[hbm4b:s4+s30] =	stream.linear.scatter [tilespmem:s24], [sflag:$0x2], $0x1000, $0x38;
	[tilespmem:$0x1DA00] =	vst v63  }
.Ltmp7:
0x1dd: {  	_ = 	snop;
	(pc) =	sbr.rel @p1 .LBB2_9-.Ltmp7, $4  }
.Ltmp8:
0x1de: {  	_ = 	snop;
	(pc) =	sbr.rel @!p1 .LBB2_12-.Ltmp8, $4  }
0x1df: {  	_ =	swait.ge [sflag:s18], $0x1000  }
0x1e0: {  	[sflag:s18] =	ssyncset.done $0x0  }
0x1e1: {  	[sflag:s18] =	ssyncadd.s32 $0xFFFFF000  }
0x1e2: {  	_ = 	snop  }
.LBB2_13:
0x1e3: {  	_ =	sfence.sel $0x180000  }
0x1e4: {  	[bflag:$0x0] =	sbarrier.arrive $0xFFFF  }
0x1e5: {  	_ =	strace $0x90000047  }
0x1e6: {  	s0 =	stileid.u32;
	[bflag:$0x2] =	sbarrier.arrive $0xFFFF  }
0x1e7: {  	p0 =	sne.s32 s0, $0x0;
	s0 =	rddreg [dreg:$0x2]  }
0x1e8: {  	s0 =	sadd.s32 @!p0 $0x100000, s0  }
0x1e9: {  	[sflag:s0] =	ssyncadd.tile.s32 @!p0 $0x1;
	_ =	shalt  }
.Lfunc_end2:
_tile_overlayer_lowered:
.L_overlay_start_2:
0x1ea: {  	(tag) =	ssettag $0x2  }
0x1eb: {  	s0 =	rddreg [dreg:$0x0];
	s2 =	stileid.u32  }
0x1ec: {  	s1 =	rddreg [dreg:$0x1];
	p0 =	sne.s32 s2, $0x0  }
0x1ed: {  	s3 =	rddreg [dreg:$0x2];
	[bflag:$0x3] =	sbarrier.arrive $0xFFFF;
	s2 =	simm.s32 @!p0 $0x1C02  }
0x1ee: {  	[timem:s3], [sflag:s2] =	dma.local @!p0 [hbm:s0], s1  }
0x1ef: {  	s0 =	simm.s32 @!p0 $0x2  }
0x1f0: {  	_ =	swait.ge @!p0 [sflag:s0], s1  }
0x1f1: {  	s1 =	ssub.s32 @!p0 $0x0, s1;
	[sflag:s0] =	ssyncset.done @!p0 $0x0  }
0x1f2: {  	[sflag:s0] =	ssyncadd.s32 @!p0 s1  }
0x1f3: {  	[bflag:$0x3] =	sbarrier.arrive $0xFFFF  }
0x1f4: {  	_ =	shalt  }

// kernel: kernel.14.cloned.1.call-start
scs
__scs_entry_jumppad:
0x0: {  	(pc) =	sbr.rel $0x88, $3  }
0x1: {  	(tag) =	ssettag $0x0;
	lr =	simm.s32 $0x1  }
0x2: {  	[smem:$0x3F8A] =	sst lr;
	_ =	strace $0xD0000000  }
0x3: {  	_ = 	snop  }
0x4: {  	_ = 	snop  }
0x5: {  	_ = 	snop  }
0x6: {  	_ = 	snop  }
0x7: {  	_ = 	snop  }
__scs_overlays_trampoline_lowered:
0x8: {  	[smem:$0x3F99] =	sst s0  }
0x9: {  	[smem:$0x3F9A] =	sst s1  }
0xa: {  	[smem:$0x3F9B] =	sst s2  }
0xb: {  	[smem:$0x3F9C] =	sst s3  }
0xc: {  	[smem:$0x3F9D] =	sst s4  }
0xd: {  	[smem:$0x3F9E] =	sst s5  }
0xe: {  	[smem:$0x3F9F] =	sst s6  }
0xf: {  	[smem:$0x3FA0] =	sst s7  }
0x10: {  	[smem:$0x3FA1] =	sst s8  }
0x11: {  	[smem:$0x3FA2] =	sst s9;
	s0 =	simm.s32 @!p0 $0x0  }
0x12: {  	s1 =	sld [smem:$0x3F88];
	s0 =	simm.s32 @p0 $0x1  }
0x13: {  	[smem:$0x3FA3] =	sst s0;
	s0 =	simm.s32 @!p1 $0x0  }
0x14: {  	s2 =	sld [smem:$0x3F87];
	s0 =	simm.s32 @p1 $0x1  }
0x15: {  	[smem:$0x3FA4] =	sst s0;
	s0 =	simm.s32 @!p2 $0x0  }
0x16: {  	s3 =	sld [smem:$0x3FDB];
	s0 =	simm.s32 @p2 $0x1  }
0x17: {  	s4 =	simm.s32 $0x1BF5;
	[smem:$0x3FA6] =	sst s0  }
0x18: {  	s0 =	sld [smem:$0x3F89];
	_ =	swait.ge [sflag:s4], $0x0  }
0x19: {  	s7 =	sld [smem:$0x3F8A]  }
0x1a: {  	s8 =	sadd.s32 $0xFFFFE003, lr  }
0x1b: {  	s9 =	sadd.s32 $0xFFFFFEF7, lr;
	s5 =	simm.s32 $0xFFFFFFFF;
	p2 =	slt.u32 s8, $0xFFFFF086  }
0x1c: {  	p1 =	slt.u32 s9, $0xF7A;
	s5 =	simm.s32 @!p2 $0x0  }
0x1d: {  	s5 =	simm.s32 @p1 $0x1;
	p0 =	seq.s32 s7, s2  }
0x1e: {  	s7 =	smul.u32 @!p0 $0xF7A, s2;
	p2 =	seq.s32 @!p0 s5, $0x0  }
0x1f: {  	s9 =	smul.u32 $0xF7A, s1;
	s8 =	simm.s32 @!p0 $0x1BF5;
	p2 =	por !p2, p0  }
0x20: {  	[sflag:s8] =	ssyncset.s32 @!p0 $0xFFFFF086;
	s6 =	sadd.s32 @!p0 s3, s7;
	s7 =	simm.s32 @!p0 $0x108  }
0x21: {  	s3 =	sadd.s32 s3, s9;
	s6 =	sadd.s32 @!p0 $0x88, s6;
	s7 =	simm.s32 @p2 $0x1082  }
0x22: {  	[simem:s7], [sflag:s8] =	dma.local @!p0 [hbm:s6], $0xF7A  }
0x23: {  	s9 =	sor.u32 $0xD0000000, s2;
	s6 =	simm.s32 $0x108;
	_ =	swait.ge @!p0 [sflag:s8], $0x0  }
0x24: {  	s3 =	sadd.s32 $0x88, s3;
	s6 =	simm.s32 @!p1 $0x1082;
	[sflag:s4] =	ssyncset.s32 $0xFFFFF086  }
0x25: {  	[simem:s6], [sflag:s4] =	dma.local [hbm:s3], $0xF7A  }
0x26: {  	[smem:$0x3F8A] =	sst s1;
	(tag) =	ssettag s2;
	_ =	strace s9  }
0x27: {  	s1 =	sld [smem:$0x3F9A]  }
0x28: {  	s2 =	sld [smem:$0x3F9B]  }
0x29: {  	s4 =	sld [smem:$0x3F9D]  }
0x2a: {  	p0 =	seq.s32 s5, $0x0;
	s5 =	sld [smem:$0x3F9E]  }
0x2b: {  	s6 =	sld [smem:$0x3F9F]  }
0x2c: {  	s7 =	sld [smem:$0x3FA0]  }
0x2d: {  	s3 =	simm.s32 $0x108;
	s8 =	sld [smem:$0x3FA1]  }
0x2e: {  	s3 =	simm.s32 @!p0 $0x1082;
	s9 =	sld [smem:$0x3FA2]  }
0x2f: {  	lr =	sadd.s32 s0, s3;
	s0 =	sld [smem:$0x3F99]  }
0x30: {  	s3 =	sld [smem:$0x3F9C]  }
0x31: {  	[smem:$0x3FA5] =	sst s10  }
0x32: {  	s10 =	sld [smem:$0x3FA3];
	_ =	sdelay $0x3  }
0x33: {  	p0 =	seq.s32 s10, $0x1;
	s10 =	sld [smem:$0x3FA5];
	_ =	sdelay $0x3  }
0x34: {  	[smem:$0x3FA5] =	sst s10  }
0x35: {  	s10 =	sld [smem:$0x3FA4];
	_ =	sdelay $0x3  }
0x36: {  	p1 =	seq.s32 s10, $0x1;
	s10 =	sld [smem:$0x3FA5];
	_ =	sdelay $0x3  }
0x37: {  	[smem:$0x3FA5] =	sst s10  }
0x38: {  	s10 =	sld [smem:$0x3FA6]  }
0x39: {  	_ = 	snop;
	(pc) =	sbr.ind lr, $3  }
0x3a: {  	_ = 	snop  }
0x3b: {  	_ = 	snop  }
0x3c: {  	p2 =	seq.s32 s10, $0x1;
	s10 =	sld [smem:$0x3FA5]  }
0x3d: {  	_ =	shalt  }
0x3e: {  	_ =	shalt  }
0x3f: {  	_ =	shalt  }
0x40: {  	_ =	shalt  }
0x41: {  	_ =	shalt  }
0x42: {  	_ =	shalt  }
0x43: {  	_ =	shalt  }
0x44: {  	_ =	shalt  }
0x45: {  	_ =	shalt  }
0x46: {  	_ =	shalt  }
0x47: {  	_ =	shalt  }
0x48: {  	_ =	shalt  }
0x49: {  	_ =	shalt  }
0x4a: {  	_ =	shalt  }
0x4b: {  	_ =	shalt  }
0x4c: {  	_ =	shalt  }
0x4d: {  	_ =	shalt  }
0x4e: {  	_ =	shalt  }
0x4f: {  	_ =	shalt  }
0x50: {  	_ =	shalt  }
0x51: {  	_ =	shalt  }
0x52: {  	_ =	shalt  }
0x53: {  	_ =	shalt  }
0x54: {  	_ =	shalt  }
0x55: {  	_ =	shalt  }
0x56: {  	_ =	shalt  }
0x57: {  	_ =	shalt  }
0x58: {  	_ =	shalt  }
0x59: {  	_ =	shalt  }
0x5a: {  	_ =	shalt  }
0x5b: {  	_ =	shalt  }
0x5c: {  	_ =	shalt  }
0x5d: {  	_ =	shalt  }
0x5e: {  	_ =	shalt  }
0x5f: {  	_ =	shalt  }
0x60: {  	_ =	shalt  }
0x61: {  	_ =	shalt  }
0x62: {  	_ =	shalt  }
0x63: {  	_ =	shalt  }
0x64: {  	_ =	shalt  }
0x65: {  	_ =	shalt  }
0x66: {  	_ =	shalt  }
0x67: {  	_ =	shalt  }
0x68: {  	_ =	shalt  }
0x69: {  	_ =	shalt  }
0x6a: {  	_ =	shalt  }
0x6b: {  	_ =	shalt  }
0x6c: {  	_ =	shalt  }
0x6d: {  	_ =	shalt  }
0x6e: {  	_ =	shalt  }
0x6f: {  	_ =	shalt  }
0x70: {  	_ =	shalt  }
0x71: {  	_ =	shalt  }
0x72: {  	_ =	shalt  }
0x73: {  	_ =	shalt  }
0x74: {  	_ =	shalt  }
0x75: {  	_ =	shalt  }
0x76: {  	_ =	shalt  }
0x77: {  	_ =	shalt  }
0x78: {  	_ =	shalt  }
0x79: {  	_ =	shalt  }
0x7a: {  	_ =	shalt  }
0x7b: {  	_ =	shalt  }
0x7c: {  	_ =	shalt  }
0x7d: {  	_ =	shalt  }
0x7e: {  	_ =	shalt  }
0x7f: {  	_ =	shalt  }
0x80: {  	_ =	shalt  }
0x81: {  	_ =	shalt  }
0x82: {  	_ =	shalt  }
0x83: {  	_ =	shalt  }
0x84: {  	_ =	shalt  }
0x85: {  	_ =	shalt  }
0x86: {  	_ =	shalt  }
0x87: {  	_ =	shalt  }
.Lfunc_end0:
.L_simem_size_0:
called_computation.1_lowered:
.L_overlay_start_0:
0x88: {  	s2 =	sld [smem:$0x3FD9]  }
0x89: {  	s3 =	sld [smem:$0x3FFE];
	_ =	sdelay $0x1  }
0x8a: {  	s1 =	srdreg.scid  }
0x8b: {  	s0 =	sand.u32 $0x1, s1  }
0x8c: {  	s17 =	sshll.u32 s0, $0xA;
	s2 =	sadd.s32 s3, s2  }
0x8d: {  	s2 =	sadd.s32 s2, s17  }
0x8e: {  	[smem:$0x3FB1] =	sst s2  }
0x8f: {  	_ = 	snop  }
0x90: {  	s2 =	sld [smem:$0x3FD0];
	(tm) =	ssettm $0x1  }
0x91: {  	s18 =	sld [smem:$0x3FFB];
	_ =	sdelay $0x3  }
0x92: {  	_ =	strace s18  }
0x93: {  	s3 =	sld [smem:$0x3FFC];
	_ =	sdelay $0x3  }
0x94: {  	_ =	strace s3  }
0x95: {  	s3 =	sld [smem:$0x3FFD];
	_ =	sdelay $0x3  }
0x96: {  	_ =	strace s3  }
0x97: {  	_ =	strace $0x8FFFFFFF  }
0x98: {  	s19 =	sld [smem:$0x3FDB];
	_ =	sdelay $0x1  }
0x99: {  	s4 =	simm.s32 $_scs_section_size  }
0x9a: {  	s5 =	simm.s32 $_size__tile_overlayer_lowered;
	s6 =	simm.s32 $_tile_overlayer_lowered  }
0x9b: {  	s22 =	simm.s32 $0x1BFF;
	s21 =	sshll.u32 s6, $0x1;
	s3 =	sadd.s32 s4, s19  }
0x9c: {  	s7 =	simm.s32 $0x0;
	s20 =	sshll.u32 s5, $0x1;
	s5 =	sadd.s32 s21, s3  }
0x9d: {  	[timem:s7], [sflag:s22] =	dma.local [hbm:s5], s20  }
0x9e: {  	_ =	swait.ge [sflag:s22], s20  }
0x9f: {  	s4 =	ssub.s32 $0x0, s20;
	[sflag:s22] =	ssyncset.done $0x0  }
0xa0: {  	[sflag:s22] =	ssyncadd.s32 s4;
	_ =	sdelay $0x1  }
0xa1: {  	s23 =	simm.s32 $0x1B8B  }
0xa2: {  	_ =	swait.ge [sflag:s23], $0x1  }
0xa3: {  	[sflag:s23] =	ssyncset.done $0x0  }
0xa4: {  	s25 =	simm.s32 $0x1B8E;
	s24 =	sld [smem:$0x3FFE];
	[sflag:s23] =	ssyncadd.s32 $0xFFFFFFFF  }
0xa5: {  	s26 =	simm.s32 $execute0_lowered;
	[smem:$0x3FD2] =	sst s25  }
0xa6: {  	s5 =	sshll.u32 s26, $0x1;
	_ =	strace $0x80000049;
	[dreg:$0x1] =	wrdreg $0xFFFFFFFF  }
0xa7: {  	s28 =	simm.s32 $_size_execute0_lowered;
	s3 =	sadd.s32 s3, s5;
	[dreg:$0x0] =	wrdreg $0x0  }
0xa8: {  	s5 =	sshll.u32 s28, $0x1;
	[dreg:$0x2] =	wrdreg s3  }
0xa9: {  	[dreg:$0x3] =	wrdreg s5  }
0xaa: {  	[dreg:$0x4] =	wrdreg $0xC0  }
0xab: {  	_ =	task [dreg:s7], $0x5FFFF  }
0xac: {  	[dreg:$0x1] =	wrdreg $0xFFFFFFFF  }
0xad: {  	[dreg:$0x0] =	wrdreg $0x60  }
0xae: {  	[dreg:$0x2] =	wrdreg s24  }
0xaf: {  	[dreg:$0x3] =	wrdreg s2  }
0xb0: {  	[dreg:$0x4] =	wrdreg $0x0  }
0xb1: {  	[dreg:$0x5] =	wrdreg $0x9  }
0xb2: {  	_ =	task.clear_ibuf [dreg:s7], $0x6FFFF;
	_ =	strace $0x90000049  }
0xb3: {  	s29 =	simm.s32 $0x9;
	_ =	strace $0x8000004B  }
0xb4: {  	_ =	swait.ge [sflag:s29], $0x1  }
0xb5: {  	[sflag:s29] =	ssyncadd.s32 $0xFFFFFFFF  }
0xb6: {  	_ =	strace $0x9000004B  }
0xb7: {  	_ =	sfence  }
0xb8: {  	s30 =	sld [smem:$0x0];
	_ =	sdelay $0x2  }
0xb9: {  	s31 =	sshll.u32 s1, $0xD;
	s1 =	sshrl.u32 s1, $0x2  }
0xba: {  	s3 =	sand.u32 $0x4000, s31;
	s1 =	sadd.s32 s1, s30  }
0xbb: {  	s0 =	sor.u32 s3, s0;
	s1 =	sshll.u32 s1, $0x11  }
0xbc: {  	s0 =	sor.u32 s1, s0  }
0xbd: {  	s0 =	sadd.s32 $0x8F2B, s0  }
0xbe: {  	[sflag:s0] =	ssyncadd.remote.s32 $0x1  }
0xbf: {  	_ =	sfence.sel $0xFFFF  }
0xc0: {  	[dreg:$0x0] =	wrdreg $0xFFFFFFFF;
	(pc) =	sbr.abs _section_cstart, $3  }
0xc1: {  	[dreg:$0x1] =	wrdreg $0xFFFFFFFF  }
0xc2: {  	_ =	task.clear_ibuf [dreg:s7], $0x2FFFF;
	_ =	strace $0x9FFFFFFF  }
0xc3: {  	(tm) =	ssettm $0x7FFFFFFF  }
tec
execute0_lowered:
.L_overlay_start_1:
0x0: {  	(tag) =	ssettag $0x1  }
0x1: {  	s0 =	rddreg [dreg:$0x0];
	s12 =	stileid.u32  }
0x2: {  	s2 =	rddreg [dreg:$0x2];
	s1 =	simm.s32 $0x0;
	s4 =	smul.u32 $0x50000, s12  }
0x3: {  	s28 =	srdreg.scid;
	[smem:$0x7FF] =	sst s1  }
0x4: {  	s1 =	sand.u32 $0x1, s28;
	s14 =	smul.u32 $0x280, s12;
	s4 =	sshrl.u32 s4, $0x2  }
0x5: {  	_ =	strace $0x8000004A;
	s3 =	ssub.s32 $0x2, s1;
	s4 =	sadd.s32 s4, s2  }
0x6: {  	s11 =	sshrl.u32 s3, $0x1;
	s29 =	sadd.s32 $0x1000, s4;
	[dreg:$0x4] =	wrdreg s4  }
0x7: {  	s3 =	ssub.s32 s3, s11;
	s30 =	sadd.s32 $0x2000, s4;
	[dreg:$0x6] =	wrdreg s29  }
0x8: {  	s31 =	smax.u32 s3, $0x1;
	s3 =	sadd.s32 $0x3000, s4;
	[dreg:$0x7] =	wrdreg s30  }
0x9: {  	s11 =	smul.u32 $0x14, s12;
	s12 =	sadd.s32 $0x4000, s4;
	[dreg:$0x8] =	wrdreg s3  }
0xa: {  	s15 =	sadd.s32 $0x5000, s4;
	[dreg:$0x9] =	wrdreg s12  }
0xb: {  	s16 =	sadd.s32 $0x6000, s4;
	[dreg:$0xa] =	wrdreg s15  }
0xc: {  	s17 =	sadd.s32 $0x7000, s4;
	[dreg:$0xb] =	wrdreg s16  }
0xd: {  	s18 =	sadd.s32 $0x8000, s4;
	[dreg:$0xc] =	wrdreg s17  }
0xe: {  	s19 =	sadd.s32 $0x9000, s4;
	[dreg:$0xd] =	wrdreg s18  }
0xf: {  	s5 =	sadd.s32 $0x7A000, s0;
	s20 =	sadd.s32 $0xA000, s4;
	[dreg:$0xe] =	wrdreg s19  }
0x10: {  	s6 =	sadd.s32 $0x78200, s0;
	s21 =	sadd.s32 $0xB000, s4;
	[dreg:$0xf] =	wrdreg s20  }
0x11: {  	s7 =	sadd.s32 $0x78C00, s0;
	s22 =	sadd.s32 $0xC000, s4;
	[dreg:$0x10] =	wrdreg s21  }
0x12: {  	s8 =	sadd.s32 $0x79600, s0;
	s23 =	sadd.s32 $0xD000, s4;
	[dreg:$0x11] =	wrdreg s22  }
0x13: {  	s9 =	sadd.s32 $0x200, s0;
	s24 =	sadd.s32 $0xE000, s4;
	[dreg:$0x12] =	wrdreg s23  }
0x14: {  	s10 =	sadd.s32 $0x28200, s0;
	s25 =	sadd.s32 $0xF000, s4;
	[dreg:$0x13] =	wrdreg s24  }
0x15: {  	s13 =	sadd.s32 $0x7A100, s0;
	s26 =	sadd.s32 $0x10000, s4;
	[dreg:$0x14] =	wrdreg s25  }
0x16: {  	s0 =	simm.s32 $0x0;
	s28 =	sadd.s32 $0x11000, s4;
	[dreg:$0x15] =	wrdreg s26  }
0x17: {  	p0 =	seq.s32 s1, $0x0;
	[dreg:$0x16] =	wrdreg s28;
	s29 =	sadd.s32 $0x12000, s4  }
.Ltmp0:
0x18: {  	s30 =	sadd.s32 $0x13000, s4;
	s17 =	simm.s32 $0x18A00;
	(pc) =	sbr.rel .LBB2_1-.Ltmp0, $4  }
0x19: {  	s18 =	simm.s32 $0x2;
	s19 =	simm.s32 $0xC800;
	s20 =	simm.s32 $0xC880  }
0x1a: {  	v3 =	vlaneseq.u32;
	v0 =	vimm.f32 $0.0e+00;
	s12 =	simm.s32 $0x12580;
	s3 =	simm.s32 $0x40;
	[dreg:$0x5] =	wrdreg s31  }
0x1b: {  	vm0 =	vmmov $0xffff;
	vm1 =	vmmov $0xff;
	v2 =	vshrl.u32 v3, $0x3;
	s21 =	simm.s32 $0x1;
	s22 =	simm.s32 $0x12980;
	[dreg:$0x17] =	wrdreg s29  }
0x1c: {  	v1 =	vand.u32 $0x7, v3;
	v3 =	vor.u32 $0x8, v3;
	v2 =	vmul.u32 $0x8, v2;
	s23 =	simm.s32 $0x19A00;
	s24 =	simm.s32 $0x1CA00;
	[dreg:$0x18] =	wrdreg s30  }
.LBB2_14:
0x1d: {  	[bflag:$0x0] =	sbarrier.arrive $0xFFFF  }
0x1e: {  	[bflag:$0x0] =	sbarrier.arrive $0xFFFF  }
.LBB2_12:
0x1f: {  	s0 =	rddreg [dreg:$0x19]  }
0x20: {  	s0 =	sadd.s32 $0x1, s0  }
0x21: {  	p1 =	sne.s32 s0, s31  }
.Ltmp1:
0x22: {  	_ = 	snop;
	(pc) =	sbr.rel @!p1 .LBB2_13-.Ltmp1, $1  }
0x23: {  	_ =	sdelay $0x3  }
.LBB2_1:
.Ltmp2:
0x24: {  	(pc) =	sbr.rel @!p0 .LBB2_14-.Ltmp2, $2  }
0x25: {  	_ =	sdelay $0x2  }
0x26: {  	[dreg:$0x19] =	wrdreg s0  }
0x27: {  	s1 =	simm.s32 $0x200;
	s0 =	simm.s32 $0x0  }
.LBB2_3:
0x28: {  	p1 =	seq.s32 s1, $0x3E00;
	[tilespmem:s0+$0x18A40] =	vst v0;
	s4 =	smov.u32 s1;
	s1 =	sadd.s32 $0x200, s1  }
.Ltmp3:
0x29: {  	[tilespmem:s0+$0x18A30] =	vst v0;
	(pc) =	sbr.rel @!p1 .LBB2_3-.Ltmp3, $4  }
0x2a: {  	[tilespmem:s0+$0x18A20] =	vst v0  }
0x2b: {  	[tilespmem:s0+$0x18A00] =	vst v0  }
0x2c: {  	[tilespmem:s0+$0x18A10] =	vst v0  }
0x2d: {  	s0 =	sshra.s32 s4, $0x2  }
0x2e: {  	[tilespmem:s0+$0x18A40] =	vst v0  }
0x2f: {  	[tilespmem:s0+$0x18A30] =	vst v0  }
0x30: {  	[tilespmem:s0+$0x18A20] =	vst v0  }
0x31: {  	[tilespmem:s0+$0x18A00] =	vst v0  }
0x32: {  	[tilespmem:s0+$0x18A10] =	vst v0;
	s31 =	rddreg [dreg:$0x4]  }
0x33: {  	[spmem:s31] =	stream.linear.scatter [tilespmem:s17], [sflag:$0x2], $0x1000, $0x38;
	[tilespmem:$0x1DA00] =	vst v63  }
0x34: {  	_ =	swait.ge [sflag:s18], $0x1000  }
0x35: {  	[sflag:s18] =	ssyncset.done $0x0  }
0x36: {  	s1 =	rddreg [dreg:$0x6];
	[sflag:s18] =	ssyncadd.s32 $0xFFFFF000  }
0x37: {  	[spmem:s1] =	stream.linear.scatter [tilespmem:s17], [sflag:$0x2], $0x1000, $0x38;
	[tilespmem:$0x1DA00] =	vst v63  }
0x38: {  	_ =	swait.ge [sflag:s18], $0x1000  }
0x39: {  	[sflag:s18] =	ssyncset.done $0x0  }
0x3a: {  	s4 =	rddreg [dreg:$0x7];
	[sflag:s18] =	ssyncadd.s32 $0xFFFFF000  }
0x3b: {  	[spmem:s4] =	stream.linear.scatter [tilespmem:s17], [sflag:$0x2], $0x1000, $0x38;
	[tilespmem:$0x1DA00] =	vst v63  }
0x3c: {  	_ =	swait.ge [sflag:s18], $0x1000  }
0x3d: {  	[sflag:s18] =	ssyncset.done $0x0  }
0x3e: {  	s15 =	rddreg [dreg:$0x8];
	[sflag:s18] =	ssyncadd.s32 $0xFFFFF000  }
0x3f: {  	[spmem:s15] =	stream.linear.scatter [tilespmem:s17], [sflag:$0x2], $0x1000, $0x38;
	[tilespmem:$0x1DA00] =	vst v63  }
0x40: {  	_ =	swait.ge [sflag:s18], $0x1000  }
0x41: {  	[sflag:s18] =	ssyncset.done $0x0  }
0x42: {  	s16 =	rddreg [dreg:$0x9];
	[sflag:s18] =	ssyncadd.s32 $0xFFFFF000  }
0x43: {  	[spmem:s16] =	stream.linear.scatter [tilespmem:s17], [sflag:$0x2], $0x1000, $0x38;
	[tilespmem:$0x1DA00] =	vst v63  }
0x44: {  	_ =	swait.ge [sflag:s18], $0x1000  }
0x45: {  	[sflag:s18] =	ssyncset.done $0x0  }
0x46: {  	s25 =	rddreg [dreg:$0xa];
	[sflag:s18] =	ssyncadd.s32 $0xFFFFF000  }
0x47: {  	[spmem:s25] =	stream.linear.scatter [tilespmem:s17], [sflag:$0x2], $0x1000, $0x38;
	[tilespmem:$0x1DA00] =	vst v63  }
0x48: {  	_ =	swait.ge [sflag:s18], $0x1000  }
0x49: {  	[sflag:s18] =	ssyncset.done $0x0  }
0x4a: {  	s26 =	rddreg [dreg:$0xb];
	[sflag:s18] =	ssyncadd.s32 $0xFFFFF000  }
0x4b: {  	[spmem:s26] =	stream.linear.scatter [tilespmem:s17], [sflag:$0x2], $0x1000, $0x38;
	[tilespmem:$0x1DA00] =	vst v63  }
0x4c: {  	_ =	swait.ge [sflag:s18], $0x1000  }
0x4d: {  	[sflag:s18] =	ssyncset.done $0x0  }
0x4e: {  	s28 =	rddreg [dreg:$0xc];
	[sflag:s18] =	ssyncadd.s32 $0xFFFFF000  }
0x4f: {  	[spmem:s28] =	stream.linear.scatter [tilespmem:s17], [sflag:$0x2], $0x1000, $0x38;
	[tilespmem:$0x1DA00] =	vst v63  }
0x50: {  	_ =	swait.ge [sflag:s18], $0x1000  }
0x51: {  	[sflag:s18] =	ssyncset.done $0x0  }
0x52: {  	s29 =	rddreg [dreg:$0xd];
	[sflag:s18] =	ssyncadd.s32 $0xFFFFF000  }
0x53: {  	[spmem:s29] =	stream.linear.scatter [tilespmem:s17], [sflag:$0x2], $0x1000, $0x38;
	[tilespmem:$0x1DA00] =	vst v63  }
0x54: {  	_ =	swait.ge [sflag:s18], $0x1000  }
0x55: {  	[sflag:s18] =	ssyncset.done $0x0  }
0x56: {  	s30 =	rddreg [dreg:$0xe];
	[sflag:s18] =	ssyncadd.s32 $0xFFFFF000  }
0x57: {  	[spmem:s30] =	stream.linear.scatter [tilespmem:s17], [sflag:$0x2], $0x1000, $0x38;
	[tilespmem:$0x1DA00] =	vst v63  }
0x58: {  	_ =	swait.ge [sflag:s18], $0x1000  }
0x59: {  	[sflag:s18] =	ssyncset.done $0x0  }
0x5a: {  	s31 =	rddreg [dreg:$0xf];
	[sflag:s18] =	ssyncadd.s32 $0xFFFFF000  }
0x5b: {  	[spmem:s31] =	stream.linear.scatter [tilespmem:s17], [sflag:$0x2], $0x1000, $0x38;
	[tilespmem:$0x1DA00] =	vst v63  }
0x5c: {  	_ =	swait.ge [sflag:s18], $0x1000  }
0x5d: {  	[sflag:s18] =	ssyncset.done $0x0  }
0x5e: {  	s1 =	rddreg [dreg:$0x10];
	[sflag:s18] =	ssyncadd.s32 $0xFFFFF000  }
0x5f: {  	[spmem:s1] =	stream.linear.scatter [tilespmem:s17], [sflag:$0x2], $0x1000, $0x38;
	[tilespmem:$0x1DA00] =	vst v63  }
0x60: {  	_ =	swait.ge [sflag:s18], $0x1000  }
0x61: {  	[sflag:s18] =	ssyncset.done $0x0  }
0x62: {  	s4 =	rddreg [dreg:$0x11];
	[sflag:s18] =	ssyncadd.s32 $0xFFFFF000  }
0x63: {  	[spmem:s4] =	stream.linear.scatter [tilespmem:s17], [sflag:$0x2], $0x1000, $0x38;
	[tilespmem:$0x1DA00] =	vst v63  }
0x64: {  	_ =	swait.ge [sflag:s18], $0x1000  }
0x65: {  	[sflag:s18] =	ssyncset.done $0x0  }
0x66: {  	s15 =	rddreg [dreg:$0x12];
	[sflag:s18] =	ssyncadd.s32 $0xFFFFF000  }
0x67: {  	[spmem:s15] =	stream.linear.scatter [tilespmem:s17], [sflag:$0x2], $0x1000, $0x38;
	[tilespmem:$0x1DA00] =	vst v63  }
0x68: {  	_ =	swait.ge [sflag:s18], $0x1000  }
0x69: {  	[sflag:s18] =	ssyncset.done $0x0  }
0x6a: {  	s16 =	rddreg [dreg:$0x13];
	[sflag:s18] =	ssyncadd.s32 $0xFFFFF000  }
0x6b: {  	[spmem:s16] =	stream.linear.scatter [tilespmem:s17], [sflag:$0x2], $0x1000, $0x38;
	[tilespmem:$0x1DA00] =	vst v63  }
0x6c: {  	_ =	swait.ge [sflag:s18], $0x1000  }
0x6d: {  	[sflag:s18] =	ssyncset.done $0x0  }
0x6e: {  	s25 =	rddreg [dreg:$0x14];
	[sflag:s18] =	ssyncadd.s32 $0xFFFFF000  }
0x6f: {  	[spmem:s25] =	stream.linear.scatter [tilespmem:s17], [sflag:$0x2], $0x1000, $0x38;
	[tilespmem:$0x1DA00] =	vst v63  }
0x70: {  	_ =	swait.ge [sflag:s18], $0x1000  }
0x71: {  	[sflag:s18] =	ssyncset.done $0x0  }
0x72: {  	s26 =	rddreg [dreg:$0x15];
	[sflag:s18] =	ssyncadd.s32 $0xFFFFF000  }
0x73: {  	[spmem:s26] =	stream.linear.scatter [tilespmem:s17], [sflag:$0x2], $0x1000, $0x38;
	[tilespmem:$0x1DA00] =	vst v63  }
0x74: {  	_ =	swait.ge [sflag:s18], $0x1000  }
0x75: {  	[sflag:s18] =	ssyncset.done $0x0  }
0x76: {  	s28 =	rddreg [dreg:$0x16];
	[sflag:s18] =	ssyncadd.s32 $0xFFFFF000  }
0x77: {  	[spmem:s28] =	stream.linear.scatter [tilespmem:s17], [sflag:$0x2], $0x1000, $0x38;
	[tilespmem:$0x1DA00] =	vst v63  }
0x78: {  	_ =	swait.ge [sflag:s18], $0x1000  }
0x79: {  	[sflag:s18] =	ssyncset.done $0x0  }
0x7a: {  	s29 =	rddreg [dreg:$0x17];
	[sflag:s18] =	ssyncadd.s32 $0xFFFFF000  }
0x7b: {  	[spmem:s29] =	stream.linear.scatter [tilespmem:s17], [sflag:$0x2], $0x1000, $0x38;
	[tilespmem:$0x1DA00] =	vst v63  }
0x7c: {  	_ =	swait.ge [sflag:s18], $0x1000  }
0x7d: {  	[sflag:s18] =	ssyncset.done $0x0  }
0x7e: {  	s30 =	rddreg [dreg:$0x18];
	[sflag:s18] =	ssyncadd.s32 $0xFFFFF000  }
0x7f: {  	[spmem:s30] =	stream.linear.scatter [tilespmem:s17], [sflag:$0x2], $0x1000, $0x38;
	[tilespmem:$0x1DA00] =	vst v63  }
0x80: {  	_ =	swait.ge [sflag:s18], $0x1000  }
0x81: {  	[sflag:s18] =	ssyncset.done $0x0  }
0x82: {  	[sflag:s18] =	ssyncadd.s32 $0xFFFFF000  }
0x83: {  	[bflag:$0x0] =	sbarrier.arrive $0xFFFF  }
0x84: {  	s1 =	simm.s32 $0x18980;
	s25 =	simm.s32 $0x0;
	s31 =	rddreg [dreg:$0x1]  }
0x85: {  	[tilespmem:s1], [sflag:$0x2] =	stream.linear.gather [hbm4b:s31+s25], $0x80, $0x38;
	[tilespmem:$0x1DA00] =	vst v63  }
0x86: {  	_ =	swait.ge [sflag:s18], $0x80  }
0x87: {  	[sflag:s18] =	ssyncset.done $0x0  }
0x88: {  	s26 =	simm.s32 $0x0;
	[sflag:s18] =	ssyncadd.s32 $0xFFFFFF80  }
.LBB2_5:
0x89: {  	s0 =	sadd.s32 s11, s26  }
0x8a: {  	s0 =	sshll.u32 s0, $0x3  }
0x8b: {  	s1 =	sadd.s32 s6, s0  }
0x8c: {  	[tilespmem:s19], [sflag:$0x2] =	stream.linear.gather [hbm4b:s1+s25], $0x40, $0x38;
	[tilespmem:$0x1DA00] =	vst v63  }
0x8d: {  	_ =	swait.ge [sflag:s18], $0x40  }
0x8e: {  	[sflag:s18] =	ssyncset.done $0x0  }
0x8f: {  	s16 =	sadd.s32 s7, s0;
	[sflag:s18] =	ssyncadd.s32 $0xFFFFFFC0  }
0x90: {  	[tilespmem:s20], [sflag:$0x2] =	stream.linear.gather [hbm4b:s16+s25], $0x40, $0x38;
	[tilespmem:$0x1DA00] =	vst v63  }
0x91: {  	_ =	swait.ge [sflag:s18], $0x40  }
0x92: {  	[sflag:s18] =	ssyncset.done $0x0  }
0x93: {  	s4 =	sadd.s32 s8, s0;
	s0 =	simm.s32 $0xC900;
	[sflag:s18] =	ssyncadd.s32 $0xFFFFFFC0  }
0x94: {  	[tilespmem:s0], [sflag:$0x2] =	stream.linear.gather [hbm4b:s4+s25], $0x40, $0x38;
	[tilespmem:$0x1DA00] =	vst v63  }
0x95: {  	_ =	swait.ge [sflag:s18], $0x40  }
0x96: {  	[sflag:s18] =	ssyncset.done $0x0  }
0x97: {  	[sflag:s18] =	ssyncadd.s32 $0xFFFFFFC0  }
0x98: {  	v4 =	vld [tilespmem:$0xC800];
	_ =	sdelay $0x4  }
0x99: {  	v5 =	vshrl.u32 v4, $0x3  }
0x9a: {  	v5 =	vmul.u32 $0x18, v5  }
0x9b: {  	v4 =	vand.u32 $0x7, v4  }
0x9c: {  	v4 =	vor.u32 v4, v5  }
0x9d: {  	v5 =	vperm.xlane v4, v1;
	_ =	sdelay $0x1  }
0x9e: {  	v5 =	vadd.s32 v2, v5;
	_ =	sdelay $0x1  }
0x9f: {  	v4 =	vperm.xlane v4, v3;
	_ =	sdelay $0x1  }
0xa0: {  	s15 =	simm.s32 $0xC980;
	v4 =	vadd.s32 v2, v4  }
0xa1: {  	[tilespmem:s15], [sflag:$0x1] =	stream.indirect_vreg.gather [hbm4b:s5+s25], $0x80, v5, vm0, $0xb8;
	[tilespmem:$0x1DA00] =	vst v63  }
0xa2: {  	s16 =	simm.s32 $0xD180  }
0xa3: {  	[tilespmem:s16], [sflag:$0x1] =	stream.indirect_vreg.gather [hbm4b:s13+s25], $0x80, v5, vm1, $0xb8;
	[tilespmem:$0x1DA00] =	vst v63  }
0xa4: {  	s4 =	simm.s32 $0xD580  }
0xa5: {  	[tilespmem:s4], [sflag:$0x1] =	stream.indirect_vreg.gather [hbm4b:s5+s25], $0x80, v4, vm0, $0xb8;
	[tilespmem:$0x1DA00] =	vst v63  }
0xa6: {  	s15 =	simm.s32 $0xDD80  }
0xa7: {  	[tilespmem:s15], [sflag:$0x1] =	stream.indirect_vreg.gather [hbm4b:s13+s25], $0x80, v4, vm1, $0xb8;
	[tilespmem:$0x1DA00] =	vst v63  }
0xa8: {  	v4 =	vld [tilespmem:$0xC810];
	_ =	sdelay $0x4  }
0xa9: {  	v5 =	vshrl.u32 v4, $0x3  }
0xaa: {  	v5 =	vmul.u32 $0x18, v5  }
0xab: {  	v4 =	vand.u32 $0x7, v4  }
0xac: {  	v4 =	vor.u32 v4, v5  }
0xad: {  	v5 =	vperm.xlane v4, v1;
	_ =	sdelay $0x1  }
0xae: {  	v5 =	vadd.s32 v2, v5;
	_ =	sdelay $0x1  }
0xaf: {  	v4 =	vperm.xlane v4, v3;
	_ =	sdelay $0x1  }
0xb0: {  	s16 =	simm.s32 $0xE180;
	v4 =	vadd.s32 v2, v4  }
0xb1: {  	[tilespmem:s16], [sflag:$0x1] =	stream.indirect_vreg.gather [hbm4b:s5+s25], $0x80, v5, vm0, $0xb8;
	[tilespmem:$0x1DA00] =	vst v63  }
0xb2: {  	s4 =	simm.s32 $0xE980  }
0xb3: {  	[tilespmem:s4], [sflag:$0x1] =	stream.indirect_vreg.gather [hbm4b:s13+s25], $0x80, v5, vm1, $0xb8;
	[tilespmem:$0x1DA00] =	vst v63  }
0xb4: {  	s15 =	simm.s32 $0xED80  }
0xb5: {  	[tilespmem:s15], [sflag:$0x1] =	stream.indirect_vreg.gather [hbm4b:s5+s25], $0x80, v4, vm0, $0xb8;
	[tilespmem:$0x1DA00] =	vst v63  }
0xb6: {  	s16 =	simm.s32 $0xF580  }
0xb7: {  	[tilespmem:s16], [sflag:$0x1] =	stream.indirect_vreg.gather [hbm4b:s13+s25], $0x80, v4, vm1, $0xb8;
	[tilespmem:$0x1DA00] =	vst v63  }
0xb8: {  	v4 =	vld [tilespmem:$0xC820];
	_ =	sdelay $0x4  }
0xb9: {  	v5 =	vshrl.u32 v4, $0x3  }
0xba: {  	v5 =	vmul.u32 $0x18, v5  }
0xbb: {  	v4 =	vand.u32 $0x7, v4  }
0xbc: {  	v4 =	vor.u32 v4, v5  }
0xbd: {  	v5 =	vperm.xlane v4, v1;
	_ =	sdelay $0x1  }
0xbe: {  	v5 =	vadd.s32 v2, v5;
	_ =	sdelay $0x1  }
0xbf: {  	v4 =	vperm.xlane v4, v3;
	_ =	sdelay $0x1  }
0xc0: {  	s4 =	simm.s32 $0xF980;
	v4 =	vadd.s32 v2, v4  }
0xc1: {  	[tilespmem:s4], [sflag:$0x1] =	stream.indirect_vreg.gather [hbm4b:s5+s25], $0x80, v5, vm0, $0xb8;
	[tilespmem:$0x1DA00] =	vst v63  }
0xc2: {  	s15 =	simm.s32 $0x10180  }
0xc3: {  	[tilespmem:s15], [sflag:$0x1] =	stream.indirect_vreg.gather [hbm4b:s13+s25], $0x80, v5, vm1, $0xb8;
	[tilespmem:$0x1DA00] =	vst v63  }
0xc4: {  	s16 =	simm.s32 $0x10580  }
0xc5: {  	[tilespmem:s16], [sflag:$0x1] =	stream.indirect_vreg.gather [hbm4b:s5+s25], $0x80, v4, vm0, $0xb8;
	[tilespmem:$0x1DA00] =	vst v63  }
0xc6: {  	s4 =	simm.s32 $0x10D80  }
0xc7: {  	[tilespmem:s4], [sflag:$0x1] =	stream.indirect_vreg.gather [hbm4b:s13+s25], $0x80, v4, vm1, $0xb8;
	[tilespmem:$0x1DA00] =	vst v63  }
0xc8: {  	v4 =	vld [tilespmem:$0xC830];
	_ =	sdelay $0x4  }
0xc9: {  	v5 =	vshrl.u32 v4, $0x3  }
0xca: {  	v5 =	vmul.u32 $0x18, v5  }
0xcb: {  	v4 =	vand.u32 $0x7, v4  }
0xcc: {  	v4 =	vor.u32 v4, v5  }
0xcd: {  	v5 =	vperm.xlane v4, v1;
	_ =	sdelay $0x1  }
0xce: {  	v5 =	vadd.s32 v2, v5;
	_ =	sdelay $0x1  }
0xcf: {  	v4 =	vperm.xlane v4, v3;
	_ =	sdelay $0x1  }
0xd0: {  	s15 =	simm.s32 $0x11180;
	v4 =	vadd.s32 v2, v4  }
0xd1: {  	[tilespmem:s15], [sflag:$0x1] =	stream.indirect_vreg.gather [hbm4b:s5+s25], $0x80, v5, vm0, $0xb8;
	[tilespmem:$0x1DA00] =	vst v63  }
0xd2: {  	s16 =	simm.s32 $0x11980  }
0xd3: {  	[tilespmem:s16], [sflag:$0x1] =	stream.indirect_vreg.gather [hbm4b:s13+s25], $0x80, v5, vm1, $0xb8;
	[tilespmem:$0x1DA00] =	vst v63  }
0xd4: {  	s4 =	simm.s32 $0x11D80  }
0xd5: {  	[tilespmem:s4], [sflag:$0x1] =	stream.indirect_vreg.gather [hbm4b:s5+s25], $0x80, v4, vm0, $0xb8;
	[tilespmem:$0x1DA00] =	vst v63  }
0xd6: {  	_ = 	snop  }
0xd7: {  	[tilespmem:s12], [sflag:$0x1] =	stream.indirect_vreg.gather [hbm4b:s13+s25], $0x80, v4, vm1, $0xb8;
	[tilespmem:$0x1DA00] =	vst v63  }
0xd8: {  	s28 =	simm.s32 $0x14980  }
0xd9: {  	[tilespmem:s28], [sflag:$0x1] =	stream.indirect.gather [hbm4b:s9+s3], $0x80, s19, s3, $0xb8;
	[tilespmem:$0x1DA00] =	vst v63  }
0xda: {  	s29 =	simm.s32 $0x16980  }
0xdb: {  	[tilespmem:s29], [sflag:$0x1] =	stream.indirect.gather [hbm4b:s9+s3], $0x80, s20, s3, $0xb8;
	[tilespmem:$0x1DA00] =	vst v63  }
0xdc: {  	_ =	swait.ge [sflag:s21], $0x6000  }
0xdd: {  	[sflag:s21] =	ssyncset.done $0x0  }
0xde: {  	[sflag:s21] =	ssyncadd.s32 $0xFFFFA000  }
0xdf: {  	_ =	swait.ge [sflag:s21], $0x2000  }
0xe0: {  	[sflag:s21] =	ssyncset.done $0x0  }
0xe1: {  	[sflag:s21] =	ssyncadd.s32 $0xFFFFE000  }
0xe2: {  	_ =	swait.ge [sflag:s21], $0x2000  }
0xe3: {  	[sflag:s21] =	ssyncset.done $0x0  }
0xe4: {  	[sflag:s21] =	ssyncadd.s32 $0xFFFFE000  }
0xe5: {  	v4 =	vld [tilespmem:s0+$0x0]  }
0xe6: {  	v5 =	vld [tilespmem:s29+$0x0]  }
0xe7: {  	v6 =	vld [tilespmem:$0x18980]  }
0xe8: {  	v7 =	vld [tilespmem:$0x18984]  }
0xe9: {  	v8 =	vld [tilespmem:s28+$0x0]  }
0xea: {  	v9 =	vld [tilespmem:$0x18981]  }
0xeb: {  	v10 =	vld [tilespmem:$0x18982]  }
0xec: {  	s15 =	simm.s32 $0x0;
	v11 =	vld [tilespmem:$0x18985]  }
0xed: {  	s0 =	smul.u32 $0x3000, s15;
	v13 =	vld [tilespmem:$0x18983]  }
0xee: {  	v12 =	vld [tilespmem:$0x18986];
	v6 =	vmul.f32 v6, v4  }
0xef: {  	s16 =	sand.u32 $0x380, s25;
	v40 =	vld [tilespmem:$0x18987];
	s0 =	sshra.s32 s0, $0x2  }
0xf0: {  	s0 =	sor.u32 s16, s0;
	v9 =	vmul.f32 v9, v4;
	v6 =	vadd.f32 v7, v6  }
0xf1: {  	v41 =	vld [tilespmem:s0+$0xD180];
	v5 =	vmul.f32 v5, v8;
	v39 =	vmul.f32 v10, v4  }
0xf2: {  	v42 =	vmul.f32 v13, v4;
	v7 =	vld [tilespmem:s0+$0xC980];
	v9 =	vadd.f32 v11, v9;
	v6 =	vmax.f32 v6, $0.0e+00  }
0xf3: {  	v8 =	vadd.f32 v12, v39;
	v6 =	vmul.f32 v6, v5  }
0xf4: {  	v43 =	vld [tilespmem:s0+$0xC9C0];
	v4 =	vbroadcast v5, $0x0;
	v10 =	vadd.f32 v40, v42;
	v9 =	vmax.f32 v9, $0.0e+00  }
0xf5: {  	v8 =	vmax.f32 v8, $0.0e+00;
	v9 =	vmul.f32 v9, v5;
	v6 =	vbroadcast v6, $0x0  }
0xf6: {  	v44 =	vld [tilespmem:s0+$0xCD80];
	v11 =	vmul.f32 v41, v4;
	v8 =	vmul.f32 v8, v5  }
0xf7: {  	v10 =	vmax.f32 v10, $0.0e+00;
	v9 =	vbroadcast v9, $0x0;
	v7 =	vmul.f32 v7, v6  }
0xf8: {  	v14 =	vld [tilespmem:s0+$0xCDC0];
	v5 =	vmul.f32 v10, v5  }
0xf9: {  	v8 =	vbroadcast v8, $0x0;
	v45 =	vmul.f32 v43, v9;
	v7 =	vadd.f32 v7, v11;
	_ =	sdelay $0x1  }
0xfa: {  	v5 =	vbroadcast v5, $0x0;
	v46 =	vmul.f32 v44, v8;
	v7 =	vadd.f32 v45, v7;
	_ =	sdelay $0x1  }
0xfb: {  	v47 =	vmul.f32 v14, v5;
	v7 =	vadd.f32 v46, v7;
	_ =	sdelay $0x1  }
0xfc: {  	v7 =	vadd.f32 v47, v7  }
0xfd: {  	s30 =	simm.s32 $0x129A0  }
0xfe: {  	[tilespmem:s30+$0xFFFFFFE0] =	vst v7  }
0xff: {  	v7 =	vld [tilespmem:s0+$0xD190]  }
0x100: {  	v48 =	vld [tilespmem:s0+$0xC990];
	_ =	sdelay $0x1  }
0x101: {  	v49 =	vld [tilespmem:s0+$0xC9D0];
	_ =	sdelay $0x1  }
0x102: {  	v50 =	vld [tilespmem:s0+$0xCD90]  }
0x103: {  	v7 =	vmul.f32 v7, v4;
	v10 =	vmul.f32 v48, v6  }
0x104: {  	v51 =	vld [tilespmem:s0+$0xCDD0]  }
0x105: {  	v11 =	vmul.f32 v49, v9;
	v7 =	vadd.f32 v10, v7;
	_ =	sdelay $0x1  }
0x106: {  	v52 =	vmul.f32 v50, v8;
	v7 =	vadd.f32 v11, v7;
	_ =	sdelay $0x1  }
0x107: {  	v53 =	vmul.f32 v51, v5;
	v7 =	vadd.f32 v52, v7;
	_ =	sdelay $0x1  }
0x108: {  	v7 =	vadd.f32 v53, v7;
	_ =	sdelay $0x1  }
0x109: {  	[tilespmem:s30+$0xFFFFFFF0] =	vst v7  }
0x10a: {  	v7 =	vld [tilespmem:s0+$0xD1A0]  }
0x10b: {  	v54 =	vld [tilespmem:s0+$0xC9A0];
	_ =	sdelay $0x1  }
0x10c: {  	v55 =	vld [tilespmem:s0+$0xC9E0];
	_ =	sdelay $0x1  }
0x10d: {  	v56 =	vld [tilespmem:s0+$0xCDA0]  }
0x10e: {  	v7 =	vmul.f32 v7, v4;
	v10 =	vmul.f32 v54, v6  }
0x10f: {  	v57 =	vld [tilespmem:s0+$0xCDE0]  }
0x110: {  	v11 =	vmul.f32 v55, v9;
	v7 =	vadd.f32 v10, v7;
	_ =	sdelay $0x1  }
0x111: {  	v58 =	vmul.f32 v56, v8;
	v7 =	vadd.f32 v11, v7;
	_ =	sdelay $0x1  }
0x112: {  	v59 =	vmul.f32 v57, v5;
	v7 =	vadd.f32 v58, v7;
	_ =	sdelay $0x1  }
0x113: {  	v7 =	vadd.f32 v59, v7;
	_ =	sdelay $0x1  }
0x114: {  	[tilespmem:s30+$0x0] =	vst v7  }
0x115: {  	v7 =	vld [tilespmem:s0+$0xD1B0]  }
0x116: {  	v60 =	vld [tilespmem:s0+$0xC9B0];
	_ =	sdelay $0x1  }
0x117: {  	v61 =	vld [tilespmem:s0+$0xC9F0];
	_ =	sdelay $0x1  }
0x118: {  	v62 =	vld [tilespmem:s0+$0xCDB0]  }
0x119: {  	v7 =	vmul.f32 v7, v4;
	v6 =	vmul.f32 v60, v6  }
0x11a: {  	v63 =	vld [tilespmem:s0+$0xCDF0]  }
0x11b: {  	v9 =	vmul.f32 v61, v9;
	v6 =	vadd.f32 v6, v7;
	_ =	sdelay $0x1  }
0x11c: {  	v7 =	vmul.f32 v62, v8;
	v6 =	vadd.f32 v9, v6;
	_ =	sdelay $0x1  }
0x11d: {  	v5 =	vmul.f32 v63, v5;
	v6 =	vadd.f32 v7, v6;
	_ =	sdelay $0x1  }
0x11e: {  	v5 =	vadd.f32 v5, v6;
	_ =	sdelay $0x1  }
0x11f: {  	s31 =	simm.s32 $0x1;
	[tilespmem:s30+$0x10] =	vst v5  }
0x120: {  	s1 =	simm.s32 $0x0;
	s4 =	simm.s32 $0x12A20;
	s0 =	simm.s32 $0xC901;
	v5 =	vld [tilespmem:$0x18990]  }
.LBB2_6:
0x121: {  	s1 =	sadd.s32 $0x80, s1;
	s28 =	sadd.s32 $0x80, s28;
	s29 =	sadd.s32 $0x80, s29  }
0x122: {  	p1 =	sne.s32 s31, $0x3F;
	s16 =	smov.u32 s31;
	s31 =	sadd.s32 $0x1, s31  }
0x123: {  	_ =	sdelay $0x1  }
0x124: {  	v4 =	vmul.f32 v5, v4;
	_ =	sdelay $0x1  }
0x125: {  	[tilespmem:s30+$0x20] =	vst v4;
	s30 =	smov.u32 s4  }
0x126: {  	v5 =	vld [tilespmem:s0+$0x0]  }
0x127: {  	v4 =	vld [tilespmem:s29+$0x0]  }
0x128: {  	v6 =	vld [tilespmem:$0x18980]  }
0x129: {  	v7 =	vld [tilespmem:$0x18984]  }
0x12a: {  	v8 =	vld [tilespmem:s28+$0x0]  }
0x12b: {  	v9 =	vld [tilespmem:$0x18982]  }
0x12c: {  	v10 =	vld [tilespmem:$0x18981]  }
0x12d: {  	s16 =	sshrl.u32 s16, $0x3;
	v11 =	vld [tilespmem:$0x18986]  }
0x12e: {  	s16 =	smul.u32 $0x3000, s16;
	v12 =	vld [tilespmem:$0x18985]  }
0x12f: {  	v8 =	vmul.f32 v4, v8  }
0x130: {  	s15 =	sand.u32 $0x380, s1;
	s16 =	sshra.s32 s16, $0x2;
	v4 =	vmul.f32 v6, v5;
	v6 =	vmul.f32 v9, v5  }
0x131: {  	s16 =	sor.u32 s15, s16;
	v9 =	vmul.f32 v10, v5;
	v10 =	vld [tilespmem:$0x18983]  }
0x132: {  	v7 =	vadd.f32 v7, v4;
	v6 =	vadd.f32 v11, v6;
	v11 =	vld [tilespmem:s16+$0xC980]  }
0x133: {  	v4 =	vbroadcast v8, $0x0;
	v9 =	vadd.f32 v12, v9;
	v12 =	vld [tilespmem:$0x18987]  }
0x134: {  	v7 =	vmax.f32 v7, $0.0e+00;
	v6 =	vmax.f32 v6, $0.0e+00;
	v13 =	vld [tilespmem:s16+$0xD180]  }
0x135: {  	v7 =	vmul.f32 v7, v8;
	v9 =	vmax.f32 v9, $0.0e+00;
	v6 =	vmul.f32 v6, v8  }
0x136: {  	v9 =	vmul.f32 v9, v8;
	v5 =	vmul.f32 v10, v5;
	v10 =	vld [tilespmem:s16+$0xC9C0]  }
0x137: {  	v7 =	vbroadcast v7, $0x0;
	v6 =	vbroadcast v6, $0x0  }
0x138: {  	v9 =	vbroadcast v9, $0x0;
	v5 =	vadd.f32 v12, v5;
	v12 =	vld [tilespmem:s16+$0xCD80]  }
0x139: {  	v11 =	vmul.f32 v11, v7;
	v13 =	vmul.f32 v13, v4  }
0x13a: {  	v5 =	vmax.f32 v5, $0.0e+00;
	v14 =	vld [tilespmem:s16+$0xCDC0]  }
0x13b: {  	v5 =	vmul.f32 v5, v8;
	v8 =	vadd.f32 v11, v13;
	v10 =	vmul.f32 v10, v9;
	_ =	sdelay $0x1  }
0x13c: {  	v5 =	vbroadcast v5, $0x0;
	v8 =	vadd.f32 v10, v8;
	v10 =	vmul.f32 v12, v6;
	_ =	sdelay $0x1  }
0x13d: {  	v8 =	vadd.f32 v10, v8;
	v10 =	vmul.f32 v14, v5;
	_ =	sdelay $0x1  }
0x13e: {  	v8 =	vadd.f32 v10, v8;
	_ =	sdelay $0x1  }
0x13f: {  	[tilespmem:s4+$0xFFFFFFE0] =	vst v8  }
0x140: {  	v8 =	vld [tilespmem:s16+$0xD190]  }
0x141: {  	v10 =	vld [tilespmem:s16+$0xC990]  }
0x142: {  	v11 =	vld [tilespmem:s16+$0xC9D0];
	_ =	sdelay $0x2  }
0x143: {  	v8 =	vmul.f32 v8, v4;
	v12 =	vld [tilespmem:s16+$0xCD90]  }
0x144: {  	v10 =	vmul.f32 v10, v7  }
0x145: {  	v11 =	vmul.f32 v11, v9;
	v13 =	vld [tilespmem:s16+$0xCDD0]  }
0x146: {  	v8 =	vadd.f32 v10, v8;
	_ =	sdelay $0x1  }
0x147: {  	v8 =	vadd.f32 v11, v8;
	v10 =	vmul.f32 v12, v6;
	_ =	sdelay $0x1  }
0x148: {  	v8 =	vadd.f32 v10, v8;
	v10 =	vmul.f32 v13, v5;
	_ =	sdelay $0x1  }
0x149: {  	v8 =	vadd.f32 v10, v8;
	_ =	sdelay $0x1  }
0x14a: {  	[tilespmem:s4+$0xFFFFFFF0] =	vst v8  }
0x14b: {  	v8 =	vld [tilespmem:s16+$0xD1A0]  }
0x14c: {  	v10 =	vld [tilespmem:s16+$0xC9A0]  }
0x14d: {  	v11 =	vld [tilespmem:s16+$0xC9E0];
	_ =	sdelay $0x2  }
0x14e: {  	v8 =	vmul.f32 v8, v4;
	v12 =	vld [tilespmem:s16+$0xCDA0]  }
0x14f: {  	v10 =	vmul.f32 v10, v7  }
0x150: {  	v11 =	vmul.f32 v11, v9;
	v13 =	vld [tilespmem:s16+$0xCDE0]  }
0x151: {  	v8 =	vadd.f32 v10, v8;
	_ =	sdelay $0x1  }
0x152: {  	v8 =	vadd.f32 v11, v8;
	v10 =	vmul.f32 v12, v6;
	_ =	sdelay $0x1  }
0x153: {  	v8 =	vadd.f32 v10, v8;
	v10 =	vmul.f32 v13, v5;
	_ =	sdelay $0x1  }
0x154: {  	v8 =	vadd.f32 v10, v8;
	_ =	sdelay $0x1  }
0x155: {  	[tilespmem:s4+$0x0] =	vst v8  }
0x156: {  	v8 =	vld [tilespmem:s16+$0xD1B0]  }
0x157: {  	v10 =	vld [tilespmem:s16+$0xC9B0]  }
0x158: {  	v11 =	vld [tilespmem:s16+$0xC9F0]  }
0x159: {  	v12 =	vld [tilespmem:s16+$0xCDB0]  }
0x15a: {  	v13 =	vld [tilespmem:s16+$0xCDF0]  }
0x15b: {  	v8 =	vmul.f32 v8, v4  }
0x15c: {  	v7 =	vmul.f32 v10, v7  }
0x15d: {  	v9 =	vmul.f32 v11, v9  }
0x15e: {  	v7 =	vadd.f32 v7, v8;
	v6 =	vmul.f32 v12, v6;
	_ =	sdelay $0x1  }
0x15f: {  	v7 =	vadd.f32 v9, v7;
	_ =	sdelay $0x1  }
0x160: {  	v5 =	vmul.f32 v13, v5;
	v6 =	vadd.f32 v6, v7  }
.Ltmp4:
0x161: {  	(pc) =	sbr.rel @p1 .LBB2_6-.Ltmp4, $3  }
0x162: {  	v5 =	vadd.f32 v5, v6;
	_ =	sdelay $0x1  }
0x163: {  	[tilespmem:s4+$0x10] =	vst v5  }
0x164: {  	s0 =	sadd.s32 $0x1, s0;
	s4 =	sadd.s32 $0x80, s4;
	v5 =	vld [tilespmem:$0x18990]  }
0x165: {  	_ =	sdelay $0x3  }
0x166: {  	s26 =	sadd.s32 $0x1, s26;
	v4 =	vmul.f32 v5, v4  }
0x167: {  	p1 =	seq.s32 s26, $0x14  }
.Ltmp5:
0x168: {  	[tilespmem:s30+$0x20] =	vst v4;
	(pc) =	sbr.rel @!p1 .LBB2_5-.Ltmp5, $4  }
0x169: {  	[spmem:s2] =	stream.indirect.scatter.add.f32 [tilespmem:s22], [sflag:$0x2], $0x50, s20, s3, $0xb8;
	[tilespmem:$0x1DA00] =	vst v63  }
0x16a: {  	_ =	swait.ge [sflag:s18], $0x1400  }
0x16b: {  	[sflag:s18] =	ssyncset.done $0x0  }
0x16c: {  	[sflag:s18] =	ssyncadd.s32 $0xFFFFEC00  }
0x16d: {  	[bflag:$0x0] =	sbarrier.arrive $0xFFFF;
	s25 =	simm.s32 $0x0  }
0x16e: {  	s0 =	simm.s32 $0x0;
	s30 =	simm.s32 $0x0;
	s31 =	rddreg [dreg:$0x5]  }
.LBB2_9:
0x16f: {  	s1 =	sshll.u32 s0, $0x5  }
0x170: {  	s1 =	sadd.s32 s14, s1  }
0x171: {  	s4 =	sshll.u32 s1, $0x7  }
0x172: {  	s4 =	sand.u32 $0x3FFFFF80, s4  }
0x173: {  	s15 =	sshrl.u32 s1, $0x3;
	s4 =	sadd.s32 s4, s2  }
0x174: {  	[tilespmem:s17], [sflag:$0x2] =	stream.linear.gather [spmem:s4], $0x1000, $0x38;
	[tilespmem:$0x1DA00] =	vst v63  }
0x175: {  	s4 =	smul.u32 $0x180, s15;
	_ =	swait.ge [sflag:s18], $0x1000  }
0x176: {  	[sflag:s18] =	ssyncset.done $0x0  }
0x177: {  	s4 =	sadd.s32 s5, s4;
	[sflag:s18] =	ssyncadd.s32 $0xFFFFF000  }
0x178: {  	[tilespmem:s23], [sflag:$0x2] =	stream.linear.gather [hbm4b:s4+s25], $0x3000, $0x38;
	[tilespmem:$0x1DA00] =	vst v63  }
0x179: {  	_ =	swait.ge [sflag:s18], $0x3000  }
0x17a: {  	[sflag:s18] =	ssyncset.done $0x0  }
0x17b: {  	s15 =	simm.s32 $0x18A20;
	[sflag:s18] =	ssyncadd.s32 $0xFFFFD000  }
0x17c: {  	v4 =	vld [tilespmem:s15+$0x20];
	_ =	sdelay $0x4  }
0x17d: {  	v4 =	vmax.f32 v4, $1.000000000e+00  }
0x17e: {  	v4 =	vbroadcast v4, $0x0;
	_ =	sdelay $0x1  }
0x17f: {  	(erf) = vrcp.f32 v4  }
0x180: {  	s16 =	simm.s32 $0x0  }
0x181: {  	s4 =	smul.u32 $0x3000, s16;
	_ =	sdelay $0x1  }
0x182: {  	s16 =	sand.u32 $0x380, s25;
	s4 =	sshra.s32 s4, $0x2  }
0x183: {  	s4 =	sor.u32 s16, s4;
	v4 =	vld [tilespmem:s15+$0xFFFFFFE0]  }
0x184: {  	s16 =	sadd.s32 $0x1A200, s4  }
0x185: {  	v5 =	vld [tilespmem:s16+$0x40];
	_ =	sdelay $0x1  }
0x186: {  	v6 =	vpop (erf)  }
0x187: {  	v4 =	vmul.f32 v6, v4;
	_ =	sdelay $0x1  }
0x188: {  	v4 =	vadd.f32 v4, v5;
	_ =	sdelay $0x1  }
0x189: {  	s4 =	simm.s32 $0x1CA20;
	v4 =	vmax.f32 v4, $0.0e+00  }
0x18a: {  	[tilespmem:s4+$0xFFFFFFE0] =	vst v4  }
0x18b: {  	v4 =	vld [tilespmem:s15+$0xFFFFFFF0];
	_ =	sdelay $0x1  }
0x18c: {  	v5 =	vld [tilespmem:s16+$0x50];
	_ =	sdelay $0x2  }
0x18d: {  	v4 =	vmul.f32 v4, v6;
	_ =	sdelay $0x1  }
0x18e: {  	v4 =	vadd.f32 v5, v4;
	_ =	sdelay $0x1  }
0x18f: {  	v4 =	vmax.f32 v4, $0.0e+00  }
0x190: {  	[tilespmem:s4+$0xFFFFFFF0] =	vst v4  }
0x191: {  	v4 =	vld [tilespmem:s15+$0x0];
	_ =	sdelay $0x1  }
0x192: {  	v5 =	vld [tilespmem:s16+$0x60];
	_ =	sdelay $0x2  }
0x193: {  	v4 =	vmul.f32 v4, v6;
	_ =	sdelay $0x1  }
0x194: {  	v4 =	vadd.f32 v5, v4;
	_ =	sdelay $0x1  }
0x195: {  	v4 =	vmax.f32 v4, $0.0e+00  }
0x196: {  	[tilespmem:s4+$0x0] =	vst v4  }
0x197: {  	v4 =	vld [tilespmem:s15+$0x10];
	_ =	sdelay $0x1  }
0x198: {  	v5 =	vld [tilespmem:s16+$0x70];
	_ =	sdelay $0x2  }
0x199: {  	v4 =	vmul.f32 v4, v6;
	_ =	sdelay $0x1  }
0x19a: {  	s26 =	simm.s32 $0x0;
	v4 =	vadd.f32 v5, v4  }
0x19b: {  	s15 =	smul.u32 $0x3000, s26  }
0x19c: {  	s16 =	simm.s32 $0x80;
	v4 =	vmax.f32 v4, $0.0e+00  }
0x19d: {  	s26 =	simm.s32 $0x18AA0;
	s28 =	sand.u32 $0x380, s16;
	s15 =	sshra.s32 s15, $0x2;
	[tilespmem:s4+$0x10] =	vst v4  }
0x19e: {  	s29 =	sor.u32 s28, s15;
	s28 =	simm.s32 $0x2;
	v4 =	vld [tilespmem:s26+$0x20]  }
.LBB2_10:
0x19f: {  	p1 =	sne.s32 s28, $0x1F;
	v5 =	vld [tilespmem:s26+$0xFFFFFFE0];
	s29 =	sadd.s32 $0x1A200, s29  }
0x1a0: {  	v6 =	vld [tilespmem:s29+$0x40];
	_ =	sdelay $0x2  }
0x1a1: {  	v4 =	vmax.f32 v4, $1.000000000e+00  }
0x1a2: {  	v4 =	vbroadcast v4, $0x0;
	_ =	sdelay $0x1  }
0x1a3: {  	(erf) = vrcp.f32 v4;
	_ =	sdelay $0x8  }
0x1a4: {  	v4 =	vpop (erf)  }
0x1a5: {  	v5 =	vmul.f32 v4, v5;
	_ =	sdelay $0x1  }
0x1a6: {  	v5 =	vadd.f32 v5, v6;
	_ =	sdelay $0x1  }
0x1a7: {  	s4 =	sadd.s32 $0x80, s4;
	v5 =	vmax.f32 v5, $0.0e+00  }
0x1a8: {  	[tilespmem:s4+$0xFFFFFFE0] =	vst v5  }
0x1a9: {  	v5 =	vld [tilespmem:s26+$0xFFFFFFF0];
	_ =	sdelay $0x1  }
0x1aa: {  	v6 =	vld [tilespmem:s29+$0x50];
	_ =	sdelay $0x2  }
0x1ab: {  	v5 =	vmul.f32 v5, v4;
	_ =	sdelay $0x1  }
0x1ac: {  	v5 =	vadd.f32 v6, v5;
	_ =	sdelay $0x1  }
0x1ad: {  	v5 =	vmax.f32 v5, $0.0e+00  }
0x1ae: {  	[tilespmem:s4+$0xFFFFFFF0] =	vst v5  }
0x1af: {  	v5 =	vld [tilespmem:s26+$0x0];
	_ =	sdelay $0x1  }
0x1b0: {  	v6 =	vld [tilespmem:s29+$0x60];
	_ =	sdelay $0x2  }
0x1b1: {  	v5 =	vmul.f32 v5, v4;
	_ =	sdelay $0x1  }
0x1b2: {  	v5 =	vadd.f32 v6, v5;
	_ =	sdelay $0x1  }
0x1b3: {  	v5 =	vmax.f32 v5, $0.0e+00  }
0x1b4: {  	[tilespmem:s4+$0x0] =	vst v5  }
0x1b5: {  	v5 =	vld [tilespmem:s26+$0x10]  }
0x1b6: {  	v6 =	vld [tilespmem:s29+$0x70];
	_ =	sdelay $0x3  }
0x1b7: {  	v4 =	vmul.f32 v5, v4;
	_ =	sdelay $0x1  }
.Ltmp6:
0x1b8: {  	s15 =	sshrl.u32 s28, $0x3;
	v4 =	vadd.f32 v6, v4;
	(pc) =	sbr.rel @p1 .LBB2_10-.Ltmp6, $4  }
0x1b9: {  	s15 =	smul.u32 $0x3000, s15  }
0x1ba: {  	s16 =	sadd.s32 $0x80, s16;
	v4 =	vmax.f32 v4, $0.0e+00  }
0x1bb: {  	s15 =	sshra.s32 s15, $0x2;
	s26 =	sadd.s32 $0x80, s26;
	s29 =	sand.u32 $0x380, s16;
	[tilespmem:s4+$0x10] =	vst v4  }
0x1bc: {  	s28 =	sadd.s32 $0x1, s28;
	s29 =	sor.u32 s29, s15;
	v4 =	vld [tilespmem:s26+$0x20]  }
0x1bd: {  	_ =	sdelay $0x3  }
0x1be: {  	v4 =	vmax.f32 v4, $1.000000000e+00  }
0x1bf: {  	v4 =	vbroadcast v4, $0x0;
	_ =	sdelay $0x1  }
0x1c0: {  	(erf) = vrcp.f32 v4;
	_ =	sdelay $0x4  }
0x1c1: {  	v4 =	vld [tilespmem:s26+$0xFFFFFFE0]  }
0x1c2: {  	s15 =	sadd.s32 $0x1A200, s29  }
0x1c3: {  	v5 =	vld [tilespmem:s15+$0x40];
	_ =	sdelay $0x1  }
0x1c4: {  	v6 =	vpop (erf)  }
0x1c5: {  	v4 =	vmul.f32 v6, v4;
	_ =	sdelay $0x1  }
0x1c6: {  	v4 =	vadd.f32 v4, v5;
	_ =	sdelay $0x1  }
0x1c7: {  	s4 =	sadd.s32 $0x80, s4;
	v4 =	vmax.f32 v4, $0.0e+00  }
0x1c8: {  	[tilespmem:s4+$0xFFFFFFE0] =	vst v4  }
0x1c9: {  	v4 =	vld [tilespmem:s26+$0xFFFFFFF0];
	_ =	sdelay $0x1  }
0x1ca: {  	v5 =	vld [tilespmem:s15+$0x50];
	_ =	sdelay $0x2  }
0x1cb: {  	v4 =	vmul.f32 v4, v6;
	_ =	sdelay $0x1  }
0x1cc: {  	v4 =	vadd.f32 v5, v4;
	_ =	sdelay $0x1  }
0x1cd: {  	v4 =	vmax.f32 v4, $0.0e+00  }
0x1ce: {  	[tilespmem:s4+$0xFFFFFFF0] =	vst v4  }
0x1cf: {  	v4 =	vld [tilespmem:s26+$0x0];
	_ =	sdelay $0x1  }
0x1d0: {  	v5 =	vld [tilespmem:s15+$0x60];
	_ =	sdelay $0x2  }
0x1d1: {  	v4 =	vmul.f32 v4, v6;
	_ =	sdelay $0x1  }
0x1d2: {  	v4 =	vadd.f32 v5, v4;
	_ =	sdelay $0x1  }
0x1d3: {  	v4 =	vmax.f32 v4, $0.0e+00  }
0x1d4: {  	[tilespmem:s4+$0x0] =	vst v4  }
0x1d5: {  	v4 =	vld [tilespmem:s26+$0x10];
	_ =	sdelay $0x1  }
0x1d6: {  	v5 =	vld [tilespmem:s15+$0x70];
	_ =	sdelay $0x2  }
0x1d7: {  	v4 =	vmul.f32 v4, v6;
	_ =	sdelay $0x1  }
0x1d8: {  	v4 =	vadd.f32 v5, v4;
	_ =	sdelay $0x1  }
0x1d9: {  	s1 =	sshll.u32 s1, $0x4;
	s0 =	sadd.s32 $0x1, s0;
	v4 =	vmax.f32 v4, $0.0e+00  }
0x1da: {  	s1 =	sadd.s32 s10, s1;
	p1 =	sne.s32 s0, $0x14;
	[tilespmem:s4+$0x10] =	vst v4  }
0x1db: {  	[hbm4b:s1+s30] =	stream.linear.scatter [tilespmem:s24], [sflag:$0x2], $0x1000, $0x38;
	[tilespmem:$0x1DA00] =	vst v63  }
.Ltmp7:
0x1dc: {  	_ = 	snop;
	(pc) =	sbr.rel @p1 .LBB2_9-.Ltmp7, $4  }
.Ltmp8:
0x1dd: {  	_ = 	snop;
	(pc) =	sbr.rel @!p1 .LBB2_12-.Ltmp8, $4  }
0x1de: {  	_ =	swait.ge [sflag:s18], $0x1000  }
0x1df: {  	[sflag:s18] =	ssyncset.done $0x0  }
0x1e0: {  	[sflag:s18] =	ssyncadd.s32 $0xFFFFF000  }
0x1e1: {  	_ = 	snop  }
.LBB2_13:
0x1e2: {  	_ =	sfence.sel $0x180000  }
0x1e3: {  	[bflag:$0x0] =	sbarrier.arrive $0xFFFF  }
0x1e4: {  	_ =	strace $0x9000004A  }
0x1e5: {  	s0 =	stileid.u32;
	[bflag:$0x2] =	sbarrier.arrive $0xFFFF  }
0x1e6: {  	p0 =	sne.s32 s0, $0x0;
	s0 =	rddreg [dreg:$0x3]  }
0x1e7: {  	s0 =	sadd.s32 @!p0 $0x100000, s0  }
0x1e8: {  	[sflag:s0] =	ssyncadd.tile.s32 @!p0 $0x1;
	_ =	shalt  }
.Lfunc_end2:
_tile_overlayer_lowered:
.L_overlay_start_2:
0x1e9: {  	(tag) =	ssettag $0x2  }
0x1ea: {  	s0 =	rddreg [dreg:$0x0];
	s2 =	stileid.u32  }
0x1eb: {  	s1 =	rddreg [dreg:$0x1];
	p0 =	sne.s32 s2, $0x0  }
0x1ec: {  	s3 =	rddreg [dreg:$0x2];
	[bflag:$0x3] =	sbarrier.arrive $0xFFFF;
	s2 =	simm.s32 @!p0 $0x1C02  }
0x1ed: {  	[timem:s3], [sflag:s2] =	dma.local @!p0 [hbm:s0], s1  }
0x1ee: {  	s0 =	simm.s32 @!p0 $0x2  }
0x1ef: {  	_ =	swait.ge @!p0 [sflag:s0], s1  }
0x1f0: {  	s1 =	ssub.s32 @!p0 $0x0, s1;
	[sflag:s0] =	ssyncset.done @!p0 $0x0  }
0x1f1: {  	[sflag:s0] =	ssyncadd.s32 @!p0 s1  }
0x1f2: {  	[bflag:$0x3] =	sbarrier.arrive $0xFFFF  }
0x1f3: {  	_ =	shalt  }

</sc_bundles>
